<compile_context>
chip_gen: v7x
topology: tpu7x:2x2x1
jax: 0.10.2.dev20260603
libtpu: 0.0.44.dev20260713+nightly
codegen_flags: <defaults>
</compile_context>

<pallas_src>
import functools

import jax
import jax.numpy as jnp
from jax import lax
from jax.experimental import pallas as pl
from jax.experimental.pallas import tpu as pltpu
from jax.experimental.pallas import tpu_sc as plsc

NU = 100000
NI = 100000
E = 64
B = 16384
NR = 1000000
NC = 2
NS = 16
L = 16
NW = NC * NS

MBLK = 3136
MSZ = NW * MBLK
HALF = NS * MBLK
DUMP0 = 100000
CH = 2048
NFC = NR // CH
TAIL = NR - NFC * CH
G = 256
CAP = 8192
SLOTS = B // NC
HR = 8320
DUMP_ROW = SLOTS
ZROW = SLOTS + 8
ZR = HR // NS


def _build_map(u):
    mesh = plsc.VectorSubcoreMesh(core_axis_name="c", subcore_axis_name="s")

    @functools.partial(
        pl.kernel,
        out_type=jax.ShapeDtypeStruct((MSZ,), jnp.int32),
        mesh=mesh,
        compiler_params=pltpu.CompilerParams(
            needs_layout_passes=False, use_tc_tiling_on_sc=False),
        scratch_types=[
            pltpu.VMEM((MBLK,), jnp.int32),
            pltpu.VMEM((1024,), jnp.int32),
            pltpu.VMEM((1024,), jnp.int32),
            pltpu.VMEM((1024,), jnp.int32),
            pltpu.VMEM_SHARED((MSZ,), jnp.int32),
        ],
    )
    def k(u_h, m_h, neg, ut, tgt, val, m_sp):
        c = lax.axis_index("c")
        s = lax.axis_index("s")
        neg16 = jnp.full((L,), -1, jnp.int32)

        def fill(i, carry):
            neg[pl.ds(i * L, L)] = neg16
            return carry

        lax.fori_loop(0, MBLK // L, fill, 0)
        blk = c * HALF + s * MBLK
        pltpu.sync_copy(neg, m_sp.at[pl.ds(blk, MBLK)])
        plsc.subcore_barrier()

        pltpu.sync_copy(u_h.at[pl.ds(s * 1024, 1024)], ut)
        lo = c * HALF
        hi = lo + HALF
        dump = jnp.zeros((L,), jnp.int32) + (DUMP0 + c * 8)

        def grp(j, carry):
            uu = ut[pl.ds(j * L, L)]
            bidx = lax.iota(jnp.int32, L) + (s * 1024 + j * L)
            inh = jnp.logical_and(uu >= lo, uu < hi)
            tgt[pl.ds(j * L, L)] = jnp.where(inh, uu, dump)
            val[pl.ds(j * L, L)] = bidx
            return carry

        lax.fori_loop(0, 1024 // L, grp, 0)
        pltpu.sync_copy(val, m_sp.at[tgt])
        plsc.subcore_barrier()
        pltpu.sync_copy(m_sp.at[pl.ds(blk, MBLK)], m_h.at[pl.ds(blk, MBLK)])

    return k(u)


def _sc_main(ridx, m, u, v, user_emb, item_emb, ubias, ibias, impl):
    mesh = plsc.VectorSubcoreMesh(core_axis_name="c", subcore_axis_name="s")
    out_type = (
        jax.ShapeDtypeStruct((B,), jnp.float32),
        jax.ShapeDtypeStruct((B,), jnp.float32),
        jax.ShapeDtypeStruct((B,), jnp.float32),
        jax.ShapeDtypeStruct((B,), jnp.float32),
        jax.ShapeDtypeStruct((B,), jnp.float32),
        jax.ShapeDtypeStruct((B,), jnp.float32),
        jax.ShapeDtypeStruct((B,), jnp.float32),
    )

    @functools.partial(
        pl.kernel,
        out_type=out_type,
        mesh=mesh,
        compiler_params=pltpu.CompilerParams(
            needs_layout_passes=False, use_tc_tiling_on_sc=False),
        scratch_types=[
            pltpu.VMEM((CH,), jnp.int32),
            pltpu.VMEM((CH,), jnp.int32),
            pltpu.VMEM((CH,), jnp.int32),
            pltpu.VMEM((CAP,), jnp.int32),
            pltpu.VMEM((CAP,), jnp.int32),
            pltpu.VMEM((G, E), jnp.float32),
            pltpu.VMEM((G, E), jnp.float32),
            pltpu.VMEM((G, E), jnp.float32),
            pltpu.VMEM((G,), jnp.float32),
            pltpu.VMEM((ZR + 8,), jnp.float32),
            pltpu.VMEM((1024,), jnp.int32),
            pltpu.VMEM((1024,), jnp.int32),
            pltpu.VMEM((1024,), jnp.float32),
            pltpu.VMEM((1024,), jnp.int32),
            pltpu.VMEM((1024,), jnp.int32),
            pltpu.VMEM((1024,), jnp.float32),
            pltpu.VMEM((1024,), jnp.float32),
            pltpu.VMEM((1024,), jnp.float32),
            pltpu.VMEM_SHARED((HR, E), jnp.float32),
            pltpu.VMEM_SHARED((HR,), jnp.float32),
            pltpu.VMEM_SHARED((MSZ,), jnp.int32),
            pltpu.SemaphoreType.DMA,
        ],
    )
    def k(ridx_h, m_h, u_h, v_h, ue_h, ie_h, ub_h, ib_h, im_h,
          diu_h, dii0_h, dii1_h, bu_h, bi_h, gc0_h, gc1_h,
          ru_t, ri_t, mu_t, ric, muc, rows, rows2, rows3, ones_g, zbuf,
          ub_t, vb_t, bias_t, sv_t, svr_t, cg_t, dii_t, diu_t,
          acc, cnt, m_sh, sem):
        c = lax.axis_index("c")
        s = lax.axis_index("s")
        wid = c * NS + s
        z16 = jnp.zeros((L,), jnp.float32)
        one16 = jnp.full((L,), 1.0, jnp.float32)
        lane = lax.iota(jnp.int32, L)

        def fz(i, carry):
            zbuf[pl.ds(i * L, L)] = z16
            return carry

        lax.fori_loop(0, (ZR + 8) // L, fz, 0)

        def fo(i, carry):
            ones_g[pl.ds(i * L, L)] = one16
            return carry

        lax.fori_loop(0, G // L, fo, 0)

        def frow(q, carry):
            rows[q // 4, pl.ds((q % 4) * L, L)] = z16
            return carry

        lax.fori_loop(0, G * 4, frow, 0)

        rb = s * ZR
        for t in range(ZR // G):
            pltpu.sync_copy(rows, acc.at[pl.ds(rb + t * G, G)])
        pltpu.sync_copy(rows.at[pl.ds(0, ZR % G)],
                        acc.at[pl.ds(rb + (ZR // G) * G, ZR % G)])
        pltpu.sync_copy(zbuf.at[pl.ds(0, ZR)], cnt.at[pl.ds(rb, ZR)])
        mb = s * (MSZ // NS)
        pltpu.sync_copy(m_h.at[pl.ds(mb, MSZ // NS)], m_sh.at[pl.ds(mb, MSZ // NS)])
        plsc.subcore_barrier()

        slot_lo = c * SLOTS
        capm = jnp.full((L,), CAP - 1, jnp.int32)

        def drain_batch(di):
            dpos = jnp.bitwise_and(di, (CAP // G) - 1) * G
            pltpu.async_copy(im_h.at[ric.at[pl.ds(dpos, G)]], rows, sem).wait()
            pltpu.sync_copy(rows, acc.at[muc.at[pl.ds(dpos, G)]], add=True)
            pltpu.sync_copy(ones_g, cnt.at[muc.at[pl.ds(dpos, G)]], add=True)
            return di + 1

        def grp(j, kv2):
            mu16 = mu_t[pl.ds(j * L, L)]
            ri16 = ri_t[pl.ds(j * L, L)]
            rel = mu16 - slot_lo
            msk = jnp.logical_and(rel >= 0, rel < SLOTS)
            mi = msk.astype(jnp.int32)
            pos = jnp.bitwise_and(kv2 + plsc.cumsum(mi) - 1, capm)
            plsc.store_scatter(muc, [pos], rel, mask=msk)
            plsc.store_scatter(ric, [pos], ri16, mask=msk)
            return kv2 + plsc.all_reduce_population_count(msk)

        def chunk(ci, carry):
            kv, di = carry
            gid = ci * NS + s

            def full_chunk(kvdi):
                kv3, di3 = kvdi
                off = gid * CH
                pltpu.sync_copy(ridx_h.at[0, pl.ds(off, CH)], ru_t)
                pltpu.sync_copy(ridx_h.at[1, pl.ds(off, CH)], ri_t)
                pltpu.async_copy(m_sh.at[ru_t], mu_t, sem).wait()
                kv3 = lax.fori_loop(0, CH // L, grp, kv3)

                def have_full_batch(di2):
                    return jnp.any(kv3 - di2 * G >= G)

                return kv3, lax.while_loop(have_full_batch, drain_batch, di3)

            def tail_or_skip(kvdi):
                def tail_chunk(kvdi2):
                    kv3, di3 = kvdi2
                    pltpu.sync_copy(ridx_h.at[0, pl.ds(NFC * CH, TAIL)],
                                    ru_t.at[pl.ds(0, TAIL)])
                    pltpu.sync_copy(ridx_h.at[1, pl.ds(NFC * CH, TAIL)],
                                    ri_t.at[pl.ds(0, TAIL)])
                    pltpu.async_copy(m_sh.at[ru_t.at[pl.ds(0, TAIL)]],
                                     mu_t.at[pl.ds(0, TAIL)], sem).wait()
                    return lax.fori_loop(0, TAIL // L, grp, kv3), di3

                return lax.cond(gid == NFC, tail_chunk, lambda x: x, kvdi)

            return lax.cond(gid < NFC, full_chunk, tail_or_skip, (kv, di))

        kvec, d_i = lax.fori_loop(0, (NFC + NS) // NS, chunk,
                                  (jnp.zeros((L,), jnp.int32), jnp.int32(0)))

        dmp16 = jnp.full((L,), DUMP_ROW, jnp.int32)
        zi16 = jnp.zeros((L,), jnp.int32)

        def pad(j, carry):
            ppos = jnp.bitwise_and(kvec + lane + j * L, capm)
            plsc.store_scatter(muc, [ppos], dmp16)
            plsc.store_scatter(ric, [ppos], zi16)
            return carry

        lax.fori_loop(0, G // L, pad, 0)

        def d_cond(di2):
            return jnp.any(kvec > di2 * G)

        lax.while_loop(d_cond, drain_batch, d_i)

        plsc.subcore_barrier()
        sb = s * 1024
        pltpu.sync_copy(u_h.at[pl.ds(sb, 1024)], ub_t)
        pltpu.sync_copy(v_h.at[pl.ds(sb, 1024)], vb_t)
        pltpu.async_copy(m_sh.at[ub_t], sv_t, sem).wait()
        zrow16 = jnp.zeros((L,), jnp.int32) + ZROW

        def selg(j, carry):
            sv16 = sv_t[pl.ds(j * L, L)]
            rel = sv16 - slot_lo
            own = jnp.logical_and(rel >= 0, rel < SLOTS)
            svr_t[pl.ds(j * L, L)] = jnp.where(own, rel, zrow16)
            return carry

        lax.fori_loop(0, 1024 // L, selg, 0)
        lane15 = lane == (L - 1)

        def make_dot(dst, left, right, base_r):
            def dot_row(r, carry):
                prod = left[r, pl.ds(0, L)] * right[r, pl.ds(0, L)]
                for q in range(1, E // L):
                    prod = prod + left[r, pl.ds(q * L, L)] * right[r, pl.ds(q * L, L)]
                cs = plsc.cumsum(prod)
                plsc.store_scatter(dst, [jnp.zeros((L,), jnp.int32) + (base_r + r)],
                                   cs, mask=lane15)
                return carry
            return dot_row

        for t in range(1024 // G):
            pltpu.async_copy(ie_h.at[vb_t.at[pl.ds(t * G, G)]], rows2, sem).wait()
            pltpu.async_copy(acc.at[svr_t.at[pl.ds(t * G, G)]], rows, sem).wait()
            lax.fori_loop(0, G, make_dot(dii_t, rows2, rows, t * G), 0)

            @pl.when(c == 0)
            def _():
                pltpu.async_copy(ue_h.at[ub_t.at[pl.ds(t * G, G)]], rows3, sem).wait()
                lax.fori_loop(0, G, make_dot(diu_t, rows2, rows3, t * G), 0)

        pltpu.async_copy(cnt.at[svr_t], cg_t, sem).wait()

        @pl.when(c == 0)
        def _():
            pltpu.sync_copy(dii_t, dii0_h.at[pl.ds(sb, 1024)])
            pltpu.sync_copy(diu_t, diu_h.at[pl.ds(sb, 1024)])
            pltpu.sync_copy(cg_t, gc0_h.at[pl.ds(sb, 1024)])
            pltpu.async_copy(ub_h.at[ub_t], bias_t, sem).wait()
            pltpu.sync_copy(bias_t, bu_h.at[pl.ds(sb, 1024)])

        @pl.when(c == 1)
        def _():
            pltpu.sync_copy(dii_t, dii1_h.at[pl.ds(sb, 1024)])
            pltpu.sync_copy(cg_t, gc1_h.at[pl.ds(sb, 1024)])
            pltpu.async_copy(ib_h.at[vb_t], bias_t, sem).wait()
            pltpu.sync_copy(bias_t, bi_h.at[pl.ds(sb, 1024)])

    return k(ridx, m, u, v, user_emb, item_emb, ubias, ibias, impl)


def _tc_combine(diu, dii0, dii1, bu, bi, gc0, gc1, mean):
    W = 128

    def body(mean_r, a_r, b_r, c_r, d_r, e_r, f_r, g_r, o_r):
        cu = f_r[...] + g_r[...]
        n1 = jnp.where(cu > 0, lax.rsqrt(cu), 0.0)
        o_r[...] = (a_r[...] + n1 * (b_r[...] + c_r[...])
                    + d_r[...] + e_r[...] + mean_r[0, 0])

    out = pl.pallas_call(
        body,
        in_specs=[pl.BlockSpec(memory_space=pltpu.SMEM)]
        + [pl.BlockSpec((W, W), lambda: (0, 0))] * 7,
        out_specs=pl.BlockSpec((W, W), lambda: (0, 0)),
        out_shape=jax.ShapeDtypeStruct((W, W), jnp.float32),
    )(mean.reshape(1, 1), diu.reshape(W, W), dii0.reshape(W, W),
      dii1.reshape(W, W), bu.reshape(W, W), bi.reshape(W, W),
      gc0.reshape(W, W), gc1.reshape(W, W))
    return out.reshape(B)


def kernel(u, v, user_emb, user_emb_bias, item_emb, item_emb_bias,
           item_implicit_emb, ratingidx, mean):
    u = u.astype(jnp.int32)
    v = v.astype(jnp.int32)
    ridx = ratingidx.astype(jnp.int32)
    m = _build_map(u)
    ubias = user_emb_bias.reshape(NU)
    ibias = item_emb_bias.reshape(NI)
    diu, dii0, dii1, bu, bi, gc0, gc1 = _sc_main(
        ridx, m, u, v, user_emb, item_emb, ubias, ibias,
        item_implicit_emb)
    return _tc_combine(diu, dii0, dii1, bu, bi, gc0, gc1, mean)

# --- scband reference (transcript-rebuilt; emitter-appended) ---
"""Pipeline reference for scband-svd-pp-86500641342004 (READ-ONLY COPY).

The authoritative reference and input builder live on the scoring server;
editing this copy changes nothing except your own understanding.
"""

import jax, jax.numpy as jnp
import numpy as np

NUM_USERS = 100000
NUM_ITEMS = 100000
EMB = 64
BATCH = 16384
N_RATINGS = 1000000
MEAN = 3.5

def setup_inputs(seed: int = 0) -> dict:
    key = jax.random.key(seed)
    ks = jax.random.split(key, 9)
    u = jax.random.randint(ks[0], (BATCH,), 0, NUM_USERS)
    v = jax.random.randint(ks[1], (BATCH,), 0, NUM_ITEMS)
    user_emb = jax.random.uniform(ks[2], (NUM_USERS, EMB), minval=0.0, maxval=0.005, dtype=jnp.float32)
    user_emb_bias = jax.random.uniform(ks[3], (NUM_USERS, 1), minval=-0.01, maxval=0.01, dtype=jnp.float32)
    item_emb = jax.random.uniform(ks[4], (NUM_ITEMS, EMB), minval=0.0, maxval=0.005, dtype=jnp.float32)
    item_emb_bias = jax.random.uniform(ks[5], (NUM_ITEMS, 1), minval=-0.01, maxval=0.01, dtype=jnp.float32)
    item_implicit_emb = jax.random.uniform(ks[6], (NUM_ITEMS, EMB), minval=-0.01, maxval=0.01, dtype=jnp.float32)
    rating_users = jax.random.randint(ks[7], (N_RATINGS,), 0, NUM_USERS)
    rating_items = jax.random.randint(ks[8], (N_RATINGS,), 0, NUM_ITEMS)
    ratingidx = jnp.stack([rating_users, rating_items], axis=0)  # [2, N_RATINGS], row 0 = user ids, row 1 = item ids
    mean = jnp.array([MEAN], dtype=jnp.float32)
    return {"u": u, "v": v, "user_emb": user_emb, "user_emb_bias": user_emb_bias,
            "item_emb": item_emb, "item_emb_bias": item_emb_bias,
            "item_implicit_emb": item_implicit_emb, "ratingidx": ratingidx, "mean": mean}

def reference(u, v, user_emb, user_emb_bias, item_emb, item_emb_bias, item_implicit_emb, ratingidx, mean):
    # SVD++ forward. The per-batch-user python loop in the torch code computes, for each user:
    #   count_u = #ratings by user, implicit_sum_u = sum of item_implicit_emb over the items that user rated,
    #   implicit_u = count_u**-0.5 * implicit_sum_u  (0 if count_u == 0).
    # Equivalent vectorized form: per-user segment_sum over the full rating list, then gather by u.
    U = user_emb[u]                              # [B, EMB] gather
    b_u = jnp.squeeze(user_emb_bias[u], axis=-1) # [B]
    I = item_emb[v]                              # [B, EMB] gather
    b_i = jnp.squeeze(item_emb_bias[v], axis=-1) # [B]
    rusers = ratingidx[0]
    ritems = ratingidx[1]
    counts = jnp.bincount(rusers, length=NUM_USERS)                                  # [NUM_USERS]
    gathered = jnp.take(item_implicit_emb, ritems, axis=0)                           # [N_RATINGS, EMB] gather
    agg = jax.ops.segment_sum(gathered, rusers, num_segments=NUM_USERS)              # [NUM_USERS, EMB] scatter-add
    cu = counts[u].astype(jnp.float32)                                               # [B]
    n1 = jnp.where(cu > 0, cu ** (-0.5), 0.0)                                        # [B]
    implicit = n1[:, None] * agg[u]                                                  # [B, EMB]
    return (I * (U + implicit)).sum(axis=1) + b_u + b_i + mean                       # [B]

if __name__ == "__main__":
    import jax
    _d = setup_inputs()
    print(jax.jit(kernel)(*tuple(_d.values())))

</pallas_src>

<mosaic_0001>
#map = affine_map<(d0, d1) -> (0)>
module attributes {stable_mosaic.version = 14 : i64} {
  func.func @k(%arg0: i32, %arg1: i32, %arg2: memref<16384xi32, #tpu.memory_space<hbm>>, %arg3: memref<100352xi32, #tpu.memory_space<hbm>>, %arg4: memref<3136xi32, #tpu.memory_space<vmem>>, %arg5: memref<1024xi32, #tpu.memory_space<vmem>>, %arg6: memref<1024xi32, #tpu.memory_space<vmem>>, %arg7: memref<1024xi32, #tpu.memory_space<vmem>>, %arg8: memref<100352xi32, #tpu.memory_space<vmem_shared>>) attributes {dimension_semantics = [#tpu.dimension_semantics<core_parallel>, #tpu.dimension_semantics<subcore_parallel>], iteration_bounds = array<i64: 2, 16>, scalar_prefetch = 0 : i64, scratch_operands = 5 : i64, tpu.core_type = #tpu.core_type<sc_vector_subcore>, window_params = [{transform_indices = #map}, {transform_indices = #map}]} {
    %broadcast_in_dim3A = arith.constant -1 : i32
    %broadcast_in_dim3A_0 = vector.broadcast %broadcast_in_dim3A : i32 to vector<16xi32>
    %scan3A = arith.constant 0 : i32
    %scan3A_1 = arith.constant 0 : i32
    %scan3A_2 = arith.constant 196 : i32
    %scan3A_3 = arith.addi %scan3A_1, %scan3A_2 : i32
    %scan3A_4 = arith.constant 1 : i32
    scf.for %scan3A_30 = %scan3A_1 to %scan3A_3 step %scan3A_4  : i32 {
      %mul3A_31 = arith.constant 16 : i32
      %mul3A_32 = arith.muli %scan3A_30, %mul3A_31 : i32
      %swap3A = arith.index_cast %mul3A_32 : i32 to index
      %swap3A_33 = tpu.vector_load %arg4[%swap3A] {strides = array<i32>} : memref<3136xi32, #tpu.memory_space<vmem>>, vector<16xi32>,
      tpu.vector_store %arg4[%swap3A], %broadcast_in_dim3A_0 {strides = array<i32>} : memref<3136xi32, #tpu.memory_space<vmem>>, vector<16xi32>,
    }
    %scan3A_5 = arith.constant 196 : i32
    %mul3A = arith.constant 50176 : i32
    %mul3A_6 = arith.muli %arg0, %mul3A : i32
    %mul3A_7 = arith.constant 3136 : i32
    %mul3A_8 = arith.muli %arg1, %mul3A_7 : i32
    %add3A = arith.addi %mul3A_6, %mul3A_8 : i32
    "tpu.region"() ({
      %run_scoped3A = tpu.sem_alloc : memref<!tpu.dma_semaphore, #tpu.memory_space<semaphore_mem>>
      %dma_start3A = tpu.memref_slice %arg8[%add3A] : memref<100352xi32, #tpu.memory_space<vmem_shared>> -> memref<3136xi32, #tpu.memory_space<vmem_shared>>
      %dma_start3A_30 = tpu.memref_slice %arg8[%add3A] : memref<100352xi32, #tpu.memory_space<vmem_shared>> -> memref<3136xi32, #tpu.memory_space<vmem_shared>>
      tpu.enqueue_dma source(%arg4 : memref<3136xi32, #tpu.memory_space<vmem>>) target(%dma_start3A_30 : memref<3136xi32, #tpu.memory_space<vmem_shared>>) target_semaphore(%run_scoped3A : memref<!tpu.dma_semaphore, #tpu.memory_space<semaphore_mem>>)
      %dma_wait3A = tpu.memref_slice %arg8[%add3A] : memref<100352xi32, #tpu.memory_space<vmem_shared>> -> memref<3136xi32, #tpu.memory_space<vmem_shared>>
      %dma_wait3A_31 = tpu.memref_slice %arg8[%add3A] : memref<100352xi32, #tpu.memory_space<vmem_shared>> -> memref<3136xi32, #tpu.memory_space<vmem_shared>>
      tpu.wait_dma2 semaphore(%run_scoped3A : memref<!tpu.dma_semaphore, #tpu.memory_space<semaphore_mem>>) src(%arg4 : memref<3136xi32, #tpu.memory_space<vmem>>) dst(%dma_wait3A_31 : memref<3136xi32, #tpu.memory_space<vmem_shared>>)
      tpu.yield
    }) : () -> ()
    %barrier3A = arith.constant 0 : index
    tpu.barrier barrier_id(%barrier3A)
    %mul3A_9 = arith.constant 1024 : i32
    %mul3A_10 = arith.muli %arg1, %mul3A_9 : i32
    "tpu.region"() ({
      %run_scoped3A = tpu.sem_alloc : memref<!tpu.dma_semaphore, #tpu.memory_space<semaphore_mem>>
      %dma_start3A = tpu.memref_slice %arg2[%mul3A_10] : memref<16384xi32, #tpu.memory_space<hbm>> -> memref<1024xi32, #tpu.memory_space<hbm>>
      %dma_start3A_30 = tpu.memref_slice %arg2[%mul3A_10] : memref<16384xi32, #tpu.memory_space<hbm>> -> memref<1024xi32, #tpu.memory_space<hbm>>
      tpu.enqueue_dma source(%dma_start3A_30 : memref<1024xi32, #tpu.memory_space<hbm>>) target(%arg5 : memref<1024xi32, #tpu.memory_space<vmem>>) target_semaphore(%run_scoped3A : memref<!tpu.dma_semaphore, #tpu.memory_space<semaphore_mem>>)
      %dma_wait3A = tpu.memref_slice %arg2[%mul3A_10] : memref<16384xi32, #tpu.memory_space<hbm>> -> memref<1024xi32, #tpu.memory_space<hbm>>
      %dma_wait3A_31 = tpu.memref_slice %arg2[%mul3A_10] : memref<16384xi32, #tpu.memory_space<hbm>> -> memref<1024xi32, #tpu.memory_space<hbm>>
      tpu.wait_dma2 semaphore(%run_scoped3A : memref<!tpu.dma_semaphore, #tpu.memory_space<semaphore_mem>>) src(%dma_wait3A_31 : memref<1024xi32, #tpu.memory_space<hbm>>) dst(%arg5 : memref<1024xi32, #tpu.memory_space<vmem>>)
      tpu.yield
    }) : () -> ()
    %mul3A_11 = arith.constant 50176 : i32
    %mul3A_12 = arith.muli %arg0, %mul3A_11 : i32
    %add3A_13 = arith.constant 50176 : i32
    %add3A_14 = arith.addi %mul3A_12, %add3A_13 : i32
    %broadcast_in_dim3A_15 = arith.constant 0 : i32
    %broadcast_in_dim3A_16 = vector.broadcast %broadcast_in_dim3A_15 : i32 to vector<16xi32>
    %mul3A_17 = arith.constant 8 : i32
    %mul3A_18 = arith.muli %arg0, %mul3A_17 : i32
    %add3A_19 = arith.constant 100000 : i32
    %add3A_20 = arith.addi %add3A_19, %mul3A_18 : i32
    %add3A_21 = vector.broadcast %add3A_20 : i32 to vector<16xi32>
    %add3A_22 = arith.addi %broadcast_in_dim3A_16, %add3A_21 : vector<16xi32>
    %scan3A_23 = arith.constant 0 : i32
    %scan3A_24 = arith.constant 0 : i32
    %scan3A_25 = arith.constant 64 : i32
    %scan3A_26 = arith.addi %scan3A_24, %scan3A_25 : i32
    %scan3A_27 = arith.constant 1 : i32
    scf.for %scan3A_30 = %scan3A_24 to %scan3A_26 step %scan3A_27  : i32 {
      %mul3A_31 = arith.constant 16 : i32
      %mul3A_32 = arith.muli %scan3A_30, %mul3A_31 : i32
      %get3A = arith.index_cast %mul3A_32 : i32 to index
      %get3A_33 = tpu.vector_load %arg5[%get3A] {strides = array<i32>} : memref<1024xi32, #tpu.memory_space<vmem>>, vector<16xi32>,
      %iota3A = tpu.iota {dimensions = array<i32: 0>} : vector<16xi32>
      %mul3A_34 = arith.constant 1024 : i32
      %mul3A_35 = arith.muli %arg1, %mul3A_34 : i32
      %mul3A_36 = arith.constant 16 : i32
      %mul3A_37 = arith.muli %scan3A_30, %mul3A_36 : i32
      %add3A_38 = arith.addi %mul3A_35, %mul3A_37 : i32
      %add3A_39 = vector.broadcast %add3A_38 : i32 to vector<16xi32>
      %add3A_40 = arith.addi %iota3A, %add3A_39 : vector<16xi32>
      %ge3A = vector.broadcast %mul3A_12 : i32 to vector<16xi32>
      %ge3A_41 = arith.cmpi sge, %get3A_33, %ge3A : vector<16xi32>
      %lt3A = vector.broadcast %add3A_14 : i32 to vector<16xi32>
      %lt3A_42 = arith.cmpi slt, %get3A_33, %lt3A : vector<16xi32>
      %and3A = arith.andi %ge3A_41, %lt3A_42 : vector<16xi1>
      %select_n3A = arith.select %and3A, %get3A_33, %add3A_22 : vector<16xi1>, vector<16xi32>
      %mul3A_43 = arith.constant 16 : i32
      %mul3A_44 = arith.muli %scan3A_30, %mul3A_43 : i32
      %swap3A = arith.index_cast %mul3A_44 : i32 to index
      %swap3A_45 = tpu.vector_load %arg6[%swap3A] {strides = array<i32>} : memref<1024xi32, #tpu.memory_space<vmem>>, vector<16xi32>,
      tpu.vector_store %arg6[%swap3A], %select_n3A {strides = array<i32>} : memref<1024xi32, #tpu.memory_space<vmem>>, vector<16xi32>,
      %mul3A_46 = arith.constant 16 : i32
      %mul3A_47 = arith.muli %scan3A_30, %mul3A_46 : i32
      %swap3A_48 = arith.index_cast %mul3A_47 : i32 to index
      %swap3A_49 = tpu.vector_load %arg7[%swap3A_48] {strides = array<i32>} : memref<1024xi32, #tpu.memory_space<vmem>>, vector<16xi32>,
      tpu.vector_store %arg7[%swap3A_48], %add3A_40 {strides = array<i32>} : memref<1024xi32, #tpu.memory_space<vmem>>, vector<16xi32>,
    }
    %scan3A_28 = arith.constant 64 : i32
    "tpu.region"() ({
      %run_scoped3A = tpu.sem_alloc : memref<!tpu.dma_semaphore, #tpu.memory_space<semaphore_mem>>
      %dma_start3A = arith.constant 0 : i32
      %dma_start3A_30 = tpu.memref_slice %arg8[%dma_start3A] : memref<100352xi32, #tpu.memory_space<vmem_shared>> -> memref<100352xi32, #tpu.memory_space<vmem_shared>>
      tpu.enqueue_indirect_dma source(%arg7 : memref<1024xi32, #tpu.memory_space<vmem>>) target(%dma_start3A_30 : memref<100352xi32, #tpu.memory_space<vmem_shared>>) offsets(%arg6 : memref<1024xi32, #tpu.memory_space<vmem>>) semaphore(%run_scoped3A : memref<!tpu.dma_semaphore, #tpu.memory_space<semaphore_mem>>)
      %dma_wait3A = arith.constant 0 : i32
      %dma_wait3A_31 = tpu.memref_slice %arg8[%dma_wait3A] : memref<100352xi32, #tpu.memory_space<vmem_shared>> -> memref<100352xi32, #tpu.memory_space<vmem_shared>>
      tpu.wait_indirect_dma semaphore(%run_scoped3A : memref<!tpu.dma_semaphore, #tpu.memory_space<semaphore_mem>>) src(%arg7 : memref<1024xi32, #tpu.memory_space<vmem>>) dst(%dma_wait3A_31 : memref<100352xi32, #tpu.memory_space<vmem_shared>>)
      tpu.yield
    }) : () -> ()
    %barrier3A_29 = arith.constant 0 : index
    tpu.barrier barrier_id(%barrier3A_29)
    "tpu.region"() ({
      %run_scoped3A = tpu.sem_alloc : memref<!tpu.dma_semaphore, #tpu.memory_space<semaphore_mem>>
      %dma_start3A = tpu.memref_slice %arg3[%add3A] : memref<100352xi32, #tpu.memory_space<hbm>> -> memref<3136xi32, #tpu.memory_space<hbm>>
      %dma_start3A_30 = tpu.memref_slice %arg8[%add3A] : memref<100352xi32, #tpu.memory_space<vmem_shared>> -> memref<3136xi32, #tpu.memory_space<vmem_shared>>
      tpu.enqueue_dma source(%dma_start3A_30 : memref<3136xi32, #tpu.memory_space<vmem_shared>>) target(%dma_start3A : memref<3136xi32, #tpu.memory_space<hbm>>) target_semaphore(%run_scoped3A : memref<!tpu.dma_semaphore, #tpu.memory_space<semaphore_mem>>)
      %dma_wait3A = tpu.memref_slice %arg3[%add3A] : memref<100352xi32, #tpu.memory_space<hbm>> -> memref<3136xi32, #tpu.memory_space<hbm>>
      %dma_wait3A_31 = tpu.memref_slice %arg8[%add3A] : memref<100352xi32, #tpu.memory_space<vmem_shared>> -> memref<3136xi32, #tpu.memory_space<vmem_shared>>
      tpu.wait_dma2 semaphore(%run_scoped3A : memref<!tpu.dma_semaphore, #tpu.memory_space<semaphore_mem>>) src(%dma_wait3A_31 : memref<3136xi32, #tpu.memory_space<vmem_shared>>) dst(%dma_wait3A : memref<3136xi32, #tpu.memory_space<hbm>>)
      tpu.yield
    }) : () -> ()
    return
  }
}

#map = affine_map<(d0, d1) -> (0, 0)>
#map1 = affine_map<(d0, d1) -> (0)>
module attributes {stable_mosaic.version = 14 : i64} {
  func.func @k(%arg0: i32, %arg1: i32, %arg2: memref<2x1000000xi32, #tpu.memory_space<hbm>>, %arg3: memref<100352xi32, #tpu.memory_space<hbm>>, %arg4: memref<16384xi32, #tpu.memory_space<hbm>>, %arg5: memref<16384xi32, #tpu.memory_space<hbm>>, %arg6: memref<100000x64xf32, #tpu.memory_space<hbm>>, %arg7: memref<100000x64xf32, #tpu.memory_space<hbm>>, %arg8: memref<100000xf32, #tpu.memory_space<hbm>>, %arg9: memref<100000xf32, #tpu.memory_space<hbm>>, %arg10: memref<100000x64xf32, #tpu.memory_space<hbm>>, %arg11: memref<16384xf32, #tpu.memory_space<hbm>>, %arg12: memref<16384xf32, #tpu.memory_space<hbm>>, %arg13: memref<16384xf32, #tpu.memory_space<hbm>>, %arg14: memref<16384xf32, #tpu.memory_space<hbm>>, %arg15: memref<16384xf32, #tpu.memory_space<hbm>>, %arg16: memref<16384xf32, #tpu.memory_space<hbm>>, %arg17: memref<16384xf32, #tpu.memory_space<hbm>>, %arg18: memref<2048xi32, #tpu.memory_space<vmem>>, %arg19: memref<2048xi32, #tpu.memory_space<vmem>>, %arg20: memref<2048xi32, #tpu.memory_space<vmem>>, %arg21: memref<8192xi32, #tpu.memory_space<vmem>>, %arg22: memref<8192xi32, #tpu.memory_space<vmem>>, %arg23: memref<256x64xf32, #tpu.memory_space<vmem>>, %arg24: memref<256x64xf32, #tpu.memory_space<vmem>>, %arg25: memref<256x64xf32, #tpu.memory_space<vmem>>, %arg26: memref<256xf32, #tpu.memory_space<vmem>>, %arg27: memref<528xf32, #tpu.memory_space<vmem>>, %arg28: memref<1024xi32, #tpu.memory_space<vmem>>, %arg29: memref<1024xi32, #tpu.memory_space<vmem>>, %arg30: memref<1024xf32, #tpu.memory_space<vmem>>, %arg31: memref<1024xi32, #tpu.memory_space<vmem>>, %arg32: memref<1024xi32, #tpu.memory_space<vmem>>, %arg33: memref<1024xf32, #tpu.memory_space<vmem>>, %arg34: memref<1024xf32, #tpu.memory_space<vmem>>, %arg35: memref<1024xf32, #tpu.memory_space<vmem>>, %arg36: memref<8320x64xf32, #tpu.memory_space<vmem_shared>>, %arg37: memref<8320xf32, #tpu.memory_space<vmem_shared>>, %arg38: memref<100352xi32, #tpu.memory_space<vmem_shared>>, %arg39: memref<!tpu.dma_semaphore, #tpu.memory_space<semaphore_mem>>) attributes {dimension_semantics = [#tpu.dimension_semantics<core_parallel>, #tpu.dimension_semantics<subcore_parallel>], iteration_bounds = array<i64: 2, 16>, scalar_prefetch = 0 : i64, scratch_operands = 22 : i64, tpu.core_type = #tpu.core_type<sc_vector_subcore>, window_params = [{transform_indices = #map}, {transform_indices = #map1}, {transform_indices = #map1}, {transform_indices = #map1}, {transform_indices = #map}, {transform_indices = #map}, {transform_indices = #map1}, {transform_indices = #map1}, {transform_indices = #map}, {transform_indices = #map1}, {transform_indices = #map1}, {transform_indices = #map1}, {transform_indices = #map1}, {transform_indices = #map1}, {transform_indices = #map1}, {transform_indices = #map1}]} {
    %mul3A = arith.constant 16 : i32
    %mul3A_0 = arith.muli %arg0, %mul3A : i32
    %add3A = arith.addi %mul3A_0, %arg1 : i32
    %broadcast_in_dim3A = arith.constant 0.000000e+00 : f32
    %broadcast_in_dim3A_1 = vector.broadcast %broadcast_in_dim3A : f32 to vector<16xf32>
    %broadcast_in_dim3A_2 = arith.constant 1.000000e+00 : f32
    %broadcast_in_dim3A_3 = vector.broadcast %broadcast_in_dim3A_2 : f32 to vector<16xf32>
    %iota3A = tpu.iota {dimensions = array<i32: 0>} : vector<16xi32>
    %scan3A = arith.constant 0 : i32
    %scan3A_4 = arith.constant 0 : i32
    %scan3A_5 = arith.constant 33 : i32
    %scan3A_6 = arith.addi %scan3A_4, %scan3A_5 : i32
    %scan3A_7 = arith.constant 1 : i32
    scf.for %scan3A_208 = %scan3A_4 to %scan3A_6 step %scan3A_7  : i32 {
      %mul3A_209 = arith.constant 16 : i32
      %mul3A_210 = arith.muli %scan3A_208, %mul3A_209 : i32
      %swap3A = arith.index_cast %mul3A_210 : i32 to index
      %swap3A_211 = tpu.vector_load %arg27[%swap3A] {strides = array<i32>} : memref<528xf32, #tpu.memory_space<vmem>>, vector<16xf32>,
      tpu.vector_store %arg27[%swap3A], %broadcast_in_dim3A_1 {strides = array<i32>} : memref<528xf32, #tpu.memory_space<vmem>>, vector<16xf32>,
    }
    %scan3A_8 = arith.constant 33 : i32
    %scan3A_9 = arith.constant 0 : i32
    %scan3A_10 = arith.constant 0 : i32
    %scan3A_11 = arith.constant 16 : i32
    %scan3A_12 = arith.addi %scan3A_10, %scan3A_11 : i32
    %scan3A_13 = arith.constant 1 : i32
    scf.for %scan3A_208 = %scan3A_10 to %scan3A_12 step %scan3A_13  : i32 {
      %mul3A_209 = arith.constant 16 : i32
      %mul3A_210 = arith.muli %scan3A_208, %mul3A_209 : i32
      %swap3A = arith.index_cast %mul3A_210 : i32 to index
      %swap3A_211 = tpu.vector_load %arg26[%swap3A] {strides = array<i32>} : memref<256xf32, #tpu.memory_space<vmem>>, vector<16xf32>,
      tpu.vector_store %arg26[%swap3A], %broadcast_in_dim3A_3 {strides = array<i32>} : memref<256xf32, #tpu.memory_space<vmem>>, vector<16xf32>,
    }
    %scan3A_14 = arith.constant 16 : i32
    %scan3A_15 = arith.constant 0 : i32
    %scan3A_16 = arith.constant 0 : i32
    %scan3A_17 = arith.constant 1024 : i32
    %scan3A_18 = arith.addi %scan3A_16, %scan3A_17 : i32
    %scan3A_19 = arith.constant 1 : i32
    scf.for %scan3A_208 = %scan3A_16 to %scan3A_18 step %scan3A_19  : i32 {
      %jit3A = arith.constant 4 : i32
      %div3A = arith.divsi %scan3A_208, %jit3A : i32
      %sign3A = arith.constant 0 : i32
      %sign3A_209 = arith.cmpi sgt, %scan3A_208, %sign3A : i32
      %sign3A_210 = arith.extui %sign3A_209 : i1 to i32
      %sign3A_211 = arith.constant 0 : i32
      %sign3A_212 = arith.cmpi slt, %scan3A_208, %sign3A_211 : i32
      %sign3A_213 = arith.extui %sign3A_212 : i1 to i32
      %sign3A_214 = arith.subi %sign3A_210, %sign3A_213 : i32
      %sign3A_215 = arith.constant 0 : i32
      %sign3A_216 = arith.cmpi sgt, %jit3A, %sign3A_215 : i32
      %sign3A_217 = arith.extui %sign3A_216 : i1 to i32
      %sign3A_218 = arith.constant 0 : i32
      %sign3A_219 = arith.cmpi slt, %jit3A, %sign3A_218 : i32
      %sign3A_220 = arith.extui %sign3A_219 : i1 to i32
      %sign3A_221 = arith.subi %sign3A_217, %sign3A_220 : i32
      %ne3A = arith.cmpi ne, %sign3A_214, %sign3A_221 : i32
      %rem3A = arith.remsi %scan3A_208, %jit3A : i32
      %ne3A_222 = arith.constant 0 : i32
      %ne3A_223 = arith.cmpi ne, %rem3A, %ne3A_222 : i32
      %and3A = arith.andi %ne3A, %ne3A_223 : i1
      %sub3A = arith.constant 1 : i32
      %sub3A_224 = arith.subi %div3A, %sub3A : i32
      %select_n3A = arith.select %and3A, %sub3A_224, %div3A : i32
      %jit3A_225 = arith.constant 4 : i32
      %eq3A_226 = arith.constant 0 : i32
      %eq3A_227 = arith.cmpi eq, %jit3A_225, %eq3A_226 : i32
      %jit3A_228 = arith.constant 1 : i32
      %select_n3A_229 = arith.select %eq3A_227, %jit3A_228, %jit3A_225 : i32
      %rem3A_230 = arith.remsi %scan3A_208, %select_n3A_229 : i32
      %ne3A_231 = arith.constant 0 : i32
      %ne3A_232 = arith.cmpi ne, %rem3A_230, %ne3A_231 : i32
      %lt3A = arith.constant 0 : i32
      %lt3A_233 = arith.cmpi slt, %rem3A_230, %lt3A : i32
      %lt3A_234 = arith.constant 0 : i32
      %lt3A_235 = arith.cmpi slt, %select_n3A_229, %lt3A_234 : i32
      %ne3A_236 = arith.xori %lt3A_233, %lt3A_235 : i1
      %and3A_237 = arith.andi %ne3A_236, %ne3A_232 : i1
      %add3A_238 = arith.addi %rem3A_230, %select_n3A_229 : i32
      %select_n3A_239 = arith.select %and3A_237, %add3A_238, %rem3A_230 : i32
      %mul3A_240 = arith.constant 16 : i32
      %mul3A_241 = arith.muli %select_n3A_239, %mul3A_240 : i32
      %swap3A = arith.index_cast %select_n3A : i32 to index
      %swap3A_242 = arith.index_cast %mul3A_241 : i32 to index
      %swap3A_243 = tpu.vector_load %arg23[%swap3A, %swap3A_242] {strides = array<i32>} : memref<256x64xf32, #tpu.memory_space<vmem>>, vector<16xf32>,
      tpu.vector_store %arg23[%swap3A, %swap3A_242], %broadcast_in_dim3A_1 {strides = array<i32>} : memref<256x64xf32, #tpu.memory_space<vmem>>, vector<16xf32>,
    }
    %scan3A_20 = arith.constant 1024 : i32
    %mul3A_21 = arith.constant 520 : i32
    %mul3A_22 = arith.muli %arg1, %mul3A_21 : i32
    %add3A_23 = arith.constant 0 : i32
    %add3A_24 = arith.addi %mul3A_22, %add3A_23 : i32
    "tpu.region"() ({
      %run_scoped3A = tpu.sem_alloc : memref<!tpu.dma_semaphore, #tpu.memory_space<semaphore_mem>>
      %dma_start3A_208 = arith.constant 0 : i32
      %dma_start3A_209 = tpu.memref_slice %arg36[%add3A_24, %dma_start3A_208] : memref<8320x64xf32, #tpu.memory_space<vmem_shared>> -> memref<256x64xf32, #tpu.memory_space<vmem_shared>>
      %dma_start3A_210 = arith.constant 0 : i32
      %dma_start3A_211 = tpu.memref_slice %arg36[%add3A_24, %dma_start3A_210] : memref<8320x64xf32, #tpu.memory_space<vmem_shared>> -> memref<256x64xf32, #tpu.memory_space<vmem_shared>>
      tpu.enqueue_dma source(%arg23 : memref<256x64xf32, #tpu.memory_space<vmem>>) target(%dma_start3A_211 : memref<256x64xf32, #tpu.memory_space<vmem_shared>>) target_semaphore(%run_scoped3A : memref<!tpu.dma_semaphore, #tpu.memory_space<semaphore_mem>>)
      %dma_wait3A_212 = arith.constant 0 : i32
      %dma_wait3A_213 = tpu.memref_slice %arg36[%add3A_24, %dma_wait3A_212] : memref<8320x64xf32, #tpu.memory_space<vmem_shared>> -> memref<256x64xf32, #tpu.memory_space<vmem_shared>>
      %dma_wait3A_214 = arith.constant 0 : i32
      %dma_wait3A_215 = tpu.memref_slice %arg36[%add3A_24, %dma_wait3A_214] : memref<8320x64xf32, #tpu.memory_space<vmem_shared>> -> memref<256x64xf32, #tpu.memory_space<vmem_shared>>
      tpu.wait_dma2 semaphore(%run_scoped3A : memref<!tpu.dma_semaphore, #tpu.memory_space<semaphore_mem>>) src(%arg23 : memref<256x64xf32, #tpu.memory_space<vmem>>) dst(%dma_wait3A_215 : memref<256x64xf32, #tpu.memory_space<vmem_shared>>)
      tpu.yield
    }) : () -> ()
    %add3A_25 = arith.constant 256 : i32
    %add3A_26 = arith.addi %mul3A_22, %add3A_25 : i32
    "tpu.region"() ({
      %run_scoped3A = tpu.sem_alloc : memref<!tpu.dma_semaphore, #tpu.memory_space<semaphore_mem>>
      %dma_start3A_208 = arith.constant 0 : i32
      %dma_start3A_209 = tpu.memref_slice %arg36[%add3A_26, %dma_start3A_208] : memref<8320x64xf32, #tpu.memory_space<vmem_shared>> -> memref<256x64xf32, #tpu.memory_space<vmem_shared>>
      %dma_start3A_210 = arith.constant 0 : i32
      %dma_start3A_211 = tpu.memref_slice %arg36[%add3A_26, %dma_start3A_210] : memref<8320x64xf32, #tpu.memory_space<vmem_shared>> -> memref<256x64xf32, #tpu.memory_space<vmem_shared>>
      tpu.enqueue_dma source(%arg23 : memref<256x64xf32, #tpu.memory_space<vmem>>) target(%dma_start3A_211 : memref<256x64xf32, #tpu.memory_space<vmem_shared>>) target_semaphore(%run_scoped3A : memref<!tpu.dma_semaphore, #tpu.memory_space<semaphore_mem>>)
      %dma_wait3A_212 = arith.constant 0 : i32
      %dma_wait3A_213 = tpu.memref_slice %arg36[%add3A_26, %dma_wait3A_212] : memref<8320x64xf32, #tpu.memory_space<vmem_shared>> -> memref<256x64xf32, #tpu.memory_space<vmem_shared>>
      %dma_wait3A_214 = arith.constant 0 : i32
      %dma_wait3A_215 = tpu.memref_slice %arg36[%add3A_26, %dma_wait3A_214] : memref<8320x64xf32, #tpu.memory_space<vmem_shared>> -> memref<256x64xf32, #tpu.memory_space<vmem_shared>>
      tpu.wait_dma2 semaphore(%run_scoped3A : memref<!tpu.dma_semaphore, #tpu.memory_space<semaphore_mem>>) src(%arg23 : memref<256x64xf32, #tpu.memory_space<vmem>>) dst(%dma_wait3A_215 : memref<256x64xf32, #tpu.memory_space<vmem_shared>>)
      tpu.yield
    }) : () -> ()
    %add3A_27 = arith.constant 512 : i32
    %add3A_28 = arith.addi %mul3A_22, %add3A_27 : i32
    "tpu.region"() ({
      %run_scoped3A = tpu.sem_alloc : memref<!tpu.dma_semaphore, #tpu.memory_space<semaphore_mem>>
      %dma_start3A_208 = arith.constant 0 : i32
      %dma_start3A_209 = arith.constant 0 : i32
      %dma_start3A_210 = tpu.memref_slice %arg23[%dma_start3A_208, %dma_start3A_209] : memref<256x64xf32, #tpu.memory_space<vmem>> -> memref<8x64xf32, #tpu.memory_space<vmem>>
      %dma_start3A_211 = arith.constant 0 : i32
      %dma_start3A_212 = tpu.memref_slice %arg36[%add3A_28, %dma_start3A_211] : memref<8320x64xf32, #tpu.memory_space<vmem_shared>> -> memref<8x64xf32, #tpu.memory_space<vmem_shared>>
      %dma_start3A_213 = arith.constant 0 : i32
      %dma_start3A_214 = tpu.memref_slice %arg36[%add3A_28, %dma_start3A_213] : memref<8320x64xf32, #tpu.memory_space<vmem_shared>> -> memref<8x64xf32, #tpu.memory_space<vmem_shared>>
      %dma_start3A_215 = arith.constant 0 : i32
      %dma_start3A_216 = arith.constant 0 : i32
      %dma_start3A_217 = tpu.memref_slice %arg23[%dma_start3A_215, %dma_start3A_216] : memref<256x64xf32, #tpu.memory_space<vmem>> -> memref<8x64xf32, #tpu.memory_space<vmem>>
      tpu.enqueue_dma source(%dma_start3A_217 : memref<8x64xf32, #tpu.memory_space<vmem>>) target(%dma_start3A_214 : memref<8x64xf32, #tpu.memory_space<vmem_shared>>) target_semaphore(%run_scoped3A : memref<!tpu.dma_semaphore, #tpu.memory_space<semaphore_mem>>)
      %dma_wait3A_218 = arith.constant 0 : i32
      %dma_wait3A_219 = arith.constant 0 : i32
      %dma_wait3A_220 = tpu.memref_slice %arg23[%dma_wait3A_218, %dma_wait3A_219] : memref<256x64xf32, #tpu.memory_space<vmem>> -> memref<8x64xf32, #tpu.memory_space<vmem>>
      %dma_wait3A_221 = arith.constant 0 : i32
      %dma_wait3A_222 = tpu.memref_slice %arg36[%add3A_28, %dma_wait3A_221] : memref<8320x64xf32, #tpu.memory_space<vmem_shared>> -> memref<8x64xf32, #tpu.memory_space<vmem_shared>>
      %dma_wait3A_223 = arith.constant 0 : i32
      %dma_wait3A_224 = tpu.memref_slice %arg36[%add3A_28, %dma_wait3A_223] : memref<8320x64xf32, #tpu.memory_space<vmem_shared>> -> memref<8x64xf32, #tpu.memory_space<vmem_shared>>
      %dma_wait3A_225 = arith.constant 0 : i32
      %dma_wait3A_226 = arith.constant 0 : i32
      %dma_wait3A_227 = tpu.memref_slice %arg23[%dma_wait3A_225, %dma_wait3A_226] : memref<256x64xf32, #tpu.memory_space<vmem>> -> memref<8x64xf32, #tpu.memory_space<vmem>>
      tpu.wait_dma2 semaphore(%run_scoped3A : memref<!tpu.dma_semaphore, #tpu.memory_space<semaphore_mem>>) src(%dma_wait3A_227 : memref<8x64xf32, #tpu.memory_space<vmem>>) dst(%dma_wait3A_224 : memref<8x64xf32, #tpu.memory_space<vmem_shared>>)
      tpu.yield
    }) : () -> ()
    "tpu.region"() ({
      %run_scoped3A = tpu.sem_alloc : memref<!tpu.dma_semaphore, #tpu.memory_space<semaphore_mem>>
      %dma_start3A_208 = arith.constant 0 : i32
      %dma_start3A_209 = tpu.memref_slice %arg27[%dma_start3A_208] : memref<528xf32, #tpu.memory_space<vmem>> -> memref<520xf32, #tpu.memory_space<vmem>>
      %dma_start3A_210 = tpu.memref_slice %arg37[%mul3A_22] : memref<8320xf32, #tpu.memory_space<vmem_shared>> -> memref<520xf32, #tpu.memory_space<vmem_shared>>
      %dma_start3A_211 = tpu.memref_slice %arg37[%mul3A_22] : memref<8320xf32, #tpu.memory_space<vmem_shared>> -> memref<520xf32, #tpu.memory_space<vmem_shared>>
      %dma_start3A_212 = arith.constant 0 : i32
      %dma_start3A_213 = tpu.memref_slice %arg27[%dma_start3A_212] : memref<528xf32, #tpu.memory_space<vmem>> -> memref<520xf32, #tpu.memory_space<vmem>>
      tpu.enqueue_dma source(%dma_start3A_213 : memref<520xf32, #tpu.memory_space<vmem>>) target(%dma_start3A_211 : memref<520xf32, #tpu.memory_space<vmem_shared>>) target_semaphore(%run_scoped3A : memref<!tpu.dma_semaphore, #tpu.memory_space<semaphore_mem>>)
      %dma_wait3A_214 = arith.constant 0 : i32
      %dma_wait3A_215 = tpu.memref_slice %arg27[%dma_wait3A_214] : memref<528xf32, #tpu.memory_space<vmem>> -> memref<520xf32, #tpu.memory_space<vmem>>
      %dma_wait3A_216 = tpu.memref_slice %arg37[%mul3A_22] : memref<8320xf32, #tpu.memory_space<vmem_shared>> -> memref<520xf32, #tpu.memory_space<vmem_shared>>
      %dma_wait3A_217 = tpu.memref_slice %arg37[%mul3A_22] : memref<8320xf32, #tpu.memory_space<vmem_shared>> -> memref<520xf32, #tpu.memory_space<vmem_shared>>
      %dma_wait3A_218 = arith.constant 0 : i32
      %dma_wait3A_219 = tpu.memref_slice %arg27[%dma_wait3A_218] : memref<528xf32, #tpu.memory_space<vmem>> -> memref<520xf32, #tpu.memory_space<vmem>>
      tpu.wait_dma2 semaphore(%run_scoped3A : memref<!tpu.dma_semaphore, #tpu.memory_space<semaphore_mem>>) src(%dma_wait3A_219 : memref<520xf32, #tpu.memory_space<vmem>>) dst(%dma_wait3A_217 : memref<520xf32, #tpu.memory_space<vmem_shared>>)
      tpu.yield
    }) : () -> ()
    %mul3A_29 = arith.constant 6272 : i32
    %mul3A_30 = arith.muli %arg1, %mul3A_29 : i32
    "tpu.region"() ({
      %run_scoped3A = tpu.sem_alloc : memref<!tpu.dma_semaphore, #tpu.memory_space<semaphore_mem>>
      %dma_start3A_208 = tpu.memref_slice %arg38[%mul3A_30] : memref<100352xi32, #tpu.memory_space<vmem_shared>> -> memref<6272xi32, #tpu.memory_space<vmem_shared>>
      %dma_start3A_209 = tpu.memref_slice %arg3[%mul3A_30] : memref<100352xi32, #tpu.memory_space<hbm>> -> memref<6272xi32, #tpu.memory_space<hbm>>
      tpu.enqueue_dma source(%dma_start3A_209 : memref<6272xi32, #tpu.memory_space<hbm>>) target(%dma_start3A_208 : memref<6272xi32, #tpu.memory_space<vmem_shared>>) target_semaphore(%run_scoped3A : memref<!tpu.dma_semaphore, #tpu.memory_space<semaphore_mem>>)
      %dma_wait3A_210 = tpu.memref_slice %arg38[%mul3A_30] : memref<100352xi32, #tpu.memory_space<vmem_shared>> -> memref<6272xi32, #tpu.memory_space<vmem_shared>>
      %dma_wait3A_211 = tpu.memref_slice %arg3[%mul3A_30] : memref<100352xi32, #tpu.memory_space<hbm>> -> memref<6272xi32, #tpu.memory_space<hbm>>
      tpu.wait_dma2 semaphore(%run_scoped3A : memref<!tpu.dma_semaphore, #tpu.memory_space<semaphore_mem>>) src(%dma_wait3A_211 : memref<6272xi32, #tpu.memory_space<hbm>>) dst(%dma_wait3A_210 : memref<6272xi32, #tpu.memory_space<vmem_shared>>)
      tpu.yield
    }) : () -> ()
    %barrier3A = arith.constant 0 : index
    tpu.barrier barrier_id(%barrier3A)
    %mul3A_31 = arith.constant 8192 : i32
    %mul3A_32 = arith.muli %arg0, %mul3A_31 : i32
    %broadcast_in_dim3A_33 = arith.constant 8191 : i32
    %broadcast_in_dim3A_34 = vector.broadcast %broadcast_in_dim3A_33 : i32 to vector<16xi32>
    %broadcast_in_dim3A_35 = arith.constant 0 : i32
    %broadcast_in_dim3A_36 = vector.broadcast %broadcast_in_dim3A_35 : i32 to vector<16xi32>
    %scan3A_37 = arith.constant 0 : i32
    %scan3A_38 = arith.constant 0 : i32
    %scan3A_39 = arith.constant 31 : i32
    %scan3A_40 = arith.addi %scan3A_38, %scan3A_39 : i32
    %scan3A_41 = arith.constant 1 : i32
    %scan3A_42:2 = scf.for %scan3A_208 = %scan3A_38 to %scan3A_40 step %scan3A_41 iter_args(%scan3A_209 = %broadcast_in_dim3A_36, %scan3A_210 = %scan3A_37) -> (vector<16xi32>, i32)  : i32 {
      %mul3A_211 = arith.constant 16 : i32
      %mul3A_212 = arith.muli %scan3A_208, %mul3A_211 : i32
      %add3A_213 = arith.addi %mul3A_212, %arg1 : i32
      %lt3A = arith.constant 488 : i32
      %lt3A_214 = arith.cmpi slt, %add3A_213, %lt3A : i32
      %convert_element_type3A_215 = arith.extui %lt3A_214 : i1 to i32
      %cond3A_216 = arith.constant 0 : i32
      %cond3A_217 = arith.cmpi ne, %convert_element_type3A_215, %cond3A_216 : i32
      %cond3A_218:2 = scf.if %cond3A_217 -> (vector<16xi32>, i32) {
        %mul3A_219 = arith.constant 2048 : i32
        %mul3A_220 = arith.muli %add3A_213, %mul3A_219 : i32
        %run_scoped3A = arith.constant 0 : i32
        "tpu.region"() ({
          %run_scoped3A_233 = tpu.sem_alloc : memref<!tpu.dma_semaphore, #tpu.memory_space<semaphore_mem>>
          %dma_start3A_234 = tpu.memref_slice %arg2[%run_scoped3A, %mul3A_220] : memref<2x1000000xi32, #tpu.memory_space<hbm>> -> memref<1x2048xi32, #tpu.memory_space<hbm>>
          %dma_start3A_235 = tpu.memref_squeeze %dma_start3A_234 : memref<1x2048xi32, #tpu.memory_space<hbm>> -> memref<2048xi32, #tpu.memory_space<hbm>>
          %dma_start3A_236 = tpu.memref_slice %arg2[%run_scoped3A, %mul3A_220] : memref<2x1000000xi32, #tpu.memory_space<hbm>> -> memref<1x2048xi32, #tpu.memory_space<hbm>>
          %dma_start3A_237 = tpu.memref_squeeze %dma_start3A_236 : memref<1x2048xi32, #tpu.memory_space<hbm>> -> memref<2048xi32, #tpu.memory_space<hbm>>
          tpu.enqueue_dma source(%dma_start3A_237 : memref<2048xi32, #tpu.memory_space<hbm>>) target(%arg18 : memref<2048xi32, #tpu.memory_space<vmem>>) target_semaphore(%run_scoped3A_233 : memref<!tpu.dma_semaphore, #tpu.memory_space<semaphore_mem>>)
          %dma_wait3A_238 = tpu.memref_slice %arg2[%run_scoped3A, %mul3A_220] : memref<2x1000000xi32, #tpu.memory_space<hbm>> -> memref<1x2048xi32, #tpu.memory_space<hbm>>
          %dma_wait3A_239 = tpu.memref_squeeze %dma_wait3A_238 : memref<1x2048xi32, #tpu.memory_space<hbm>> -> memref<2048xi32, #tpu.memory_space<hbm>>
          %dma_wait3A_240 = tpu.memref_slice %arg2[%run_scoped3A, %mul3A_220] : memref<2x1000000xi32, #tpu.memory_space<hbm>> -> memref<1x2048xi32, #tpu.memory_space<hbm>>
          %dma_wait3A_241 = tpu.memref_squeeze %dma_wait3A_240 : memref<1x2048xi32, #tpu.memory_space<hbm>> -> memref<2048xi32, #tpu.memory_space<hbm>>
          tpu.wait_dma2 semaphore(%run_scoped3A_233 : memref<!tpu.dma_semaphore, #tpu.memory_space<semaphore_mem>>) src(%dma_wait3A_241 : memref<2048xi32, #tpu.memory_space<hbm>>) dst(%arg18 : memref<2048xi32, #tpu.memory_space<vmem>>)
          tpu.yield
        }) : () -> ()
        %run_scoped3A_221 = arith.constant 1 : i32
        "tpu.region"() ({
          %run_scoped3A_233 = tpu.sem_alloc : memref<!tpu.dma_semaphore, #tpu.memory_space<semaphore_mem>>
          %dma_start3A_234 = tpu.memref_slice %arg2[%run_scoped3A_221, %mul3A_220] : memref<2x1000000xi32, #tpu.memory_space<hbm>> -> memref<1x2048xi32, #tpu.memory_space<hbm>>
          %dma_start3A_235 = tpu.memref_squeeze %dma_start3A_234 : memref<1x2048xi32, #tpu.memory_space<hbm>> -> memref<2048xi32, #tpu.memory_space<hbm>>
          %dma_start3A_236 = tpu.memref_slice %arg2[%run_scoped3A_221, %mul3A_220] : memref<2x1000000xi32, #tpu.memory_space<hbm>> -> memref<1x2048xi32, #tpu.memory_space<hbm>>
          %dma_start3A_237 = tpu.memref_squeeze %dma_start3A_236 : memref<1x2048xi32, #tpu.memory_space<hbm>> -> memref<2048xi32, #tpu.memory_space<hbm>>
          tpu.enqueue_dma source(%dma_start3A_237 : memref<2048xi32, #tpu.memory_space<hbm>>) target(%arg19 : memref<2048xi32, #tpu.memory_space<vmem>>) target_semaphore(%run_scoped3A_233 : memref<!tpu.dma_semaphore, #tpu.memory_space<semaphore_mem>>)
          %dma_wait3A_238 = tpu.memref_slice %arg2[%run_scoped3A_221, %mul3A_220] : memref<2x1000000xi32, #tpu.memory_space<hbm>> -> memref<1x2048xi32, #tpu.memory_space<hbm>>
          %dma_wait3A_239 = tpu.memref_squeeze %dma_wait3A_238 : memref<1x2048xi32, #tpu.memory_space<hbm>> -> memref<2048xi32, #tpu.memory_space<hbm>>
          %dma_wait3A_240 = tpu.memref_slice %arg2[%run_scoped3A_221, %mul3A_220] : memref<2x1000000xi32, #tpu.memory_space<hbm>> -> memref<1x2048xi32, #tpu.memory_space<hbm>>
          %dma_wait3A_241 = tpu.memref_squeeze %dma_wait3A_240 : memref<1x2048xi32, #tpu.memory_space<hbm>> -> memref<2048xi32, #tpu.memory_space<hbm>>
          tpu.wait_dma2 semaphore(%run_scoped3A_233 : memref<!tpu.dma_semaphore, #tpu.memory_space<semaphore_mem>>) src(%dma_wait3A_241 : memref<2048xi32, #tpu.memory_space<hbm>>) dst(%arg19 : memref<2048xi32, #tpu.memory_space<vmem>>)
          tpu.yield
        }) : () -> ()
        %dma_start3A_222 = arith.constant 0 : i32
        %dma_start3A_223 = tpu.memref_slice %arg38[%dma_start3A_222] : memref<100352xi32, #tpu.memory_space<vmem_shared>> -> memref<100352xi32, #tpu.memory_space<vmem_shared>>
        tpu.enqueue_indirect_dma source(%dma_start3A_223 : memref<100352xi32, #tpu.memory_space<vmem_shared>>) target(%arg20 : memref<2048xi32, #tpu.memory_space<vmem>>) offsets(%arg18 : memref<2048xi32, #tpu.memory_space<vmem>>) semaphore(%arg39 : memref<!tpu.dma_semaphore, #tpu.memory_space<semaphore_mem>>)
        %dma_wait3A_224 = arith.constant 0 : i32
        %dma_wait3A_225 = tpu.memref_slice %arg38[%dma_wait3A_224] : memref<100352xi32, #tpu.memory_space<vmem_shared>> -> memref<100352xi32, #tpu.memory_space<vmem_shared>>
        tpu.wait_indirect_dma semaphore(%arg39 : memref<!tpu.dma_semaphore, #tpu.memory_space<semaphore_mem>>) src(%dma_wait3A_225 : memref<100352xi32, #tpu.memory_space<vmem_shared>>) dst(%arg20 : memref<2048xi32, #tpu.memory_space<vmem>>)
        %scan3A_226 = arith.constant 0 : i32
        %scan3A_227 = arith.constant 128 : i32
        %scan3A_228 = arith.addi %scan3A_226, %scan3A_227 : i32
        %scan3A_229 = arith.constant 1 : i32
        %scan3A_230 = scf.for %scan3A_233 = %scan3A_226 to %scan3A_228 step %scan3A_229 iter_args(%scan3A_234 = %scan3A_209) -> (vector<16xi32>)  : i32 {
          %mul3A_235 = arith.constant 16 : i32
          %mul3A_236 = arith.muli %scan3A_233, %mul3A_235 : i32
          %get3A = arith.index_cast %mul3A_236 : i32 to index
          %get3A_237 = tpu.vector_load %arg20[%get3A] {strides = array<i32>} : memref<2048xi32, #tpu.memory_space<vmem>>, vector<16xi32>,
          %mul3A_238 = arith.constant 16 : i32
          %mul3A_239 = arith.muli %scan3A_233, %mul3A_238 : i32
          %get3A_240 = arith.index_cast %mul3A_239 : i32 to index
          %get3A_241 = tpu.vector_load %arg19[%get3A_240] {strides = array<i32>} : memref<2048xi32, #tpu.memory_space<vmem>>, vector<16xi32>,
          %sub3A = vector.broadcast %mul3A_32 : i32 to vector<16xi32>
          %sub3A_242 = arith.subi %get3A_237, %sub3A : vector<16xi32>
          %ge3A = arith.constant 0 : i32
          %ge3A_243 = vector.broadcast %ge3A : i32 to vector<16xi32>
          %ge3A_244 = arith.cmpi sge, %sub3A_242, %ge3A_243 : vector<16xi32>
          %lt3A_245 = arith.constant 8192 : i32
          %lt3A_246 = vector.broadcast %lt3A_245 : i32 to vector<16xi32>
          %lt3A_247 = arith.cmpi slt, %sub3A_242, %lt3A_246 : vector<16xi32>
          %and3A = arith.andi %ge3A_244, %lt3A_247 : vector<16xi1>
          %convert_element_type3A_248 = arith.extui %and3A : vector<16xi1> to vector<16xi32>
          %broadcast_in_dim3A_249 = arith.constant true
          %broadcast_in_dim3A_250 = vector.broadcast %broadcast_in_dim3A_249 : i1 to vector<16xi1>
          %masked_cumsum3A = tpu.scan <sum>, %convert_element_type3A_248 masked %broadcast_in_dim3A_250 : vector<16xi32>, vector<16xi1> -> vector<16xi32>
          %add3A_251 = arith.addi %scan3A_234, %masked_cumsum3A : vector<16xi32>
          %sub3A_252 = arith.constant 1 : i32
          %sub3A_253 = vector.broadcast %sub3A_252 : i32 to vector<16xi32>
          %sub3A_254 = arith.subi %add3A_251, %sub3A_253 : vector<16xi32>
          %and3A_255 = arith.andi %sub3A_254, %broadcast_in_dim3A_34 : vector<16xi32>
          tpu.vector_store_idx %arg22[%and3A_255], %sub3A_242 masked %and3A : memref<8192xi32, #tpu.memory_space<vmem>>[vector<16xi32>], vector<16xi32>, vector<16xi1>
          tpu.vector_store_idx %arg21[%and3A_255], %get3A_241 masked %and3A : memref<8192xi32, #tpu.memory_space<vmem>>[vector<16xi32>], vector<16xi32>, vector<16xi1>
          %all_reduce_population_count3A = tpu.all_reduce %and3A {dim = 0 : i64, kind = #tpu.reduction_kind<sum>} : vector<16xi1> -> vector<16xi32>
          %add3A_256 = arith.addi %scan3A_234, %all_reduce_population_count3A : vector<16xi32>
          scf.yield %add3A_256 : vector<16xi32>
        }
        %scan3A_231 = arith.constant 128 : i32
        %while3A_232 = scf.while (%while3A_233 = %scan3A_210) : (i32) -> i32 {
          %mul3A_234 = arith.constant 256 : i32
          %mul3A_235 = arith.muli %while3A_233, %mul3A_234 : i32
          %sub3A = vector.broadcast %mul3A_235 : i32 to vector<16xi32>
          %sub3A_236 = arith.subi %scan3A_230, %sub3A : vector<16xi32>
          %ge3A = arith.constant 256 : i32
          %ge3A_237 = vector.broadcast %ge3A : i32 to vector<16xi32>
          %ge3A_238 = arith.cmpi sge, %sub3A_236, %ge3A_237 : vector<16xi32>
          %reduce_or3A = arith.constant 1.000000e+00 : f32
          %reduce_or3A_239 = arith.constant 0.000000e+00 : f32
          %reduce_or3A_240 = vector.broadcast %reduce_or3A : f32 to vector<16xf32>
          %reduce_or3A_241 = vector.broadcast %reduce_or3A_239 : f32 to vector<16xf32>
          %reduce_or3A_242 = arith.select %ge3A_238, %reduce_or3A_240, %reduce_or3A_241 : vector<16xi1>, vector<16xf32>
          %reduce_or3A_243 = arith.constant true
          %reduce_or3A_244 = vector.broadcast %reduce_or3A_243 : i1 to vector<16xi1>
          %reduce_or3A_245 = tpu.scan <max>, %reduce_or3A_242 masked %reduce_or3A_244 : vector<16xf32>, vector<16xi1> -> vector<16xf32>
          %reduce_or3A_246 = vector.extract %reduce_or3A_245[15] : f32 from vector<16xf32>
          %reduce_or3A_247 = arith.constant 0.000000e+00 : f32
          %reduce_or3A_248 = arith.cmpf ogt, %reduce_or3A_246, %reduce_or3A_247 : f32
          scf.condition(%reduce_or3A_248) %while3A_233 : i32
        } do {
        ^bb0(%while3A_233: i32):
          %and3A = arith.constant 31 : i32
          %and3A_234 = arith.andi %while3A_233, %and3A : i32
          %mul3A_235 = arith.constant 256 : i32
          %mul3A_236 = arith.muli %and3A_234, %mul3A_235 : i32
          %dma_start3A_237 = tpu.memref_slice %arg21[%mul3A_236] : memref<8192xi32, #tpu.memory_space<vmem>> -> memref<256xi32, #tpu.memory_space<vmem>>
          %dma_start3A_238 = arith.constant 0 : i32
          %dma_start3A_239 = arith.constant 0 : i32
          %dma_start3A_240 = tpu.memref_slice %arg10[%dma_start3A_238, %dma_start3A_239] : memref<100000x64xf32, #tpu.memory_space<hbm>> -> memref<100000x64xf32, #tpu.memory_space<hbm>>
          tpu.enqueue_indirect_dma source(%dma_start3A_240 : memref<100000x64xf32, #tpu.memory_space<hbm>>) target(%arg23 : memref<256x64xf32, #tpu.memory_space<vmem>>) offsets(%dma_start3A_237 : memref<256xi32, #tpu.memory_space<vmem>>) semaphore(%arg39 : memref<!tpu.dma_semaphore, #tpu.memory_space<semaphore_mem>>)
          %dma_wait3A_241 = tpu.memref_slice %arg21[%mul3A_236] : memref<8192xi32, #tpu.memory_space<vmem>> -> memref<256xi32, #tpu.memory_space<vmem>>
          %dma_wait3A_242 = arith.constant 0 : i32
          %dma_wait3A_243 = arith.constant 0 : i32
          %dma_wait3A_244 = tpu.memref_slice %arg10[%dma_wait3A_242, %dma_wait3A_243] : memref<100000x64xf32, #tpu.memory_space<hbm>> -> memref<100000x64xf32, #tpu.memory_space<hbm>>
          tpu.wait_indirect_dma semaphore(%arg39 : memref<!tpu.dma_semaphore, #tpu.memory_space<semaphore_mem>>) src(%dma_wait3A_244 : memref<100000x64xf32, #tpu.memory_space<hbm>>) dst(%arg23 : memref<256x64xf32, #tpu.memory_space<vmem>>)
          "tpu.region"() ({
            %run_scoped3A_247 = tpu.sem_alloc : memref<!tpu.dma_semaphore, #tpu.memory_space<semaphore_mem>>
            %dma_start3A_248 = tpu.memref_slice %arg22[%mul3A_236] : memref<8192xi32, #tpu.memory_space<vmem>> -> memref<256xi32, #tpu.memory_space<vmem>>
            %dma_start3A_249 = arith.constant 0 : i32
            %dma_start3A_250 = arith.constant 0 : i32
            %dma_start3A_251 = tpu.memref_slice %arg36[%dma_start3A_249, %dma_start3A_250] : memref<8320x64xf32, #tpu.memory_space<vmem_shared>> -> memref<8320x64xf32, #tpu.memory_space<vmem_shared>>
            tpu.enqueue_indirect_dma source(%arg23 : memref<256x64xf32, #tpu.memory_space<vmem>>) target(%dma_start3A_251 : memref<8320x64xf32, #tpu.memory_space<vmem_shared>>) offsets(%dma_start3A_248 : memref<256xi32, #tpu.memory_space<vmem>>) semaphore(%run_scoped3A_247 : memref<!tpu.dma_semaphore, #tpu.memory_space<semaphore_mem>>) {add = true}
            %dma_wait3A_252 = tpu.memref_slice %arg22[%mul3A_236] : memref<8192xi32, #tpu.memory_space<vmem>> -> memref<256xi32, #tpu.memory_space<vmem>>
            %dma_wait3A_253 = arith.constant 0 : i32
            %dma_wait3A_254 = arith.constant 0 : i32
            %dma_wait3A_255 = tpu.memref_slice %arg36[%dma_wait3A_253, %dma_wait3A_254] : memref<8320x64xf32, #tpu.memory_space<vmem_shared>> -> memref<8320x64xf32, #tpu.memory_space<vmem_shared>>
            tpu.wait_indirect_dma semaphore(%run_scoped3A_247 : memref<!tpu.dma_semaphore, #tpu.memory_space<semaphore_mem>>) src(%arg23 : memref<256x64xf32, #tpu.memory_space<vmem>>) dst(%dma_wait3A_255 : memref<8320x64xf32, #tpu.memory_space<vmem_shared>>)
            tpu.yield
          }) : () -> ()
          "tpu.region"() ({
            %run_scoped3A_247 = tpu.sem_alloc : memref<!tpu.dma_semaphore, #tpu.memory_space<semaphore_mem>>
            %dma_start3A_248 = tpu.memref_slice %arg22[%mul3A_236] : memref<8192xi32, #tpu.memory_space<vmem>> -> memref<256xi32, #tpu.memory_space<vmem>>
            %dma_start3A_249 = arith.constant 0 : i32
            %dma_start3A_250 = tpu.memref_slice %arg37[%dma_start3A_249] : memref<8320xf32, #tpu.memory_space<vmem_shared>> -> memref<8320xf32, #tpu.memory_space<vmem_shared>>
            tpu.enqueue_indirect_dma source(%arg26 : memref<256xf32, #tpu.memory_space<vmem>>) target(%dma_start3A_250 : memref<8320xf32, #tpu.memory_space<vmem_shared>>) offsets(%dma_start3A_248 : memref<256xi32, #tpu.memory_space<vmem>>) semaphore(%run_scoped3A_247 : memref<!tpu.dma_semaphore, #tpu.memory_space<semaphore_mem>>) {add = true}
            %dma_wait3A_251 = tpu.memref_slice %arg22[%mul3A_236] : memref<8192xi32, #tpu.memory_space<vmem>> -> memref<256xi32, #tpu.memory_space<vmem>>
            %dma_wait3A_252 = arith.constant 0 : i32
            %dma_wait3A_253 = tpu.memref_slice %arg37[%dma_wait3A_252] : memref<8320xf32, #tpu.memory_space<vmem_shared>> -> memref<8320xf32, #tpu.memory_space<vmem_shared>>
            tpu.wait_indirect_dma semaphore(%run_scoped3A_247 : memref<!tpu.dma_semaphore, #tpu.memory_space<semaphore_mem>>) src(%arg26 : memref<256xf32, #tpu.memory_space<vmem>>) dst(%dma_wait3A_253 : memref<8320xf32, #tpu.memory_space<vmem_shared>>)
            tpu.yield
          }) : () -> ()
          %add3A_245 = arith.constant 1 : i32
          %add3A_246 = arith.addi %while3A_233, %add3A_245 : i32
          scf.yield %add3A_246 : i32
        }
        scf.yield %scan3A_230, %while3A_232 : vector<16xi32>, i32
      } else {
        %eq3A_219 = arith.constant 488 : i32
        %eq3A_220 = arith.cmpi eq, %add3A_213, %eq3A_219 : i32
        %convert_element_type3A_221 = arith.extui %eq3A_220 : i1 to i32
        %cond3A_222 = arith.constant 0 : i32
        %cond3A_223 = arith.cmpi ne, %convert_element_type3A_221, %cond3A_222 : i32
        %cond3A_224 = scf.if %cond3A_223 -> (vector<16xi32>) {
          %run_scoped3A = arith.constant 0 : i32
          "tpu.region"() ({
            %run_scoped3A_244 = tpu.sem_alloc : memref<!tpu.dma_semaphore, #tpu.memory_space<semaphore_mem>>
            %dma_start3A_245 = arith.constant 0 : i32
            %dma_start3A_246 = tpu.memref_slice %arg18[%dma_start3A_245] : memref<2048xi32, #tpu.memory_space<vmem>> -> memref<576xi32, #tpu.memory_space<vmem>>
            %dma_start3A_247 = arith.constant 999424 : i32
            %dma_start3A_248 = tpu.memref_slice %arg2[%run_scoped3A, %dma_start3A_247] : memref<2x1000000xi32, #tpu.memory_space<hbm>> -> memref<1x576xi32, #tpu.memory_space<hbm>>
            %dma_start3A_249 = tpu.memref_squeeze %dma_start3A_248 : memref<1x576xi32, #tpu.memory_space<hbm>> -> memref<576xi32, #tpu.memory_space<hbm>>
            %dma_start3A_250 = arith.constant 0 : i32
            %dma_start3A_251 = tpu.memref_slice %arg18[%dma_start3A_250] : memref<2048xi32, #tpu.memory_space<vmem>> -> memref<576xi32, #tpu.memory_space<vmem>>
            %dma_start3A_252 = arith.constant 999424 : i32
            %dma_start3A_253 = tpu.memref_slice %arg2[%run_scoped3A, %dma_start3A_252] : memref<2x1000000xi32, #tpu.memory_space<hbm>> -> memref<1x576xi32, #tpu.memory_space<hbm>>
            %dma_start3A_254 = tpu.memref_squeeze %dma_start3A_253 : memref<1x576xi32, #tpu.memory_space<hbm>> -> memref<576xi32, #tpu.memory_space<hbm>>
            tpu.enqueue_dma source(%dma_start3A_254 : memref<576xi32, #tpu.memory_space<hbm>>) target(%dma_start3A_251 : memref<576xi32, #tpu.memory_space<vmem>>) target_semaphore(%run_scoped3A_244 : memref<!tpu.dma_semaphore, #tpu.memory_space<semaphore_mem>>)
            %dma_wait3A_255 = arith.constant 0 : i32
            %dma_wait3A_256 = tpu.memref_slice %arg18[%dma_wait3A_255] : memref<2048xi32, #tpu.memory_space<vmem>> -> memref<576xi32, #tpu.memory_space<vmem>>
            %dma_wait3A_257 = arith.constant 999424 : i32
            %dma_wait3A_258 = tpu.memref_slice %arg2[%run_scoped3A, %dma_wait3A_257] : memref<2x1000000xi32, #tpu.memory_space<hbm>> -> memref<1x576xi32, #tpu.memory_space<hbm>>
            %dma_wait3A_259 = tpu.memref_squeeze %dma_wait3A_258 : memref<1x576xi32, #tpu.memory_space<hbm>> -> memref<576xi32, #tpu.memory_space<hbm>>
            %dma_wait3A_260 = arith.constant 0 : i32
            %dma_wait3A_261 = tpu.memref_slice %arg18[%dma_wait3A_260] : memref<2048xi32, #tpu.memory_space<vmem>> -> memref<576xi32, #tpu.memory_space<vmem>>
            %dma_wait3A_262 = arith.constant 999424 : i32
            %dma_wait3A_263 = tpu.memref_slice %arg2[%run_scoped3A, %dma_wait3A_262] : memref<2x1000000xi32, #tpu.memory_space<hbm>> -> memref<1x576xi32, #tpu.memory_space<hbm>>
            %dma_wait3A_264 = tpu.memref_squeeze %dma_wait3A_263 : memref<1x576xi32, #tpu.memory_space<hbm>> -> memref<576xi32, #tpu.memory_space<hbm>>
            tpu.wait_dma2 semaphore(%run_scoped3A_244 : memref<!tpu.dma_semaphore, #tpu.memory_space<semaphore_mem>>) src(%dma_wait3A_264 : memref<576xi32, #tpu.memory_space<hbm>>) dst(%dma_wait3A_261 : memref<576xi32, #tpu.memory_space<vmem>>)
            tpu.yield
          }) : () -> ()
          %run_scoped3A_225 = arith.constant 1 : i32
          "tpu.region"() ({
            %run_scoped3A_244 = tpu.sem_alloc : memref<!tpu.dma_semaphore, #tpu.memory_space<semaphore_mem>>
            %dma_start3A_245 = arith.constant 0 : i32
            %dma_start3A_246 = tpu.memref_slice %arg19[%dma_start3A_245] : memref<2048xi32, #tpu.memory_space<vmem>> -> memref<576xi32, #tpu.memory_space<vmem>>
            %dma_start3A_247 = arith.constant 999424 : i32
            %dma_start3A_248 = tpu.memref_slice %arg2[%run_scoped3A_225, %dma_start3A_247] : memref<2x1000000xi32, #tpu.memory_space<hbm>> -> memref<1x576xi32, #tpu.memory_space<hbm>>
            %dma_start3A_249 = tpu.memref_squeeze %dma_start3A_248 : memref<1x576xi32, #tpu.memory_space<hbm>> -> memref<576xi32, #tpu.memory_space<hbm>>
            %dma_start3A_250 = arith.constant 0 : i32
            %dma_start3A_251 = tpu.memref_slice %arg19[%dma_start3A_250] : memref<2048xi32, #tpu.memory_space<vmem>> -> memref<576xi32, #tpu.memory_space<vmem>>
            %dma_start3A_252 = arith.constant 999424 : i32
            %dma_start3A_253 = tpu.memref_slice %arg2[%run_scoped3A_225, %dma_start3A_252] : memref<2x1000000xi32, #tpu.memory_space<hbm>> -> memref<1x576xi32, #tpu.memory_space<hbm>>
            %dma_start3A_254 = tpu.memref_squeeze %dma_start3A_253 : memref<1x576xi32, #tpu.memory_space<hbm>> -> memref<576xi32, #tpu.memory_space<hbm>>
            tpu.enqueue_dma source(%dma_start3A_254 : memref<576xi32, #tpu.memory_space<hbm>>) target(%dma_start3A_251 : memref<576xi32, #tpu.memory_space<vmem>>) target_semaphore(%run_scoped3A_244 : memref<!tpu.dma_semaphore, #tpu.memory_space<semaphore_mem>>)
            %dma_wait3A_255 = arith.constant 0 : i32
            %dma_wait3A_256 = tpu.memref_slice %arg19[%dma_wait3A_255] : memref<2048xi32, #tpu.memory_space<vmem>> -> memref<576xi32, #tpu.memory_space<vmem>>
            %dma_wait3A_257 = arith.constant 999424 : i32
            %dma_wait3A_258 = tpu.memref_slice %arg2[%run_scoped3A_225, %dma_wait3A_257] : memref<2x1000000xi32, #tpu.memory_space<hbm>> -> memref<1x576xi32, #tpu.memory_space<hbm>>
            %dma_wait3A_259 = tpu.memref_squeeze %dma_wait3A_258 : memref<1x576xi32, #tpu.memory_space<hbm>> -> memref<576xi32, #tpu.memory_space<hbm>>
            %dma_wait3A_260 = arith.constant 0 : i32
            %dma_wait3A_261 = tpu.memref_slice %arg19[%dma_wait3A_260] : memref<2048xi32, #tpu.memory_space<vmem>> -> memref<576xi32, #tpu.memory_space<vmem>>
            %dma_wait3A_262 = arith.constant 999424 : i32
            %dma_wait3A_263 = tpu.memref_slice %arg2[%run_scoped3A_225, %dma_wait3A_262] : memref<2x1000000xi32, #tpu.memory_space<hbm>> -> memref<1x576xi32, #tpu.memory_space<hbm>>
            %dma_wait3A_264 = tpu.memref_squeeze %dma_wait3A_263 : memref<1x576xi32, #tpu.memory_space<hbm>> -> memref<576xi32, #tpu.memory_space<hbm>>
            tpu.wait_dma2 semaphore(%run_scoped3A_244 : memref<!tpu.dma_semaphore, #tpu.memory_space<semaphore_mem>>) src(%dma_wait3A_264 : memref<576xi32, #tpu.memory_space<hbm>>) dst(%dma_wait3A_261 : memref<576xi32, #tpu.memory_space<vmem>>)
            tpu.yield
          }) : () -> ()
          %dma_start3A_226 = arith.constant 0 : i32
          %dma_start3A_227 = tpu.memref_slice %arg20[%dma_start3A_226] : memref<2048xi32, #tpu.memory_space<vmem>> -> memref<576xi32, #tpu.memory_space<vmem>>
          %dma_start3A_228 = arith.constant 0 : i32
          %dma_start3A_229 = tpu.memref_slice %arg18[%dma_start3A_228] : memref<2048xi32, #tpu.memory_space<vmem>> -> memref<576xi32, #tpu.memory_space<vmem>>
          %dma_start3A_230 = arith.constant 0 : i32
          %dma_start3A_231 = tpu.memref_slice %arg38[%dma_start3A_230] : memref<100352xi32, #tpu.memory_space<vmem_shared>> -> memref<100352xi32, #tpu.memory_space<vmem_shared>>
          tpu.enqueue_indirect_dma source(%dma_start3A_231 : memref<100352xi32, #tpu.memory_space<vmem_shared>>) target(%dma_start3A_227 : memref<576xi32, #tpu.memory_space<vmem>>) offsets(%dma_start3A_229 : memref<576xi32, #tpu.memory_space<vmem>>) semaphore(%arg39 : memref<!tpu.dma_semaphore, #tpu.memory_space<semaphore_mem>>)
          %dma_wait3A_232 = arith.constant 0 : i32
          %dma_wait3A_233 = tpu.memref_slice %arg20[%dma_wait3A_232] : memref<2048xi32, #tpu.memory_space<vmem>> -> memref<576xi32, #tpu.memory_space<vmem>>
          %dma_wait3A_234 = arith.constant 0 : i32
          %dma_wait3A_235 = tpu.memref_slice %arg18[%dma_wait3A_234] : memref<2048xi32, #tpu.memory_space<vmem>> -> memref<576xi32, #tpu.memory_space<vmem>>
          %dma_wait3A_236 = arith.constant 0 : i32
          %dma_wait3A_237 = tpu.memref_slice %arg38[%dma_wait3A_236] : memref<100352xi32, #tpu.memory_space<vmem_shared>> -> memref<100352xi32, #tpu.memory_space<vmem_shared>>
          tpu.wait_indirect_dma semaphore(%arg39 : memref<!tpu.dma_semaphore, #tpu.memory_space<semaphore_mem>>) src(%dma_wait3A_237 : memref<100352xi32, #tpu.memory_space<vmem_shared>>) dst(%dma_wait3A_233 : memref<576xi32, #tpu.memory_space<vmem>>)
          %scan3A_238 = arith.constant 0 : i32
          %scan3A_239 = arith.constant 36 : i32
          %scan3A_240 = arith.addi %scan3A_238, %scan3A_239 : i32
          %scan3A_241 = arith.constant 1 : i32
          %scan3A_242 = scf.for %scan3A_244 = %scan3A_238 to %scan3A_240 step %scan3A_241 iter_args(%scan3A_245 = %scan3A_209) -> (vector<16xi32>)  : i32 {
            %mul3A_246 = arith.constant 16 : i32
            %mul3A_247 = arith.muli %scan3A_244, %mul3A_246 : i32
            %get3A = arith.index_cast %mul3A_247 : i32 to index
            %get3A_248 = tpu.vector_load %arg20[%get3A] {strides = array<i32>} : memref<2048xi32, #tpu.memory_space<vmem>>, vector<16xi32>,
            %mul3A_249 = arith.constant 16 : i32
            %mul3A_250 = arith.muli %scan3A_244, %mul3A_249 : i32
            %get3A_251 = arith.index_cast %mul3A_250 : i32 to index
            %get3A_252 = tpu.vector_load %arg19[%get3A_251] {strides = array<i32>} : memref<2048xi32, #tpu.memory_space<vmem>>, vector<16xi32>,
            %sub3A = vector.broadcast %mul3A_32 : i32 to vector<16xi32>
            %sub3A_253 = arith.subi %get3A_248, %sub3A : vector<16xi32>
            %ge3A = arith.constant 0 : i32
            %ge3A_254 = vector.broadcast %ge3A : i32 to vector<16xi32>
            %ge3A_255 = arith.cmpi sge, %sub3A_253, %ge3A_254 : vector<16xi32>
            %lt3A_256 = arith.constant 8192 : i32
            %lt3A_257 = vector.broadcast %lt3A_256 : i32 to vector<16xi32>
            %lt3A_258 = arith.cmpi slt, %sub3A_253, %lt3A_257 : vector<16xi32>
            %and3A = arith.andi %ge3A_255, %lt3A_258 : vector<16xi1>
            %convert_element_type3A_259 = arith.extui %and3A : vector<16xi1> to vector<16xi32>
            %broadcast_in_dim3A_260 = arith.constant true
            %broadcast_in_dim3A_261 = vector.broadcast %broadcast_in_dim3A_260 : i1 to vector<16xi1>
            %masked_cumsum3A = tpu.scan <sum>, %convert_element_type3A_259 masked %broadcast_in_dim3A_261 : vector<16xi32>, vector<16xi1> -> vector<16xi32>
            %add3A_262 = arith.addi %scan3A_245, %masked_cumsum3A : vector<16xi32>
            %sub3A_263 = arith.constant 1 : i32
            %sub3A_264 = vector.broadcast %sub3A_263 : i32 to vector<16xi32>
            %sub3A_265 = arith.subi %add3A_262, %sub3A_264 : vector<16xi32>
            %and3A_266 = arith.andi %sub3A_265, %broadcast_in_dim3A_34 : vector<16xi32>
            tpu.vector_store_idx %arg22[%and3A_266], %sub3A_253 masked %and3A : memref<8192xi32, #tpu.memory_space<vmem>>[vector<16xi32>], vector<16xi32>, vector<16xi1>
            tpu.vector_store_idx %arg21[%and3A_266], %get3A_252 masked %and3A : memref<8192xi32, #tpu.memory_space<vmem>>[vector<16xi32>], vector<16xi32>, vector<16xi1>
            %all_reduce_population_count3A = tpu.all_reduce %and3A {dim = 0 : i64, kind = #tpu.reduction_kind<sum>} : vector<16xi1> -> vector<16xi32>
            %add3A_267 = arith.addi %scan3A_245, %all_reduce_population_count3A : vector<16xi32>
            scf.yield %add3A_267 : vector<16xi32>
          }
          %scan3A_243 = arith.constant 36 : i32
          scf.yield %scan3A_242 : vector<16xi32>
        } else {
          scf.yield %scan3A_209 : vector<16xi32>
        }
        scf.yield %cond3A_224, %scan3A_210 : vector<16xi32>, i32
      }
      scf.yield %cond3A_218#0, %cond3A_218#1 : vector<16xi32>, i32
    }
    %scan3A_43 = arith.constant 31 : i32
    %broadcast_in_dim3A_44 = arith.constant 8192 : i32
    %broadcast_in_dim3A_45 = vector.broadcast %broadcast_in_dim3A_44 : i32 to vector<16xi32>
    %broadcast_in_dim3A_46 = arith.constant 0 : i32
    %broadcast_in_dim3A_47 = vector.broadcast %broadcast_in_dim3A_46 : i32 to vector<16xi32>
    %scan3A_48 = arith.constant 0 : i32
    %scan3A_49 = arith.constant 0 : i32
    %scan3A_50 = arith.constant 16 : i32
    %scan3A_51 = arith.addi %scan3A_49, %scan3A_50 : i32
    %scan3A_52 = arith.constant 1 : i32
    scf.for %scan3A_208 = %scan3A_49 to %scan3A_51 step %scan3A_52  : i32 {
      %add3A_209 = arith.addi %scan3A_42#0, %iota3A : vector<16xi32>
      %mul3A_210 = arith.constant 16 : i32
      %mul3A_211 = arith.muli %scan3A_208, %mul3A_210 : i32
      %add3A_212 = vector.broadcast %mul3A_211 : i32 to vector<16xi32>
      %add3A_213 = arith.addi %add3A_209, %add3A_212 : vector<16xi32>
      %and3A = arith.andi %add3A_213, %broadcast_in_dim3A_34 : vector<16xi32>
      tpu.vector_store_idx %arg22[%and3A], %broadcast_in_dim3A_45 : memref<8192xi32, #tpu.memory_space<vmem>>[vector<16xi32>], vector<16xi32>,
      tpu.vector_store_idx %arg21[%and3A], %broadcast_in_dim3A_47 : memref<8192xi32, #tpu.memory_space<vmem>>[vector<16xi32>], vector<16xi32>,
    }
    %scan3A_53 = arith.constant 16 : i32
    %while3A = scf.while (%while3A_208 = %scan3A_42#1) : (i32) -> i32 {
      %mul3A_209 = arith.constant 256 : i32
      %mul3A_210 = arith.muli %while3A_208, %mul3A_209 : i32
      %gt3A = vector.broadcast %mul3A_210 : i32 to vector<16xi32>
      %gt3A_211 = arith.cmpi sgt, %scan3A_42#0, %gt3A : vector<16xi32>
      %reduce_or3A = arith.constant 1.000000e+00 : f32
      %reduce_or3A_212 = arith.constant 0.000000e+00 : f32
      %reduce_or3A_213 = vector.broadcast %reduce_or3A : f32 to vector<16xf32>
      %reduce_or3A_214 = vector.broadcast %reduce_or3A_212 : f32 to vector<16xf32>
      %reduce_or3A_215 = arith.select %gt3A_211, %reduce_or3A_213, %reduce_or3A_214 : vector<16xi1>, vector<16xf32>
      %reduce_or3A_216 = arith.constant true
      %reduce_or3A_217 = vector.broadcast %reduce_or3A_216 : i1 to vector<16xi1>
      %reduce_or3A_218 = tpu.scan <max>, %reduce_or3A_215 masked %reduce_or3A_217 : vector<16xf32>, vector<16xi1> -> vector<16xf32>
      %reduce_or3A_219 = vector.extract %reduce_or3A_218[15] : f32 from vector<16xf32>
      %reduce_or3A_220 = arith.constant 0.000000e+00 : f32
      %reduce_or3A_221 = arith.cmpf ogt, %reduce_or3A_219, %reduce_or3A_220 : f32
      scf.condition(%reduce_or3A_221) %while3A_208 : i32
    } do {
    ^bb0(%while3A_208: i32):
      %and3A = arith.constant 31 : i32
      %and3A_209 = arith.andi %while3A_208, %and3A : i32
      %mul3A_210 = arith.constant 256 : i32
      %mul3A_211 = arith.muli %and3A_209, %mul3A_210 : i32
      %dma_start3A_212 = tpu.memref_slice %arg21[%mul3A_211] : memref<8192xi32, #tpu.memory_space<vmem>> -> memref<256xi32, #tpu.memory_space<vmem>>
      %dma_start3A_213 = arith.constant 0 : i32
      %dma_start3A_214 = arith.constant 0 : i32
      %dma_start3A_215 = tpu.memref_slice %arg10[%dma_start3A_213, %dma_start3A_214] : memref<100000x64xf32, #tpu.memory_space<hbm>> -> memref<100000x64xf32, #tpu.memory_space<hbm>>
      tpu.enqueue_indirect_dma source(%dma_start3A_215 : memref<100000x64xf32, #tpu.memory_space<hbm>>) target(%arg23 : memref<256x64xf32, #tpu.memory_space<vmem>>) offsets(%dma_start3A_212 : memref<256xi32, #tpu.memory_space<vmem>>) semaphore(%arg39 : memref<!tpu.dma_semaphore, #tpu.memory_space<semaphore_mem>>)
      %dma_wait3A_216 = tpu.memref_slice %arg21[%mul3A_211] : memref<8192xi32, #tpu.memory_space<vmem>> -> memref<256xi32, #tpu.memory_space<vmem>>
      %dma_wait3A_217 = arith.constant 0 : i32
      %dma_wait3A_218 = arith.constant 0 : i32
      %dma_wait3A_219 = tpu.memref_slice %arg10[%dma_wait3A_217, %dma_wait3A_218] : memref<100000x64xf32, #tpu.memory_space<hbm>> -> memref<100000x64xf32, #tpu.memory_space<hbm>>
      tpu.wait_indirect_dma semaphore(%arg39 : memref<!tpu.dma_semaphore, #tpu.memory_space<semaphore_mem>>) src(%dma_wait3A_219 : memref<100000x64xf32, #tpu.memory_space<hbm>>) dst(%arg23 : memref<256x64xf32, #tpu.memory_space<vmem>>)
      "tpu.region"() ({
        %run_scoped3A = tpu.sem_alloc : memref<!tpu.dma_semaphore, #tpu.memory_space<semaphore_mem>>
        %dma_start3A_222 = tpu.memref_slice %arg22[%mul3A_211] : memref<8192xi32, #tpu.memory_space<vmem>> -> memref<256xi32, #tpu.memory_space<vmem>>
        %dma_start3A_223 = arith.constant 0 : i32
        %dma_start3A_224 = arith.constant 0 : i32
        %dma_start3A_225 = tpu.memref_slice %arg36[%dma_start3A_223, %dma_start3A_224] : memref<8320x64xf32, #tpu.memory_space<vmem_shared>> -> memref<8320x64xf32, #tpu.memory_space<vmem_shared>>
        tpu.enqueue_indirect_dma source(%arg23 : memref<256x64xf32, #tpu.memory_space<vmem>>) target(%dma_start3A_225 : memref<8320x64xf32, #tpu.memory_space<vmem_shared>>) offsets(%dma_start3A_222 : memref<256xi32, #tpu.memory_space<vmem>>) semaphore(%run_scoped3A : memref<!tpu.dma_semaphore, #tpu.memory_space<semaphore_mem>>) {add = true}
        %dma_wait3A_226 = tpu.memref_slice %arg22[%mul3A_211] : memref<8192xi32, #tpu.memory_space<vmem>> -> memref<256xi32, #tpu.memory_space<vmem>>
        %dma_wait3A_227 = arith.constant 0 : i32
        %dma_wait3A_228 = arith.constant 0 : i32
        %dma_wait3A_229 = tpu.memref_slice %arg36[%dma_wait3A_227, %dma_wait3A_228] : memref<8320x64xf32, #tpu.memory_space<vmem_shared>> -> memref<8320x64xf32, #tpu.memory_space<vmem_shared>>
        tpu.wait_indirect_dma semaphore(%run_scoped3A : memref<!tpu.dma_semaphore, #tpu.memory_space<semaphore_mem>>) src(%arg23 : memref<256x64xf32, #tpu.memory_space<vmem>>) dst(%dma_wait3A_229 : memref<8320x64xf32, #tpu.memory_space<vmem_shared>>)
        tpu.yield
      }) : () -> ()
      "tpu.region"() ({
        %run_scoped3A = tpu.sem_alloc : memref<!tpu.dma_semaphore, #tpu.memory_space<semaphore_mem>>
        %dma_start3A_222 = tpu.memref_slice %arg22[%mul3A_211] : memref<8192xi32, #tpu.memory_space<vmem>> -> memref<256xi32, #tpu.memory_space<vmem>>
        %dma_start3A_223 = arith.constant 0 : i32
        %dma_start3A_224 = tpu.memref_slice %arg37[%dma_start3A_223] : memref<8320xf32, #tpu.memory_space<vmem_shared>> -> memref<8320xf32, #tpu.memory_space<vmem_shared>>
        tpu.enqueue_indirect_dma source(%arg26 : memref<256xf32, #tpu.memory_space<vmem>>) target(%dma_start3A_224 : memref<8320xf32, #tpu.memory_space<vmem_shared>>) offsets(%dma_start3A_222 : memref<256xi32, #tpu.memory_space<vmem>>) semaphore(%run_scoped3A : memref<!tpu.dma_semaphore, #tpu.memory_space<semaphore_mem>>) {add = true}
        %dma_wait3A_225 = tpu.memref_slice %arg22[%mul3A_211] : memref<8192xi32, #tpu.memory_space<vmem>> -> memref<256xi32, #tpu.memory_space<vmem>>
        %dma_wait3A_226 = arith.constant 0 : i32
        %dma_wait3A_227 = tpu.memref_slice %arg37[%dma_wait3A_226] : memref<8320xf32, #tpu.memory_space<vmem_shared>> -> memref<8320xf32, #tpu.memory_space<vmem_shared>>
        tpu.wait_indirect_dma semaphore(%run_scoped3A : memref<!tpu.dma_semaphore, #tpu.memory_space<semaphore_mem>>) src(%arg26 : memref<256xf32, #tpu.memory_space<vmem>>) dst(%dma_wait3A_227 : memref<8320xf32, #tpu.memory_space<vmem_shared>>)
        tpu.yield
      }) : () -> ()
      %add3A_220 = arith.constant 1 : i32
      %add3A_221 = arith.addi %while3A_208, %add3A_220 : i32
      scf.yield %add3A_221 : i32
    }
    %barrier3A_54 = arith.constant 0 : index
    tpu.barrier barrier_id(%barrier3A_54)
    %mul3A_55 = arith.constant 1024 : i32
    %mul3A_56 = arith.muli %arg1, %mul3A_55 : i32
    "tpu.region"() ({
      %run_scoped3A = tpu.sem_alloc : memref<!tpu.dma_semaphore, #tpu.memory_space<semaphore_mem>>
      %dma_start3A_208 = tpu.memref_slice %arg4[%mul3A_56] : memref<16384xi32, #tpu.memory_space<hbm>> -> memref<1024xi32, #tpu.memory_space<hbm>>
      %dma_start3A_209 = tpu.memref_slice %arg4[%mul3A_56] : memref<16384xi32, #tpu.memory_space<hbm>> -> memref<1024xi32, #tpu.memory_space<hbm>>
      tpu.enqueue_dma source(%dma_start3A_209 : memref<1024xi32, #tpu.memory_space<hbm>>) target(%arg28 : memref<1024xi32, #tpu.memory_space<vmem>>) target_semaphore(%run_scoped3A : memref<!tpu.dma_semaphore, #tpu.memory_space<semaphore_mem>>)
      %dma_wait3A_210 = tpu.memref_slice %arg4[%mul3A_56] : memref<16384xi32, #tpu.memory_space<hbm>> -> memref<1024xi32, #tpu.memory_space<hbm>>
      %dma_wait3A_211 = tpu.memref_slice %arg4[%mul3A_56] : memref<16384xi32, #tpu.memory_space<hbm>> -> memref<1024xi32, #tpu.memory_space<hbm>>
      tpu.wait_dma2 semaphore(%run_scoped3A : memref<!tpu.dma_semaphore, #tpu.memory_space<semaphore_mem>>) src(%dma_wait3A_211 : memref<1024xi32, #tpu.memory_space<hbm>>) dst(%arg28 : memref<1024xi32, #tpu.memory_space<vmem>>)
      tpu.yield
    }) : () -> ()
    "tpu.region"() ({
      %run_scoped3A = tpu.sem_alloc : memref<!tpu.dma_semaphore, #tpu.memory_space<semaphore_mem>>
      %dma_start3A_208 = tpu.memref_slice %arg5[%mul3A_56] : memref<16384xi32, #tpu.memory_space<hbm>> -> memref<1024xi32, #tpu.memory_space<hbm>>
      %dma_start3A_209 = tpu.memref_slice %arg5[%mul3A_56] : memref<16384xi32, #tpu.memory_space<hbm>> -> memref<1024xi32, #tpu.memory_space<hbm>>
      tpu.enqueue_dma source(%dma_start3A_209 : memref<1024xi32, #tpu.memory_space<hbm>>) target(%arg29 : memref<1024xi32, #tpu.memory_space<vmem>>) target_semaphore(%run_scoped3A : memref<!tpu.dma_semaphore, #tpu.memory_space<semaphore_mem>>)
      %dma_wait3A_210 = tpu.memref_slice %arg5[%mul3A_56] : memref<16384xi32, #tpu.memory_space<hbm>> -> memref<1024xi32, #tpu.memory_space<hbm>>
      %dma_wait3A_211 = tpu.memref_slice %arg5[%mul3A_56] : memref<16384xi32, #tpu.memory_space<hbm>> -> memref<1024xi32, #tpu.memory_space<hbm>>
      tpu.wait_dma2 semaphore(%run_scoped3A : memref<!tpu.dma_semaphore, #tpu.memory_space<semaphore_mem>>) src(%dma_wait3A_211 : memref<1024xi32, #tpu.memory_space<hbm>>) dst(%arg29 : memref<1024xi32, #tpu.memory_space<vmem>>)
      tpu.yield
    }) : () -> ()
    %dma_start3A = arith.constant 0 : i32
    %dma_start3A_57 = tpu.memref_slice %arg38[%dma_start3A] : memref<100352xi32, #tpu.memory_space<vmem_shared>> -> memref<100352xi32, #tpu.memory_space<vmem_shared>>
    tpu.enqueue_indirect_dma source(%dma_start3A_57 : memref<100352xi32, #tpu.memory_space<vmem_shared>>) target(%arg31 : memref<1024xi32, #tpu.memory_space<vmem>>) offsets(%arg28 : memref<1024xi32, #tpu.memory_space<vmem>>) semaphore(%arg39 : memref<!tpu.dma_semaphore, #tpu.memory_space<semaphore_mem>>)
    %dma_wait3A = arith.constant 0 : i32
    %dma_wait3A_58 = tpu.memref_slice %arg38[%dma_wait3A] : memref<100352xi32, #tpu.memory_space<vmem_shared>> -> memref<100352xi32, #tpu.memory_space<vmem_shared>>
    tpu.wait_indirect_dma semaphore(%arg39 : memref<!tpu.dma_semaphore, #tpu.memory_space<semaphore_mem>>) src(%dma_wait3A_58 : memref<100352xi32, #tpu.memory_space<vmem_shared>>) dst(%arg31 : memref<1024xi32, #tpu.memory_space<vmem>>)
    %broadcast_in_dim3A_59 = arith.constant 0 : i32
    %broadcast_in_dim3A_60 = vector.broadcast %broadcast_in_dim3A_59 : i32 to vector<16xi32>
    %add3A_61 = arith.constant 8200 : i32
    %add3A_62 = vector.broadcast %add3A_61 : i32 to vector<16xi32>
    %add3A_63 = arith.addi %broadcast_in_dim3A_60, %add3A_62 : vector<16xi32>
    %scan3A_64 = arith.constant 0 : i32
    %scan3A_65 = arith.constant 0 : i32
    %scan3A_66 = arith.constant 64 : i32
    %scan3A_67 = arith.addi %scan3A_65, %scan3A_66 : i32
    %scan3A_68 = arith.constant 1 : i32
    scf.for %scan3A_208 = %scan3A_65 to %scan3A_67 step %scan3A_68  : i32 {
      %mul3A_209 = arith.constant 16 : i32
      %mul3A_210 = arith.muli %scan3A_208, %mul3A_209 : i32
      %get3A = arith.index_cast %mul3A_210 : i32 to index
      %get3A_211 = tpu.vector_load %arg31[%get3A] {strides = array<i32>} : memref<1024xi32, #tpu.memory_space<vmem>>, vector<16xi32>,
      %sub3A = vector.broadcast %mul3A_32 : i32 to vector<16xi32>
      %sub3A_212 = arith.subi %get3A_211, %sub3A : vector<16xi32>
      %ge3A = arith.constant 0 : i32
      %ge3A_213 = vector.broadcast %ge3A : i32 to vector<16xi32>
      %ge3A_214 = arith.cmpi sge, %sub3A_212, %ge3A_213 : vector<16xi32>
      %lt3A = arith.constant 8192 : i32
      %lt3A_215 = vector.broadcast %lt3A : i32 to vector<16xi32>
      %lt3A_216 = arith.cmpi slt, %sub3A_212, %lt3A_215 : vector<16xi32>
      %and3A = arith.andi %ge3A_214, %lt3A_216 : vector<16xi1>
      %select_n3A = arith.select %and3A, %sub3A_212, %add3A_63 : vector<16xi1>, vector<16xi32>
      %mul3A_217 = arith.constant 16 : i32
      %mul3A_218 = arith.muli %scan3A_208, %mul3A_217 : i32
      %swap3A = arith.index_cast %mul3A_218 : i32 to index
      %swap3A_219 = tpu.vector_load %arg32[%swap3A] {strides = array<i32>} : memref<1024xi32, #tpu.memory_space<vmem>>, vector<16xi32>,
      tpu.vector_store %arg32[%swap3A], %select_n3A {strides = array<i32>} : memref<1024xi32, #tpu.memory_space<vmem>>, vector<16xi32>,
    }
    %scan3A_69 = arith.constant 64 : i32
    %eq3A = arith.constant 15 : i32
    %eq3A_70 = vector.broadcast %eq3A : i32 to vector<16xi32>
    %eq3A_71 = arith.cmpi eq, %iota3A, %eq3A_70 : vector<16xi32>
    %dma_start3A_72 = arith.constant 0 : i32
    %dma_start3A_73 = tpu.memref_slice %arg29[%dma_start3A_72] : memref<1024xi32, #tpu.memory_space<vmem>> -> memref<256xi32, #tpu.memory_space<vmem>>
    %dma_start3A_74 = arith.constant 0 : i32
    %dma_start3A_75 = arith.constant 0 : i32
    %dma_start3A_76 = tpu.memref_slice %arg7[%dma_start3A_74, %dma_start3A_75] : memref<100000x64xf32, #tpu.memory_space<hbm>> -> memref<100000x64xf32, #tpu.memory_space<hbm>>
    tpu.enqueue_indirect_dma source(%dma_start3A_76 : memref<100000x64xf32, #tpu.memory_space<hbm>>) target(%arg24 : memref<256x64xf32, #tpu.memory_space<vmem>>) offsets(%dma_start3A_73 : memref<256xi32, #tpu.memory_space<vmem>>) semaphore(%arg39 : memref<!tpu.dma_semaphore, #tpu.memory_space<semaphore_mem>>)
    %dma_wait3A_77 = arith.constant 0 : i32
    %dma_wait3A_78 = tpu.memref_slice %arg29[%dma_wait3A_77] : memref<1024xi32, #tpu.memory_space<vmem>> -> memref<256xi32, #tpu.memory_space<vmem>>
    %dma_wait3A_79 = arith.constant 0 : i32
    %dma_wait3A_80 = arith.constant 0 : i32
    %dma_wait3A_81 = tpu.memref_slice %arg7[%dma_wait3A_79, %dma_wait3A_80] : memref<100000x64xf32, #tpu.memory_space<hbm>> -> memref<100000x64xf32, #tpu.memory_space<hbm>>
    tpu.wait_indirect_dma semaphore(%arg39 : memref<!tpu.dma_semaphore, #tpu.memory_space<semaphore_mem>>) src(%dma_wait3A_81 : memref<100000x64xf32, #tpu.memory_space<hbm>>) dst(%arg24 : memref<256x64xf32, #tpu.memory_space<vmem>>)
    %dma_start3A_82 = arith.constant 0 : i32
    %dma_start3A_83 = tpu.memref_slice %arg32[%dma_start3A_82] : memref<1024xi32, #tpu.memory_space<vmem>> -> memref<256xi32, #tpu.memory_space<vmem>>
    %dma_start3A_84 = arith.constant 0 : i32
    %dma_start3A_85 = arith.constant 0 : i32
    %dma_start3A_86 = tpu.memref_slice %arg36[%dma_start3A_84, %dma_start3A_85] : memref<8320x64xf32, #tpu.memory_space<vmem_shared>> -> memref<8320x64xf32, #tpu.memory_space<vmem_shared>>
    tpu.enqueue_indirect_dma source(%dma_start3A_86 : memref<8320x64xf32, #tpu.memory_space<vmem_shared>>) target(%arg23 : memref<256x64xf32, #tpu.memory_space<vmem>>) offsets(%dma_start3A_83 : memref<256xi32, #tpu.memory_space<vmem>>) semaphore(%arg39 : memref<!tpu.dma_semaphore, #tpu.memory_space<semaphore_mem>>)
    %dma_wait3A_87 = arith.constant 0 : i32
    %dma_wait3A_88 = tpu.memref_slice %arg32[%dma_wait3A_87] : memref<1024xi32, #tpu.memory_space<vmem>> -> memref<256xi32, #tpu.memory_space<vmem>>
    %dma_wait3A_89 = arith.constant 0 : i32
    %dma_wait3A_90 = arith.constant 0 : i32
    %dma_wait3A_91 = tpu.memref_slice %arg36[%dma_wait3A_89, %dma_wait3A_90] : memref<8320x64xf32, #tpu.memory_space<vmem_shared>> -> memref<8320x64xf32, #tpu.memory_space<vmem_shared>>
    tpu.wait_indirect_dma semaphore(%arg39 : memref<!tpu.dma_semaphore, #tpu.memory_space<semaphore_mem>>) src(%dma_wait3A_91 : memref<8320x64xf32, #tpu.memory_space<vmem_shared>>) dst(%arg23 : memref<256x64xf32, #tpu.memory_space<vmem>>)
    %scan3A_92 = arith.constant 0 : i32
    %scan3A_93 = arith.constant 0 : i32
    %scan3A_94 = arith.constant 256 : i32
    %scan3A_95 = arith.addi %scan3A_93, %scan3A_94 : i32
    %scan3A_96 = arith.constant 1 : i32
    scf.for %scan3A_208 = %scan3A_93 to %scan3A_95 step %scan3A_96  : i32 {
      %get3A = arith.index_cast %scan3A_208 : i32 to index
      %get3A_209 = arith.constant 0 : index
      %get3A_210 = tpu.vector_load %arg24[%get3A, %get3A_209] {strides = array<i32>} : memref<256x64xf32, #tpu.memory_space<vmem>>, vector<16xf32>,
      %get3A_211 = arith.index_cast %scan3A_208 : i32 to index
      %get3A_212 = arith.constant 0 : index
      %get3A_213 = tpu.vector_load %arg23[%get3A_211, %get3A_212] {strides = array<i32>} : memref<256x64xf32, #tpu.memory_space<vmem>>, vector<16xf32>,
      %mul3A_214 = arith.mulf %get3A_210, %get3A_213 : vector<16xf32>
      %get3A_215 = arith.index_cast %scan3A_208 : i32 to index
      %get3A_216 = arith.constant 16 : index
      %get3A_217 = tpu.vector_load %arg24[%get3A_215, %get3A_216] {strides = array<i32>} : memref<256x64xf32, #tpu.memory_space<vmem>>, vector<16xf32>,
      %get3A_218 = arith.index_cast %scan3A_208 : i32 to index
      %get3A_219 = arith.constant 16 : index
      %get3A_220 = tpu.vector_load %arg23[%get3A_218, %get3A_219] {strides = array<i32>} : memref<256x64xf32, #tpu.memory_space<vmem>>, vector<16xf32>,
      %mul3A_221 = arith.mulf %get3A_217, %get3A_220 : vector<16xf32>
      %add3A_222 = arith.addf %mul3A_214, %mul3A_221 : vector<16xf32>
      %get3A_223 = arith.index_cast %scan3A_208 : i32 to index
      %get3A_224 = arith.constant 32 : index
      %get3A_225 = tpu.vector_load %arg24[%get3A_223, %get3A_224] {strides = array<i32>} : memref<256x64xf32, #tpu.memory_space<vmem>>, vector<16xf32>,
      %get3A_226 = arith.index_cast %scan3A_208 : i32 to index
      %get3A_227 = arith.constant 32 : index
      %get3A_228 = tpu.vector_load %arg23[%get3A_226, %get3A_227] {strides = array<i32>} : memref<256x64xf32, #tpu.memory_space<vmem>>, vector<16xf32>,
      %mul3A_229 = arith.mulf %get3A_225, %get3A_228 : vector<16xf32>
      %add3A_230 = arith.addf %add3A_222, %mul3A_229 : vector<16xf32>
      %get3A_231 = arith.index_cast %scan3A_208 : i32 to index
      %get3A_232 = arith.constant 48 : index
      %get3A_233 = tpu.vector_load %arg24[%get3A_231, %get3A_232] {strides = array<i32>} : memref<256x64xf32, #tpu.memory_space<vmem>>, vector<16xf32>,
      %get3A_234 = arith.index_cast %scan3A_208 : i32 to index
      %get3A_235 = arith.constant 48 : index
      %get3A_236 = tpu.vector_load %arg23[%get3A_234, %get3A_235] {strides = array<i32>} : memref<256x64xf32, #tpu.memory_space<vmem>>, vector<16xf32>,
      %mul3A_237 = arith.mulf %get3A_233, %get3A_236 : vector<16xf32>
      %add3A_238 = arith.addf %add3A_230, %mul3A_237 : vector<16xf32>
      %broadcast_in_dim3A_239 = arith.constant true
      %broadcast_in_dim3A_240 = vector.broadcast %broadcast_in_dim3A_239 : i1 to vector<16xi1>
      %masked_cumsum3A = tpu.scan <sum>, %add3A_238 masked %broadcast_in_dim3A_240 : vector<16xf32>, vector<16xi1> -> vector<16xf32>
      %broadcast_in_dim3A_241 = arith.constant 0 : i32
      %broadcast_in_dim3A_242 = vector.broadcast %broadcast_in_dim3A_241 : i32 to vector<16xi32>
      %add3A_243 = arith.constant 0 : i32
      %add3A_244 = arith.addi %add3A_243, %scan3A_208 : i32
      %add3A_245 = vector.broadcast %add3A_244 : i32 to vector<16xi32>
      %add3A_246 = arith.addi %broadcast_in_dim3A_242, %add3A_245 : vector<16xi32>
      tpu.vector_store_idx %arg34[%add3A_246], %masked_cumsum3A masked %eq3A_71 : memref<1024xf32, #tpu.memory_space<vmem>>[vector<16xi32>], vector<16xf32>, vector<16xi1>
    }
    %scan3A_97 = arith.constant 256 : i32
    %eq3A_98 = arith.constant 0 : i32
    %eq3A_99 = arith.cmpi eq, %arg0, %eq3A_98 : i32
    %convert_element_type3A = arith.extui %eq3A_99 : i1 to i32
    %cond3A = arith.constant 0 : i32
    %cond3A_100 = arith.cmpi ne, %convert_element_type3A, %cond3A : i32
    scf.if %cond3A_100 {
      %dma_start3A_208 = arith.constant 0 : i32
      %dma_start3A_209 = tpu.memref_slice %arg28[%dma_start3A_208] : memref<1024xi32, #tpu.memory_space<vmem>> -> memref<256xi32, #tpu.memory_space<vmem>>
      %dma_start3A_210 = arith.constant 0 : i32
      %dma_start3A_211 = arith.constant 0 : i32
      %dma_start3A_212 = tpu.memref_slice %arg6[%dma_start3A_210, %dma_start3A_211] : memref<100000x64xf32, #tpu.memory_space<hbm>> -> memref<100000x64xf32, #tpu.memory_space<hbm>>
      tpu.enqueue_indirect_dma source(%dma_start3A_212 : memref<100000x64xf32, #tpu.memory_space<hbm>>) target(%arg25 : memref<256x64xf32, #tpu.memory_space<vmem>>) offsets(%dma_start3A_209 : memref<256xi32, #tpu.memory_space<vmem>>) semaphore(%arg39 : memref<!tpu.dma_semaphore, #tpu.memory_space<semaphore_mem>>)
      %dma_wait3A_213 = arith.constant 0 : i32
      %dma_wait3A_214 = tpu.memref_slice %arg28[%dma_wait3A_213] : memref<1024xi32, #tpu.memory_space<vmem>> -> memref<256xi32, #tpu.memory_space<vmem>>
      %dma_wait3A_215 = arith.constant 0 : i32
      %dma_wait3A_216 = arith.constant 0 : i32
      %dma_wait3A_217 = tpu.memref_slice %arg6[%dma_wait3A_215, %dma_wait3A_216] : memref<100000x64xf32, #tpu.memory_space<hbm>> -> memref<100000x64xf32, #tpu.memory_space<hbm>>
      tpu.wait_indirect_dma semaphore(%arg39 : memref<!tpu.dma_semaphore, #tpu.memory_space<semaphore_mem>>) src(%dma_wait3A_217 : memref<100000x64xf32, #tpu.memory_space<hbm>>) dst(%arg25 : memref<256x64xf32, #tpu.memory_space<vmem>>)
      %scan3A_218 = arith.constant 0 : i32
      %scan3A_219 = arith.constant 0 : i32
      %scan3A_220 = arith.constant 256 : i32
      %scan3A_221 = arith.addi %scan3A_219, %scan3A_220 : i32
      %scan3A_222 = arith.constant 1 : i32
      scf.for %scan3A_224 = %scan3A_219 to %scan3A_221 step %scan3A_222  : i32 {
        %get3A = arith.index_cast %scan3A_224 : i32 to index
        %get3A_225 = arith.constant 0 : index
        %get3A_226 = tpu.vector_load %arg24[%get3A, %get3A_225] {strides = array<i32>} : memref<256x64xf32, #tpu.memory_space<vmem>>, vector<16xf32>,
        %get3A_227 = arith.index_cast %scan3A_224 : i32 to index
        %get3A_228 = arith.constant 0 : index
        %get3A_229 = tpu.vector_load %arg25[%get3A_227, %get3A_228] {strides = array<i32>} : memref<256x64xf32, #tpu.memory_space<vmem>>, vector<16xf32>,
        %mul3A_230 = arith.mulf %get3A_226, %get3A_229 : vector<16xf32>
        %get3A_231 = arith.index_cast %scan3A_224 : i32 to index
        %get3A_232 = arith.constant 16 : index
        %get3A_233 = tpu.vector_load %arg24[%get3A_231, %get3A_232] {strides = array<i32>} : memref<256x64xf32, #tpu.memory_space<vmem>>, vector<16xf32>,
        %get3A_234 = arith.index_cast %scan3A_224 : i32 to index
        %get3A_235 = arith.constant 16 : index
        %get3A_236 = tpu.vector_load %arg25[%get3A_234, %get3A_235] {strides = array<i32>} : memref<256x64xf32, #tpu.memory_space<vmem>>, vector<16xf32>,
        %mul3A_237 = arith.mulf %get3A_233, %get3A_236 : vector<16xf32>
        %add3A_238 = arith.addf %mul3A_230, %mul3A_237 : vector<16xf32>
        %get3A_239 = arith.index_cast %scan3A_224 : i32 to index
        %get3A_240 = arith.constant 32 : index
        %get3A_241 = tpu.vector_load %arg24[%get3A_239, %get3A_240] {strides = array<i32>} : memref<256x64xf32, #tpu.memory_space<vmem>>, vector<16xf32>,
        %get3A_242 = arith.index_cast %scan3A_224 : i32 to index
        %get3A_243 = arith.constant 32 : index
        %get3A_244 = tpu.vector_load %arg25[%get3A_242, %get3A_243] {strides = array<i32>} : memref<256x64xf32, #tpu.memory_space<vmem>>, vector<16xf32>,
        %mul3A_245 = arith.mulf %get3A_241, %get3A_244 : vector<16xf32>
        %add3A_246 = arith.addf %add3A_238, %mul3A_245 : vector<16xf32>
        %get3A_247 = arith.index_cast %scan3A_224 : i32 to index
        %get3A_248 = arith.constant 48 : index
        %get3A_249 = tpu.vector_load %arg24[%get3A_247, %get3A_248] {strides = array<i32>} : memref<256x64xf32, #tpu.memory_space<vmem>>, vector<16xf32>,
        %get3A_250 = arith.index_cast %scan3A_224 : i32 to index
        %get3A_251 = arith.constant 48 : index
        %get3A_252 = tpu.vector_load %arg25[%get3A_250, %get3A_251] {strides = array<i32>} : memref<256x64xf32, #tpu.memory_space<vmem>>, vector<16xf32>,
        %mul3A_253 = arith.mulf %get3A_249, %get3A_252 : vector<16xf32>
        %add3A_254 = arith.addf %add3A_246, %mul3A_253 : vector<16xf32>
        %broadcast_in_dim3A_255 = arith.constant true
        %broadcast_in_dim3A_256 = vector.broadcast %broadcast_in_dim3A_255 : i1 to vector<16xi1>
        %masked_cumsum3A = tpu.scan <sum>, %add3A_254 masked %broadcast_in_dim3A_256 : vector<16xf32>, vector<16xi1> -> vector<16xf32>
        %broadcast_in_dim3A_257 = arith.constant 0 : i32
        %broadcast_in_dim3A_258 = vector.broadcast %broadcast_in_dim3A_257 : i32 to vector<16xi32>
        %add3A_259 = arith.constant 0 : i32
        %add3A_260 = arith.addi %add3A_259, %scan3A_224 : i32
        %add3A_261 = vector.broadcast %add3A_260 : i32 to vector<16xi32>
        %add3A_262 = arith.addi %broadcast_in_dim3A_258, %add3A_261 : vector<16xi32>
        tpu.vector_store_idx %arg35[%add3A_262], %masked_cumsum3A masked %eq3A_71 : memref<1024xf32, #tpu.memory_space<vmem>>[vector<16xi32>], vector<16xf32>, vector<16xi1>
      }
      %scan3A_223 = arith.constant 256 : i32
    } else {
    }
    %dma_start3A_101 = arith.constant 256 : i32
    %dma_start3A_102 = tpu.memref_slice %arg29[%dma_start3A_101] : memref<1024xi32, #tpu.memory_space<vmem>> -> memref<256xi32, #tpu.memory_space<vmem>>
    %dma_start3A_103 = arith.constant 0 : i32
    %dma_start3A_104 = arith.constant 0 : i32
    %dma_start3A_105 = tpu.memref_slice %arg7[%dma_start3A_103, %dma_start3A_104] : memref<100000x64xf32, #tpu.memory_space<hbm>> -> memref<100000x64xf32, #tpu.memory_space<hbm>>
    tpu.enqueue_indirect_dma source(%dma_start3A_105 : memref<100000x64xf32, #tpu.memory_space<hbm>>) target(%arg24 : memref<256x64xf32, #tpu.memory_space<vmem>>) offsets(%dma_start3A_102 : memref<256xi32, #tpu.memory_space<vmem>>) semaphore(%arg39 : memref<!tpu.dma_semaphore, #tpu.memory_space<semaphore_mem>>)
    %dma_wait3A_106 = arith.constant 256 : i32
    %dma_wait3A_107 = tpu.memref_slice %arg29[%dma_wait3A_106] : memref<1024xi32, #tpu.memory_space<vmem>> -> memref<256xi32, #tpu.memory_space<vmem>>
    %dma_wait3A_108 = arith.constant 0 : i32
    %dma_wait3A_109 = arith.constant 0 : i32
    %dma_wait3A_110 = tpu.memref_slice %arg7[%dma_wait3A_108, %dma_wait3A_109] : memref<100000x64xf32, #tpu.memory_space<hbm>> -> memref<100000x64xf32, #tpu.memory_space<hbm>>
    tpu.wait_indirect_dma semaphore(%arg39 : memref<!tpu.dma_semaphore, #tpu.memory_space<semaphore_mem>>) src(%dma_wait3A_110 : memref<100000x64xf32, #tpu.memory_space<hbm>>) dst(%arg24 : memref<256x64xf32, #tpu.memory_space<vmem>>)
    %dma_start3A_111 = arith.constant 256 : i32
    %dma_start3A_112 = tpu.memref_slice %arg32[%dma_start3A_111] : memref<1024xi32, #tpu.memory_space<vmem>> -> memref<256xi32, #tpu.memory_space<vmem>>
    %dma_start3A_113 = arith.constant 0 : i32
    %dma_start3A_114 = arith.constant 0 : i32
    %dma_start3A_115 = tpu.memref_slice %arg36[%dma_start3A_113, %dma_start3A_114] : memref<8320x64xf32, #tpu.memory_space<vmem_shared>> -> memref<8320x64xf32, #tpu.memory_space<vmem_shared>>
    tpu.enqueue_indirect_dma source(%dma_start3A_115 : memref<8320x64xf32, #tpu.memory_space<vmem_shared>>) target(%arg23 : memref<256x64xf32, #tpu.memory_space<vmem>>) offsets(%dma_start3A_112 : memref<256xi32, #tpu.memory_space<vmem>>) semaphore(%arg39 : memref<!tpu.dma_semaphore, #tpu.memory_space<semaphore_mem>>)
    %dma_wait3A_116 = arith.constant 256 : i32
    %dma_wait3A_117 = tpu.memref_slice %arg32[%dma_wait3A_116] : memref<1024xi32, #tpu.memory_space<vmem>> -> memref<256xi32, #tpu.memory_space<vmem>>
    %dma_wait3A_118 = arith.constant 0 : i32
    %dma_wait3A_119 = arith.constant 0 : i32
    %dma_wait3A_120 = tpu.memref_slice %arg36[%dma_wait3A_118, %dma_wait3A_119] : memref<8320x64xf32, #tpu.memory_space<vmem_shared>> -> memref<8320x64xf32, #tpu.memory_space<vmem_shared>>
    tpu.wait_indirect_dma semaphore(%arg39 : memref<!tpu.dma_semaphore, #tpu.memory_space<semaphore_mem>>) src(%dma_wait3A_120 : memref<8320x64xf32, #tpu.memory_space<vmem_shared>>) dst(%arg23 : memref<256x64xf32, #tpu.memory_space<vmem>>)
    %scan3A_121 = arith.constant 0 : i32
    %scan3A_122 = arith.constant 0 : i32
    %scan3A_123 = arith.constant 256 : i32
    %scan3A_124 = arith.addi %scan3A_122, %scan3A_123 : i32
    %scan3A_125 = arith.constant 1 : i32
    scf.for %scan3A_208 = %scan3A_122 to %scan3A_124 step %scan3A_125  : i32 {
      %get3A = arith.index_cast %scan3A_208 : i32 to index
      %get3A_209 = arith.constant 0 : index
      %get3A_210 = tpu.vector_load %arg24[%get3A, %get3A_209] {strides = array<i32>} : memref<256x64xf32, #tpu.memory_space<vmem>>, vector<16xf32>,
      %get3A_211 = arith.index_cast %scan3A_208 : i32 to index
      %get3A_212 = arith.constant 0 : index
      %get3A_213 = tpu.vector_load %arg23[%get3A_211, %get3A_212] {strides = array<i32>} : memref<256x64xf32, #tpu.memory_space<vmem>>, vector<16xf32>,
      %mul3A_214 = arith.mulf %get3A_210, %get3A_213 : vector<16xf32>
      %get3A_215 = arith.index_cast %scan3A_208 : i32 to index
      %get3A_216 = arith.constant 16 : index
      %get3A_217 = tpu.vector_load %arg24[%get3A_215, %get3A_216] {strides = array<i32>} : memref<256x64xf32, #tpu.memory_space<vmem>>, vector<16xf32>,
      %get3A_218 = arith.index_cast %scan3A_208 : i32 to index
      %get3A_219 = arith.constant 16 : index
      %get3A_220 = tpu.vector_load %arg23[%get3A_218, %get3A_219] {strides = array<i32>} : memref<256x64xf32, #tpu.memory_space<vmem>>, vector<16xf32>,
      %mul3A_221 = arith.mulf %get3A_217, %get3A_220 : vector<16xf32>
      %add3A_222 = arith.addf %mul3A_214, %mul3A_221 : vector<16xf32>
      %get3A_223 = arith.index_cast %scan3A_208 : i32 to index
      %get3A_224 = arith.constant 32 : index
      %get3A_225 = tpu.vector_load %arg24[%get3A_223, %get3A_224] {strides = array<i32>} : memref<256x64xf32, #tpu.memory_space<vmem>>, vector<16xf32>,
      %get3A_226 = arith.index_cast %scan3A_208 : i32 to index
      %get3A_227 = arith.constant 32 : index
      %get3A_228 = tpu.vector_load %arg23[%get3A_226, %get3A_227] {strides = array<i32>} : memref<256x64xf32, #tpu.memory_space<vmem>>, vector<16xf32>,
      %mul3A_229 = arith.mulf %get3A_225, %get3A_228 : vector<16xf32>
      %add3A_230 = arith.addf %add3A_222, %mul3A_229 : vector<16xf32>
      %get3A_231 = arith.index_cast %scan3A_208 : i32 to index
      %get3A_232 = arith.constant 48 : index
      %get3A_233 = tpu.vector_load %arg24[%get3A_231, %get3A_232] {strides = array<i32>} : memref<256x64xf32, #tpu.memory_space<vmem>>, vector<16xf32>,
      %get3A_234 = arith.index_cast %scan3A_208 : i32 to index
      %get3A_235 = arith.constant 48 : index
      %get3A_236 = tpu.vector_load %arg23[%get3A_234, %get3A_235] {strides = array<i32>} : memref<256x64xf32, #tpu.memory_space<vmem>>, vector<16xf32>,
      %mul3A_237 = arith.mulf %get3A_233, %get3A_236 : vector<16xf32>
      %add3A_238 = arith.addf %add3A_230, %mul3A_237 : vector<16xf32>
      %broadcast_in_dim3A_239 = arith.constant true
      %broadcast_in_dim3A_240 = vector.broadcast %broadcast_in_dim3A_239 : i1 to vector<16xi1>
      %masked_cumsum3A = tpu.scan <sum>, %add3A_238 masked %broadcast_in_dim3A_240 : vector<16xf32>, vector<16xi1> -> vector<16xf32>
      %broadcast_in_dim3A_241 = arith.constant 0 : i32
      %broadcast_in_dim3A_242 = vector.broadcast %broadcast_in_dim3A_241 : i32 to vector<16xi32>
      %add3A_243 = arith.constant 256 : i32
      %add3A_244 = arith.addi %add3A_243, %scan3A_208 : i32
      %add3A_245 = vector.broadcast %add3A_244 : i32 to vector<16xi32>
      %add3A_246 = arith.addi %broadcast_in_dim3A_242, %add3A_245 : vector<16xi32>
      tpu.vector_store_idx %arg34[%add3A_246], %masked_cumsum3A masked %eq3A_71 : memref<1024xf32, #tpu.memory_space<vmem>>[vector<16xi32>], vector<16xf32>, vector<16xi1>
    }
    %scan3A_126 = arith.constant 256 : i32
    %eq3A_127 = arith.constant 0 : i32
    %eq3A_128 = arith.cmpi eq, %arg0, %eq3A_127 : i32
    %convert_element_type3A_129 = arith.extui %eq3A_128 : i1 to i32
    %cond3A_130 = arith.constant 0 : i32
    %cond3A_131 = arith.cmpi ne, %convert_element_type3A_129, %cond3A_130 : i32
    scf.if %cond3A_131 {
      %dma_start3A_208 = arith.constant 256 : i32
      %dma_start3A_209 = tpu.memref_slice %arg28[%dma_start3A_208] : memref<1024xi32, #tpu.memory_space<vmem>> -> memref<256xi32, #tpu.memory_space<vmem>>
      %dma_start3A_210 = arith.constant 0 : i32
      %dma_start3A_211 = arith.constant 0 : i32
      %dma_start3A_212 = tpu.memref_slice %arg6[%dma_start3A_210, %dma_start3A_211] : memref<100000x64xf32, #tpu.memory_space<hbm>> -> memref<100000x64xf32, #tpu.memory_space<hbm>>
      tpu.enqueue_indirect_dma source(%dma_start3A_212 : memref<100000x64xf32, #tpu.memory_space<hbm>>) target(%arg25 : memref<256x64xf32, #tpu.memory_space<vmem>>) offsets(%dma_start3A_209 : memref<256xi32, #tpu.memory_space<vmem>>) semaphore(%arg39 : memref<!tpu.dma_semaphore, #tpu.memory_space<semaphore_mem>>)
      %dma_wait3A_213 = arith.constant 256 : i32
      %dma_wait3A_214 = tpu.memref_slice %arg28[%dma_wait3A_213] : memref<1024xi32, #tpu.memory_space<vmem>> -> memref<256xi32, #tpu.memory_space<vmem>>
      %dma_wait3A_215 = arith.constant 0 : i32
      %dma_wait3A_216 = arith.constant 0 : i32
      %dma_wait3A_217 = tpu.memref_slice %arg6[%dma_wait3A_215, %dma_wait3A_216] : memref<100000x64xf32, #tpu.memory_space<hbm>> -> memref<100000x64xf32, #tpu.memory_space<hbm>>
      tpu.wait_indirect_dma semaphore(%arg39 : memref<!tpu.dma_semaphore, #tpu.memory_space<semaphore_mem>>) src(%dma_wait3A_217 : memref<100000x64xf32, #tpu.memory_space<hbm>>) dst(%arg25 : memref<256x64xf32, #tpu.memory_space<vmem>>)
      %scan3A_218 = arith.constant 0 : i32
      %scan3A_219 = arith.constant 0 : i32
      %scan3A_220 = arith.constant 256 : i32
      %scan3A_221 = arith.addi %scan3A_219, %scan3A_220 : i32
      %scan3A_222 = arith.constant 1 : i32
      scf.for %scan3A_224 = %scan3A_219 to %scan3A_221 step %scan3A_222  : i32 {
        %get3A = arith.index_cast %scan3A_224 : i32 to index
        %get3A_225 = arith.constant 0 : index
        %get3A_226 = tpu.vector_load %arg24[%get3A, %get3A_225] {strides = array<i32>} : memref<256x64xf32, #tpu.memory_space<vmem>>, vector<16xf32>,
        %get3A_227 = arith.index_cast %scan3A_224 : i32 to index
        %get3A_228 = arith.constant 0 : index
        %get3A_229 = tpu.vector_load %arg25[%get3A_227, %get3A_228] {strides = array<i32>} : memref<256x64xf32, #tpu.memory_space<vmem>>, vector<16xf32>,
        %mul3A_230 = arith.mulf %get3A_226, %get3A_229 : vector<16xf32>
        %get3A_231 = arith.index_cast %scan3A_224 : i32 to index
        %get3A_232 = arith.constant 16 : index
        %get3A_233 = tpu.vector_load %arg24[%get3A_231, %get3A_232] {strides = array<i32>} : memref<256x64xf32, #tpu.memory_space<vmem>>, vector<16xf32>,
        %get3A_234 = arith.index_cast %scan3A_224 : i32 to index
        %get3A_235 = arith.constant 16 : index
        %get3A_236 = tpu.vector_load %arg25[%get3A_234, %get3A_235] {strides = array<i32>} : memref<256x64xf32, #tpu.memory_space<vmem>>, vector<16xf32>,
        %mul3A_237 = arith.mulf %get3A_233, %get3A_236 : vector<16xf32>
        %add3A_238 = arith.addf %mul3A_230, %mul3A_237 : vector<16xf32>
        %get3A_239 = arith.index_cast %scan3A_224 : i32 to index
        %get3A_240 = arith.constant 32 : index
        %get3A_241 = tpu.vector_load %arg24[%get3A_239, %get3A_240] {strides = array<i32>} : memref<256x64xf32, #tpu.memory_space<vmem>>, vector<16xf32>,
        %get3A_242 = arith.index_cast %scan3A_224 : i32 to index
        %get3A_243 = arith.constant 32 : index
        %get3A_244 = tpu.vector_load %arg25[%get3A_242, %get3A_243] {strides = array<i32>} : memref<256x64xf32, #tpu.memory_space<vmem>>, vector<16xf32>,
        %mul3A_245 = arith.mulf %get3A_241, %get3A_244 : vector<16xf32>
        %add3A_246 = arith.addf %add3A_238, %mul3A_245 : vector<16xf32>
        %get3A_247 = arith.index_cast %scan3A_224 : i32 to index
        %get3A_248 = arith.constant 48 : index
        %get3A_249 = tpu.vector_load %arg24[%get3A_247, %get3A_248] {strides = array<i32>} : memref<256x64xf32, #tpu.memory_space<vmem>>, vector<16xf32>,
        %get3A_250 = arith.index_cast %scan3A_224 : i32 to index
        %get3A_251 = arith.constant 48 : index
        %get3A_252 = tpu.vector_load %arg25[%get3A_250, %get3A_251] {strides = array<i32>} : memref<256x64xf32, #tpu.memory_space<vmem>>, vector<16xf32>,
        %mul3A_253 = arith.mulf %get3A_249, %get3A_252 : vector<16xf32>
        %add3A_254 = arith.addf %add3A_246, %mul3A_253 : vector<16xf32>
        %broadcast_in_dim3A_255 = arith.constant true
        %broadcast_in_dim3A_256 = vector.broadcast %broadcast_in_dim3A_255 : i1 to vector<16xi1>
        %masked_cumsum3A = tpu.scan <sum>, %add3A_254 masked %broadcast_in_dim3A_256 : vector<16xf32>, vector<16xi1> -> vector<16xf32>
        %broadcast_in_dim3A_257 = arith.constant 0 : i32
        %broadcast_in_dim3A_258 = vector.broadcast %broadcast_in_dim3A_257 : i32 to vector<16xi32>
        %add3A_259 = arith.constant 256 : i32
        %add3A_260 = arith.addi %add3A_259, %scan3A_224 : i32
        %add3A_261 = vector.broadcast %add3A_260 : i32 to vector<16xi32>
        %add3A_262 = arith.addi %broadcast_in_dim3A_258, %add3A_261 : vector<16xi32>
        tpu.vector_store_idx %arg35[%add3A_262], %masked_cumsum3A masked %eq3A_71 : memref<1024xf32, #tpu.memory_space<vmem>>[vector<16xi32>], vector<16xf32>, vector<16xi1>
      }
      %scan3A_223 = arith.constant 256 : i32
    } else {
    }
    %dma_start3A_132 = arith.constant 512 : i32
    %dma_start3A_133 = tpu.memref_slice %arg29[%dma_start3A_132] : memref<1024xi32, #tpu.memory_space<vmem>> -> memref<256xi32, #tpu.memory_space<vmem>>
    %dma_start3A_134 = arith.constant 0 : i32
    %dma_start3A_135 = arith.constant 0 : i32
    %dma_start3A_136 = tpu.memref_slice %arg7[%dma_start3A_134, %dma_start3A_135] : memref<100000x64xf32, #tpu.memory_space<hbm>> -> memref<100000x64xf32, #tpu.memory_space<hbm>>
    tpu.enqueue_indirect_dma source(%dma_start3A_136 : memref<100000x64xf32, #tpu.memory_space<hbm>>) target(%arg24 : memref<256x64xf32, #tpu.memory_space<vmem>>) offsets(%dma_start3A_133 : memref<256xi32, #tpu.memory_space<vmem>>) semaphore(%arg39 : memref<!tpu.dma_semaphore, #tpu.memory_space<semaphore_mem>>)
    %dma_wait3A_137 = arith.constant 512 : i32
    %dma_wait3A_138 = tpu.memref_slice %arg29[%dma_wait3A_137] : memref<1024xi32, #tpu.memory_space<vmem>> -> memref<256xi32, #tpu.memory_space<vmem>>
    %dma_wait3A_139 = arith.constant 0 : i32
    %dma_wait3A_140 = arith.constant 0 : i32
    %dma_wait3A_141 = tpu.memref_slice %arg7[%dma_wait3A_139, %dma_wait3A_140] : memref<100000x64xf32, #tpu.memory_space<hbm>> -> memref<100000x64xf32, #tpu.memory_space<hbm>>
    tpu.wait_indirect_dma semaphore(%arg39 : memref<!tpu.dma_semaphore, #tpu.memory_space<semaphore_mem>>) src(%dma_wait3A_141 : memref<100000x64xf32, #tpu.memory_space<hbm>>) dst(%arg24 : memref<256x64xf32, #tpu.memory_space<vmem>>)
    %dma_start3A_142 = arith.constant 512 : i32
    %dma_start3A_143 = tpu.memref_slice %arg32[%dma_start3A_142] : memref<1024xi32, #tpu.memory_space<vmem>> -> memref<256xi32, #tpu.memory_space<vmem>>
    %dma_start3A_144 = arith.constant 0 : i32
    %dma_start3A_145 = arith.constant 0 : i32
    %dma_start3A_146 = tpu.memref_slice %arg36[%dma_start3A_144, %dma_start3A_145] : memref<8320x64xf32, #tpu.memory_space<vmem_shared>> -> memref<8320x64xf32, #tpu.memory_space<vmem_shared>>
    tpu.enqueue_indirect_dma source(%dma_start3A_146 : memref<8320x64xf32, #tpu.memory_space<vmem_shared>>) target(%arg23 : memref<256x64xf32, #tpu.memory_space<vmem>>) offsets(%dma_start3A_143 : memref<256xi32, #tpu.memory_space<vmem>>) semaphore(%arg39 : memref<!tpu.dma_semaphore, #tpu.memory_space<semaphore_mem>>)
    %dma_wait3A_147 = arith.constant 512 : i32
    %dma_wait3A_148 = tpu.memref_slice %arg32[%dma_wait3A_147] : memref<1024xi32, #tpu.memory_space<vmem>> -> memref<256xi32, #tpu.memory_space<vmem>>
    %dma_wait3A_149 = arith.constant 0 : i32
    %dma_wait3A_150 = arith.constant 0 : i32
    %dma_wait3A_151 = tpu.memref_slice %arg36[%dma_wait3A_149, %dma_wait3A_150] : memref<8320x64xf32, #tpu.memory_space<vmem_shared>> -> memref<8320x64xf32, #tpu.memory_space<vmem_shared>>
    tpu.wait_indirect_dma semaphore(%arg39 : memref<!tpu.dma_semaphore, #tpu.memory_space<semaphore_mem>>) src(%dma_wait3A_151 : memref<8320x64xf32, #tpu.memory_space<vmem_shared>>) dst(%arg23 : memref<256x64xf32, #tpu.memory_space<vmem>>)
    %scan3A_152 = arith.constant 0 : i32
    %scan3A_153 = arith.constant 0 : i32
    %scan3A_154 = arith.constant 256 : i32
    %scan3A_155 = arith.addi %scan3A_153, %scan3A_154 : i32
    %scan3A_156 = arith.constant 1 : i32
    scf.for %scan3A_208 = %scan3A_153 to %scan3A_155 step %scan3A_156  : i32 {
      %get3A = arith.index_cast %scan3A_208 : i32 to index
      %get3A_209 = arith.constant 0 : index
      %get3A_210 = tpu.vector_load %arg24[%get3A, %get3A_209] {strides = array<i32>} : memref<256x64xf32, #tpu.memory_space<vmem>>, vector<16xf32>,
      %get3A_211 = arith.index_cast %scan3A_208 : i32 to index
      %get3A_212 = arith.constant 0 : index
      %get3A_213 = tpu.vector_load %arg23[%get3A_211, %get3A_212] {strides = array<i32>} : memref<256x64xf32, #tpu.memory_space<vmem>>, vector<16xf32>,
      %mul3A_214 = arith.mulf %get3A_210, %get3A_213 : vector<16xf32>
      %get3A_215 = arith.index_cast %scan3A_208 : i32 to index
      %get3A_216 = arith.constant 16 : index
      %get3A_217 = tpu.vector_load %arg24[%get3A_215, %get3A_216] {strides = array<i32>} : memref<256x64xf32, #tpu.memory_space<vmem>>, vector<16xf32>,
      %get3A_218 = arith.index_cast %scan3A_208 : i32 to index
      %get3A_219 = arith.constant 16 : index
      %get3A_220 = tpu.vector_load %arg23[%get3A_218, %get3A_219] {strides = array<i32>} : memref<256x64xf32, #tpu.memory_space<vmem>>, vector<16xf32>,
      %mul3A_221 = arith.mulf %get3A_217, %get3A_220 : vector<16xf32>
      %add3A_222 = arith.addf %mul3A_214, %mul3A_221 : vector<16xf32>
      %get3A_223 = arith.index_cast %scan3A_208 : i32 to index
      %get3A_224 = arith.constant 32 : index
      %get3A_225 = tpu.vector_load %arg24[%get3A_223, %get3A_224] {strides = array<i32>} : memref<256x64xf32, #tpu.memory_space<vmem>>, vector<16xf32>,
      %get3A_226 = arith.index_cast %scan3A_208 : i32 to index
      %get3A_227 = arith.constant 32 : index
      %get3A_228 = tpu.vector_load %arg23[%get3A_226, %get3A_227] {strides = array<i32>} : memref<256x64xf32, #tpu.memory_space<vmem>>, vector<16xf32>,
      %mul3A_229 = arith.mulf %get3A_225, %get3A_228 : vector<16xf32>
      %add3A_230 = arith.addf %add3A_222, %mul3A_229 : vector<16xf32>
      %get3A_231 = arith.index_cast %scan3A_208 : i32 to index
      %get3A_232 = arith.constant 48 : index
      %get3A_233 = tpu.vector_load %arg24[%get3A_231, %get3A_232] {strides = array<i32>} : memref<256x64xf32, #tpu.memory_space<vmem>>, vector<16xf32>,
      %get3A_234 = arith.index_cast %scan3A_208 : i32 to index
      %get3A_235 = arith.constant 48 : index
      %get3A_236 = tpu.vector_load %arg23[%get3A_234, %get3A_235] {strides = array<i32>} : memref<256x64xf32, #tpu.memory_space<vmem>>, vector<16xf32>,
      %mul3A_237 = arith.mulf %get3A_233, %get3A_236 : vector<16xf32>
      %add3A_238 = arith.addf %add3A_230, %mul3A_237 : vector<16xf32>
      %broadcast_in_dim3A_239 = arith.constant true
      %broadcast_in_dim3A_240 = vector.broadcast %broadcast_in_dim3A_239 : i1 to vector<16xi1>
      %masked_cumsum3A = tpu.scan <sum>, %add3A_238 masked %broadcast_in_dim3A_240 : vector<16xf32>, vector<16xi1> -> vector<16xf32>
      %broadcast_in_dim3A_241 = arith.constant 0 : i32
      %broadcast_in_dim3A_242 = vector.broadcast %broadcast_in_dim3A_241 : i32 to vector<16xi32>
      %add3A_243 = arith.constant 512 : i32
      %add3A_244 = arith.addi %add3A_243, %scan3A_208 : i32
      %add3A_245 = vector.broadcast %add3A_244 : i32 to vector<16xi32>
      %add3A_246 = arith.addi %broadcast_in_dim3A_242, %add3A_245 : vector<16xi32>
      tpu.vector_store_idx %arg34[%add3A_246], %masked_cumsum3A masked %eq3A_71 : memref<1024xf32, #tpu.memory_space<vmem>>[vector<16xi32>], vector<16xf32>, vector<16xi1>
    }
    %scan3A_157 = arith.constant 256 : i32
    %eq3A_158 = arith.constant 0 : i32
    %eq3A_159 = arith.cmpi eq, %arg0, %eq3A_158 : i32
    %convert_element_type3A_160 = arith.extui %eq3A_159 : i1 to i32
    %cond3A_161 = arith.constant 0 : i32
    %cond3A_162 = arith.cmpi ne, %convert_element_type3A_160, %cond3A_161 : i32
    scf.if %cond3A_162 {
      %dma_start3A_208 = arith.constant 512 : i32
      %dma_start3A_209 = tpu.memref_slice %arg28[%dma_start3A_208] : memref<1024xi32, #tpu.memory_space<vmem>> -> memref<256xi32, #tpu.memory_space<vmem>>
      %dma_start3A_210 = arith.constant 0 : i32
      %dma_start3A_211 = arith.constant 0 : i32
      %dma_start3A_212 = tpu.memref_slice %arg6[%dma_start3A_210, %dma_start3A_211] : memref<100000x64xf32, #tpu.memory_space<hbm>> -> memref<100000x64xf32, #tpu.memory_space<hbm>>
      tpu.enqueue_indirect_dma source(%dma_start3A_212 : memref<100000x64xf32, #tpu.memory_space<hbm>>) target(%arg25 : memref<256x64xf32, #tpu.memory_space<vmem>>) offsets(%dma_start3A_209 : memref<256xi32, #tpu.memory_space<vmem>>) semaphore(%arg39 : memref<!tpu.dma_semaphore, #tpu.memory_space<semaphore_mem>>)
      %dma_wait3A_213 = arith.constant 512 : i32
      %dma_wait3A_214 = tpu.memref_slice %arg28[%dma_wait3A_213] : memref<1024xi32, #tpu.memory_space<vmem>> -> memref<256xi32, #tpu.memory_space<vmem>>
      %dma_wait3A_215 = arith.constant 0 : i32
      %dma_wait3A_216 = arith.constant 0 : i32
      %dma_wait3A_217 = tpu.memref_slice %arg6[%dma_wait3A_215, %dma_wait3A_216] : memref<100000x64xf32, #tpu.memory_space<hbm>> -> memref<100000x64xf32, #tpu.memory_space<hbm>>
      tpu.wait_indirect_dma semaphore(%arg39 : memref<!tpu.dma_semaphore, #tpu.memory_space<semaphore_mem>>) src(%dma_wait3A_217 : memref<100000x64xf32, #tpu.memory_space<hbm>>) dst(%arg25 : memref<256x64xf32, #tpu.memory_space<vmem>>)
      %scan3A_218 = arith.constant 0 : i32
      %scan3A_219 = arith.constant 0 : i32
      %scan3A_220 = arith.constant 256 : i32
      %scan3A_221 = arith.addi %scan3A_219, %scan3A_220 : i32
      %scan3A_222 = arith.constant 1 : i32
      scf.for %scan3A_224 = %scan3A_219 to %scan3A_221 step %scan3A_222  : i32 {
        %get3A = arith.index_cast %scan3A_224 : i32 to index
        %get3A_225 = arith.constant 0 : index
        %get3A_226 = tpu.vector_load %arg24[%get3A, %get3A_225] {strides = array<i32>} : memref<256x64xf32, #tpu.memory_space<vmem>>, vector<16xf32>,
        %get3A_227 = arith.index_cast %scan3A_224 : i32 to index
        %get3A_228 = arith.constant 0 : index
        %get3A_229 = tpu.vector_load %arg25[%get3A_227, %get3A_228] {strides = array<i32>} : memref<256x64xf32, #tpu.memory_space<vmem>>, vector<16xf32>,
        %mul3A_230 = arith.mulf %get3A_226, %get3A_229 : vector<16xf32>
        %get3A_231 = arith.index_cast %scan3A_224 : i32 to index
        %get3A_232 = arith.constant 16 : index
        %get3A_233 = tpu.vector_load %arg24[%get3A_231, %get3A_232] {strides = array<i32>} : memref<256x64xf32, #tpu.memory_space<vmem>>, vector<16xf32>,
        %get3A_234 = arith.index_cast %scan3A_224 : i32 to index
        %get3A_235 = arith.constant 16 : index
        %get3A_236 = tpu.vector_load %arg25[%get3A_234, %get3A_235] {strides = array<i32>} : memref<256x64xf32, #tpu.memory_space<vmem>>, vector<16xf32>,
        %mul3A_237 = arith.mulf %get3A_233, %get3A_236 : vector<16xf32>
        %add3A_238 = arith.addf %mul3A_230, %mul3A_237 : vector<16xf32>
        %get3A_239 = arith.index_cast %scan3A_224 : i32 to index
        %get3A_240 = arith.constant 32 : index
        %get3A_241 = tpu.vector_load %arg24[%get3A_239, %get3A_240] {strides = array<i32>} : memref<256x64xf32, #tpu.memory_space<vmem>>, vector<16xf32>,
        %get3A_242 = arith.index_cast %scan3A_224 : i32 to index
        %get3A_243 = arith.constant 32 : index
        %get3A_244 = tpu.vector_load %arg25[%get3A_242, %get3A_243] {strides = array<i32>} : memref<256x64xf32, #tpu.memory_space<vmem>>, vector<16xf32>,
        %mul3A_245 = arith.mulf %get3A_241, %get3A_244 : vector<16xf32>
        %add3A_246 = arith.addf %add3A_238, %mul3A_245 : vector<16xf32>
        %get3A_247 = arith.index_cast %scan3A_224 : i32 to index
        %get3A_248 = arith.constant 48 : index
        %get3A_249 = tpu.vector_load %arg24[%get3A_247, %get3A_248] {strides = array<i32>} : memref<256x64xf32, #tpu.memory_space<vmem>>, vector<16xf32>,
        %get3A_250 = arith.index_cast %scan3A_224 : i32 to index
        %get3A_251 = arith.constant 48 : index
        %get3A_252 = tpu.vector_load %arg25[%get3A_250, %get3A_251] {strides = array<i32>} : memref<256x64xf32, #tpu.memory_space<vmem>>, vector<16xf32>,
        %mul3A_253 = arith.mulf %get3A_249, %get3A_252 : vector<16xf32>
        %add3A_254 = arith.addf %add3A_246, %mul3A_253 : vector<16xf32>
        %broadcast_in_dim3A_255 = arith.constant true
        %broadcast_in_dim3A_256 = vector.broadcast %broadcast_in_dim3A_255 : i1 to vector<16xi1>
        %masked_cumsum3A = tpu.scan <sum>, %add3A_254 masked %broadcast_in_dim3A_256 : vector<16xf32>, vector<16xi1> -> vector<16xf32>
        %broadcast_in_dim3A_257 = arith.constant 0 : i32
        %broadcast_in_dim3A_258 = vector.broadcast %broadcast_in_dim3A_257 : i32 to vector<16xi32>
        %add3A_259 = arith.constant 512 : i32
        %add3A_260 = arith.addi %add3A_259, %scan3A_224 : i32
        %add3A_261 = vector.broadcast %add3A_260 : i32 to vector<16xi32>
        %add3A_262 = arith.addi %broadcast_in_dim3A_258, %add3A_261 : vector<16xi32>
        tpu.vector_store_idx %arg35[%add3A_262], %masked_cumsum3A masked %eq3A_71 : memref<1024xf32, #tpu.memory_space<vmem>>[vector<16xi32>], vector<16xf32>, vector<16xi1>
      }
      %scan3A_223 = arith.constant 256 : i32
    } else {
    }
    %dma_start3A_163 = arith.constant 768 : i32
    %dma_start3A_164 = tpu.memref_slice %arg29[%dma_start3A_163] : memref<1024xi32, #tpu.memory_space<vmem>> -> memref<256xi32, #tpu.memory_space<vmem>>
    %dma_start3A_165 = arith.constant 0 : i32
    %dma_start3A_166 = arith.constant 0 : i32
    %dma_start3A_167 = tpu.memref_slice %arg7[%dma_start3A_165, %dma_start3A_166] : memref<100000x64xf32, #tpu.memory_space<hbm>> -> memref<100000x64xf32, #tpu.memory_space<hbm>>
    tpu.enqueue_indirect_dma source(%dma_start3A_167 : memref<100000x64xf32, #tpu.memory_space<hbm>>) target(%arg24 : memref<256x64xf32, #tpu.memory_space<vmem>>) offsets(%dma_start3A_164 : memref<256xi32, #tpu.memory_space<vmem>>) semaphore(%arg39 : memref<!tpu.dma_semaphore, #tpu.memory_space<semaphore_mem>>)
    %dma_wait3A_168 = arith.constant 768 : i32
    %dma_wait3A_169 = tpu.memref_slice %arg29[%dma_wait3A_168] : memref<1024xi32, #tpu.memory_space<vmem>> -> memref<256xi32, #tpu.memory_space<vmem>>
    %dma_wait3A_170 = arith.constant 0 : i32
    %dma_wait3A_171 = arith.constant 0 : i32
    %dma_wait3A_172 = tpu.memref_slice %arg7[%dma_wait3A_170, %dma_wait3A_171] : memref<100000x64xf32, #tpu.memory_space<hbm>> -> memref<100000x64xf32, #tpu.memory_space<hbm>>
    tpu.wait_indirect_dma semaphore(%arg39 : memref<!tpu.dma_semaphore, #tpu.memory_space<semaphore_mem>>) src(%dma_wait3A_172 : memref<100000x64xf32, #tpu.memory_space<hbm>>) dst(%arg24 : memref<256x64xf32, #tpu.memory_space<vmem>>)
    %dma_start3A_173 = arith.constant 768 : i32
    %dma_start3A_174 = tpu.memref_slice %arg32[%dma_start3A_173] : memref<1024xi32, #tpu.memory_space<vmem>> -> memref<256xi32, #tpu.memory_space<vmem>>
    %dma_start3A_175 = arith.constant 0 : i32
    %dma_start3A_176 = arith.constant 0 : i32
    %dma_start3A_177 = tpu.memref_slice %arg36[%dma_start3A_175, %dma_start3A_176] : memref<8320x64xf32, #tpu.memory_space<vmem_shared>> -> memref<8320x64xf32, #tpu.memory_space<vmem_shared>>
    tpu.enqueue_indirect_dma source(%dma_start3A_177 : memref<8320x64xf32, #tpu.memory_space<vmem_shared>>) target(%arg23 : memref<256x64xf32, #tpu.memory_space<vmem>>) offsets(%dma_start3A_174 : memref<256xi32, #tpu.memory_space<vmem>>) semaphore(%arg39 : memref<!tpu.dma_semaphore, #tpu.memory_space<semaphore_mem>>)
    %dma_wait3A_178 = arith.constant 768 : i32
    %dma_wait3A_179 = tpu.memref_slice %arg32[%dma_wait3A_178] : memref<1024xi32, #tpu.memory_space<vmem>> -> memref<256xi32, #tpu.memory_space<vmem>>
    %dma_wait3A_180 = arith.constant 0 : i32
    %dma_wait3A_181 = arith.constant 0 : i32
    %dma_wait3A_182 = tpu.memref_slice %arg36[%dma_wait3A_180, %dma_wait3A_181] : memref<8320x64xf32, #tpu.memory_space<vmem_shared>> -> memref<8320x64xf32, #tpu.memory_space<vmem_shared>>
    tpu.wait_indirect_dma semaphore(%arg39 : memref<!tpu.dma_semaphore, #tpu.memory_space<semaphore_mem>>) src(%dma_wait3A_182 : memref<8320x64xf32, #tpu.memory_space<vmem_shared>>) dst(%arg23 : memref<256x64xf32, #tpu.memory_space<vmem>>)
    %scan3A_183 = arith.constant 0 : i32
    %scan3A_184 = arith.constant 0 : i32
    %scan3A_185 = arith.constant 256 : i32
    %scan3A_186 = arith.addi %scan3A_184, %scan3A_185 : i32
    %scan3A_187 = arith.constant 1 : i32
    scf.for %scan3A_208 = %scan3A_184 to %scan3A_186 step %scan3A_187  : i32 {
      %get3A = arith.index_cast %scan3A_208 : i32 to index
      %get3A_209 = arith.constant 0 : index
      %get3A_210 = tpu.vector_load %arg24[%get3A, %get3A_209] {strides = array<i32>} : memref<256x64xf32, #tpu.memory_space<vmem>>, vector<16xf32>,
      %get3A_211 = arith.index_cast %scan3A_208 : i32 to index
      %get3A_212 = arith.constant 0 : index
      %get3A_213 = tpu.vector_load %arg23[%get3A_211, %get3A_212] {strides = array<i32>} : memref<256x64xf32, #tpu.memory_space<vmem>>, vector<16xf32>,
      %mul3A_214 = arith.mulf %get3A_210, %get3A_213 : vector<16xf32>
      %get3A_215 = arith.index_cast %scan3A_208 : i32 to index
      %get3A_216 = arith.constant 16 : index
      %get3A_217 = tpu.vector_load %arg24[%get3A_215, %get3A_216] {strides = array<i32>} : memref<256x64xf32, #tpu.memory_space<vmem>>, vector<16xf32>,
      %get3A_218 = arith.index_cast %scan3A_208 : i32 to index
      %get3A_219 = arith.constant 16 : index
      %get3A_220 = tpu.vector_load %arg23[%get3A_218, %get3A_219] {strides = array<i32>} : memref<256x64xf32, #tpu.memory_space<vmem>>, vector<16xf32>,
      %mul3A_221 = arith.mulf %get3A_217, %get3A_220 : vector<16xf32>
      %add3A_222 = arith.addf %mul3A_214, %mul3A_221 : vector<16xf32>
      %get3A_223 = arith.index_cast %scan3A_208 : i32 to index
      %get3A_224 = arith.constant 32 : index
      %get3A_225 = tpu.vector_load %arg24[%get3A_223, %get3A_224] {strides = array<i32>} : memref<256x64xf32, #tpu.memory_space<vmem>>, vector<16xf32>,
      %get3A_226 = arith.index_cast %scan3A_208 : i32 to index
      %get3A_227 = arith.constant 32 : index
      %get3A_228 = tpu.vector_load %arg23[%get3A_226, %get3A_227] {strides = array<i32>} : memref<256x64xf32, #tpu.memory_space<vmem>>, vector<16xf32>,
      %mul3A_229 = arith.mulf %get3A_225, %get3A_228 : vector<16xf32>
      %add3A_230 = arith.addf %add3A_222, %mul3A_229 : vector<16xf32>
      %get3A_231 = arith.index_cast %scan3A_208 : i32 to index
      %get3A_232 = arith.constant 48 : index
      %get3A_233 = tpu.vector_load %arg24[%get3A_231, %get3A_232] {strides = array<i32>} : memref<256x64xf32, #tpu.memory_space<vmem>>, vector<16xf32>,
      %get3A_234 = arith.index_cast %scan3A_208 : i32 to index
      %get3A_235 = arith.constant 48 : index
      %get3A_236 = tpu.vector_load %arg23[%get3A_234, %get3A_235] {strides = array<i32>} : memref<256x64xf32, #tpu.memory_space<vmem>>, vector<16xf32>,
      %mul3A_237 = arith.mulf %get3A_233, %get3A_236 : vector<16xf32>
      %add3A_238 = arith.addf %add3A_230, %mul3A_237 : vector<16xf32>
      %broadcast_in_dim3A_239 = arith.constant true
      %broadcast_in_dim3A_240 = vector.broadcast %broadcast_in_dim3A_239 : i1 to vector<16xi1>
      %masked_cumsum3A = tpu.scan <sum>, %add3A_238 masked %broadcast_in_dim3A_240 : vector<16xf32>, vector<16xi1> -> vector<16xf32>
      %broadcast_in_dim3A_241 = arith.constant 0 : i32
      %broadcast_in_dim3A_242 = vector.broadcast %broadcast_in_dim3A_241 : i32 to vector<16xi32>
      %add3A_243 = arith.constant 768 : i32
      %add3A_244 = arith.addi %add3A_243, %scan3A_208 : i32
      %add3A_245 = vector.broadcast %add3A_244 : i32 to vector<16xi32>
      %add3A_246 = arith.addi %broadcast_in_dim3A_242, %add3A_245 : vector<16xi32>
      tpu.vector_store_idx %arg34[%add3A_246], %masked_cumsum3A masked %eq3A_71 : memref<1024xf32, #tpu.memory_space<vmem>>[vector<16xi32>], vector<16xf32>, vector<16xi1>
    }
    %scan3A_188 = arith.constant 256 : i32
    %eq3A_189 = arith.constant 0 : i32
    %eq3A_190 = arith.cmpi eq, %arg0, %eq3A_189 : i32
    %convert_element_type3A_191 = arith.extui %eq3A_190 : i1 to i32
    %cond3A_192 = arith.constant 0 : i32
    %cond3A_193 = arith.cmpi ne, %convert_element_type3A_191, %cond3A_192 : i32
    scf.if %cond3A_193 {
      %dma_start3A_208 = arith.constant 768 : i32
      %dma_start3A_209 = tpu.memref_slice %arg28[%dma_start3A_208] : memref<1024xi32, #tpu.memory_space<vmem>> -> memref<256xi32, #tpu.memory_space<vmem>>
      %dma_start3A_210 = arith.constant 0 : i32
      %dma_start3A_211 = arith.constant 0 : i32
      %dma_start3A_212 = tpu.memref_slice %arg6[%dma_start3A_210, %dma_start3A_211] : memref<100000x64xf32, #tpu.memory_space<hbm>> -> memref<100000x64xf32, #tpu.memory_space<hbm>>
      tpu.enqueue_indirect_dma source(%dma_start3A_212 : memref<100000x64xf32, #tpu.memory_space<hbm>>) target(%arg25 : memref<256x64xf32, #tpu.memory_space<vmem>>) offsets(%dma_start3A_209 : memref<256xi32, #tpu.memory_space<vmem>>) semaphore(%arg39 : memref<!tpu.dma_semaphore, #tpu.memory_space<semaphore_mem>>)
      %dma_wait3A_213 = arith.constant 768 : i32
      %dma_wait3A_214 = tpu.memref_slice %arg28[%dma_wait3A_213] : memref<1024xi32, #tpu.memory_space<vmem>> -> memref<256xi32, #tpu.memory_space<vmem>>
      %dma_wait3A_215 = arith.constant 0 : i32
      %dma_wait3A_216 = arith.constant 0 : i32
      %dma_wait3A_217 = tpu.memref_slice %arg6[%dma_wait3A_215, %dma_wait3A_216] : memref<100000x64xf32, #tpu.memory_space<hbm>> -> memref<100000x64xf32, #tpu.memory_space<hbm>>
      tpu.wait_indirect_dma semaphore(%arg39 : memref<!tpu.dma_semaphore, #tpu.memory_space<semaphore_mem>>) src(%dma_wait3A_217 : memref<100000x64xf32, #tpu.memory_space<hbm>>) dst(%arg25 : memref<256x64xf32, #tpu.memory_space<vmem>>)
      %scan3A_218 = arith.constant 0 : i32
      %scan3A_219 = arith.constant 0 : i32
      %scan3A_220 = arith.constant 256 : i32
      %scan3A_221 = arith.addi %scan3A_219, %scan3A_220 : i32
      %scan3A_222 = arith.constant 1 : i32
      scf.for %scan3A_224 = %scan3A_219 to %scan3A_221 step %scan3A_222  : i32 {
        %get3A = arith.index_cast %scan3A_224 : i32 to index
        %get3A_225 = arith.constant 0 : index
        %get3A_226 = tpu.vector_load %arg24[%get3A, %get3A_225] {strides = array<i32>} : memref<256x64xf32, #tpu.memory_space<vmem>>, vector<16xf32>,
        %get3A_227 = arith.index_cast %scan3A_224 : i32 to index
        %get3A_228 = arith.constant 0 : index
        %get3A_229 = tpu.vector_load %arg25[%get3A_227, %get3A_228] {strides = array<i32>} : memref<256x64xf32, #tpu.memory_space<vmem>>, vector<16xf32>,
        %mul3A_230 = arith.mulf %get3A_226, %get3A_229 : vector<16xf32>
        %get3A_231 = arith.index_cast %scan3A_224 : i32 to index
        %get3A_232 = arith.constant 16 : index
        %get3A_233 = tpu.vector_load %arg24[%get3A_231, %get3A_232] {strides = array<i32>} : memref<256x64xf32, #tpu.memory_space<vmem>>, vector<16xf32>,
        %get3A_234 = arith.index_cast %scan3A_224 : i32 to index
        %get3A_235 = arith.constant 16 : index
        %get3A_236 = tpu.vector_load %arg25[%get3A_234, %get3A_235] {strides = array<i32>} : memref<256x64xf32, #tpu.memory_space<vmem>>, vector<16xf32>,
        %mul3A_237 = arith.mulf %get3A_233, %get3A_236 : vector<16xf32>
        %add3A_238 = arith.addf %mul3A_230, %mul3A_237 : vector<16xf32>
        %get3A_239 = arith.index_cast %scan3A_224 : i32 to index
        %get3A_240 = arith.constant 32 : index
        %get3A_241 = tpu.vector_load %arg24[%get3A_239, %get3A_240] {strides = array<i32>} : memref<256x64xf32, #tpu.memory_space<vmem>>, vector<16xf32>,
        %get3A_242 = arith.index_cast %scan3A_224 : i32 to index
        %get3A_243 = arith.constant 32 : index
        %get3A_244 = tpu.vector_load %arg25[%get3A_242, %get3A_243] {strides = array<i32>} : memref<256x64xf32, #tpu.memory_space<vmem>>, vector<16xf32>,
        %mul3A_245 = arith.mulf %get3A_241, %get3A_244 : vector<16xf32>
        %add3A_246 = arith.addf %add3A_238, %mul3A_245 : vector<16xf32>
        %get3A_247 = arith.index_cast %scan3A_224 : i32 to index
        %get3A_248 = arith.constant 48 : index
        %get3A_249 = tpu.vector_load %arg24[%get3A_247, %get3A_248] {strides = array<i32>} : memref<256x64xf32, #tpu.memory_space<vmem>>, vector<16xf32>,
        %get3A_250 = arith.index_cast %scan3A_224 : i32 to index
        %get3A_251 = arith.constant 48 : index
        %get3A_252 = tpu.vector_load %arg25[%get3A_250, %get3A_251] {strides = array<i32>} : memref<256x64xf32, #tpu.memory_space<vmem>>, vector<16xf32>,
        %mul3A_253 = arith.mulf %get3A_249, %get3A_252 : vector<16xf32>
        %add3A_254 = arith.addf %add3A_246, %mul3A_253 : vector<16xf32>
        %broadcast_in_dim3A_255 = arith.constant true
        %broadcast_in_dim3A_256 = vector.broadcast %broadcast_in_dim3A_255 : i1 to vector<16xi1>
        %masked_cumsum3A = tpu.scan <sum>, %add3A_254 masked %broadcast_in_dim3A_256 : vector<16xf32>, vector<16xi1> -> vector<16xf32>
        %broadcast_in_dim3A_257 = arith.constant 0 : i32
        %broadcast_in_dim3A_258 = vector.broadcast %broadcast_in_dim3A_257 : i32 to vector<16xi32>
        %add3A_259 = arith.constant 768 : i32
        %add3A_260 = arith.addi %add3A_259, %scan3A_224 : i32
        %add3A_261 = vector.broadcast %add3A_260 : i32 to vector<16xi32>
        %add3A_262 = arith.addi %broadcast_in_dim3A_258, %add3A_261 : vector<16xi32>
        tpu.vector_store_idx %arg35[%add3A_262], %masked_cumsum3A masked %eq3A_71 : memref<1024xf32, #tpu.memory_space<vmem>>[vector<16xi32>], vector<16xf32>, vector<16xi1>
      }
      %scan3A_223 = arith.constant 256 : i32
    } else {
    }
    %dma_start3A_194 = arith.constant 0 : i32
    %dma_start3A_195 = tpu.memref_slice %arg37[%dma_start3A_194] : memref<8320xf32, #tpu.memory_space<vmem_shared>> -> memref<8320xf32, #tpu.memory_space<vmem_shared>>
    tpu.enqueue_indirect_dma source(%dma_start3A_195 : memref<8320xf32, #tpu.memory_space<vmem_shared>>) target(%arg33 : memref<1024xf32, #tpu.memory_space<vmem>>) offsets(%arg32 : memref<1024xi32, #tpu.memory_space<vmem>>) semaphore(%arg39 : memref<!tpu.dma_semaphore, #tpu.memory_space<semaphore_mem>>)
    %dma_wait3A_196 = arith.constant 0 : i32
    %dma_wait3A_197 = tpu.memref_slice %arg37[%dma_wait3A_196] : memref<8320xf32, #tpu.memory_space<vmem_shared>> -> memref<8320xf32, #tpu.memory_space<vmem_shared>>
    tpu.wait_indirect_dma semaphore(%arg39 : memref<!tpu.dma_semaphore, #tpu.memory_space<semaphore_mem>>) src(%dma_wait3A_197 : memref<8320xf32, #tpu.memory_space<vmem_shared>>) dst(%arg33 : memref<1024xf32, #tpu.memory_space<vmem>>)
    %eq3A_198 = arith.constant 0 : i32
    %eq3A_199 = arith.cmpi eq, %arg0, %eq3A_198 : i32
    %convert_element_type3A_200 = arith.extui %eq3A_199 : i1 to i32
    %cond3A_201 = arith.constant 0 : i32
    %cond3A_202 = arith.cmpi ne, %convert_element_type3A_200, %cond3A_201 : i32
    scf.if %cond3A_202 {
      "tpu.region"() ({
        %run_scoped3A = tpu.sem_alloc : memref<!tpu.dma_semaphore, #tpu.memory_space<semaphore_mem>>
        %dma_start3A_212 = tpu.memref_slice %arg12[%mul3A_56] : memref<16384xf32, #tpu.memory_space<hbm>> -> memref<1024xf32, #tpu.memory_space<hbm>>
        %dma_start3A_213 = tpu.memref_slice %arg12[%mul3A_56] : memref<16384xf32, #tpu.memory_space<hbm>> -> memref<1024xf32, #tpu.memory_space<hbm>>
        tpu.enqueue_dma source(%arg34 : memref<1024xf32, #tpu.memory_space<vmem>>) target(%dma_start3A_213 : memref<1024xf32, #tpu.memory_space<hbm>>) target_semaphore(%run_scoped3A : memref<!tpu.dma_semaphore, #tpu.memory_space<semaphore_mem>>)
        %dma_wait3A_214 = tpu.memref_slice %arg12[%mul3A_56] : memref<16384xf32, #tpu.memory_space<hbm>> -> memref<1024xf32, #tpu.memory_space<hbm>>
        %dma_wait3A_215 = tpu.memref_slice %arg12[%mul3A_56] : memref<16384xf32, #tpu.memory_space<hbm>> -> memref<1024xf32, #tpu.memory_space<hbm>>
        tpu.wait_dma2 semaphore(%run_scoped3A : memref<!tpu.dma_semaphore, #tpu.memory_space<semaphore_mem>>) src(%arg34 : memref<1024xf32, #tpu.memory_space<vmem>>) dst(%dma_wait3A_215 : memref<1024xf32, #tpu.memory_space<hbm>>)
        tpu.yield
      }) : () -> ()
      "tpu.region"() ({
        %run_scoped3A = tpu.sem_alloc : memref<!tpu.dma_semaphore, #tpu.memory_space<semaphore_mem>>
        %dma_start3A_212 = tpu.memref_slice %arg11[%mul3A_56] : memref<16384xf32, #tpu.memory_space<hbm>> -> memref<1024xf32, #tpu.memory_space<hbm>>
        %dma_start3A_213 = tpu.memref_slice %arg11[%mul3A_56] : memref<16384xf32, #tpu.memory_space<hbm>> -> memref<1024xf32, #tpu.memory_space<hbm>>
        tpu.enqueue_dma source(%arg35 : memref<1024xf32, #tpu.memory_space<vmem>>) target(%dma_start3A_213 : memref<1024xf32, #tpu.memory_space<hbm>>) target_semaphore(%run_scoped3A : memref<!tpu.dma_semaphore, #tpu.memory_space<semaphore_mem>>)
        %dma_wait3A_214 = tpu.memref_slice %arg11[%mul3A_56] : memref<16384xf32, #tpu.memory_space<hbm>> -> memref<1024xf32, #tpu.memory_space<hbm>>
        %dma_wait3A_215 = tpu.memref_slice %arg11[%mul3A_56] : memref<16384xf32, #tpu.memory_space<hbm>> -> memref<1024xf32, #tpu.memory_space<hbm>>
        tpu.wait_dma2 semaphore(%run_scoped3A : memref<!tpu.dma_semaphore, #tpu.memory_space<semaphore_mem>>) src(%arg35 : memref<1024xf32, #tpu.memory_space<vmem>>) dst(%dma_wait3A_215 : memref<1024xf32, #tpu.memory_space<hbm>>)
        tpu.yield
      }) : () -> ()
      "tpu.region"() ({
        %run_scoped3A = tpu.sem_alloc : memref<!tpu.dma_semaphore, #tpu.memory_space<semaphore_mem>>
        %dma_start3A_212 = tpu.memref_slice %arg16[%mul3A_56] : memref<16384xf32, #tpu.memory_space<hbm>> -> memref<1024xf32, #tpu.memory_space<hbm>>
        %dma_start3A_213 = tpu.memref_slice %arg16[%mul3A_56] : memref<16384xf32, #tpu.memory_space<hbm>> -> memref<1024xf32, #tpu.memory_space<hbm>>
        tpu.enqueue_dma source(%arg33 : memref<1024xf32, #tpu.memory_space<vmem>>) target(%dma_start3A_213 : memref<1024xf32, #tpu.memory_space<hbm>>) target_semaphore(%run_scoped3A : memref<!tpu.dma_semaphore, #tpu.memory_space<semaphore_mem>>)
        %dma_wait3A_214 = tpu.memref_slice %arg16[%mul3A_56] : memref<16384xf32, #tpu.memory_space<hbm>> -> memref<1024xf32, #tpu.memory_space<hbm>>
        %dma_wait3A_215 = tpu.memref_slice %arg16[%mul3A_56] : memref<16384xf32, #tpu.memory_space<hbm>> -> memref<1024xf32, #tpu.memory_space<hbm>>
        tpu.wait_dma2 semaphore(%run_scoped3A : memref<!tpu.dma_semaphore, #tpu.memory_space<semaphore_mem>>) src(%arg33 : memref<1024xf32, #tpu.memory_space<vmem>>) dst(%dma_wait3A_215 : memref<1024xf32, #tpu.memory_space<hbm>>)
        tpu.yield
      }) : () -> ()
      %dma_start3A_208 = arith.constant 0 : i32
      %dma_start3A_209 = tpu.memref_slice %arg8[%dma_start3A_208] : memref<100000xf32, #tpu.memory_space<hbm>> -> memref<100000xf32, #tpu.memory_space<hbm>>
      tpu.enqueue_indirect_dma source(%dma_start3A_209 : memref<100000xf32, #tpu.memory_space<hbm>>) target(%arg30 : memref<1024xf32, #tpu.memory_space<vmem>>) offsets(%arg28 : memref<1024xi32, #tpu.memory_space<vmem>>) semaphore(%arg39 : memref<!tpu.dma_semaphore, #tpu.memory_space<semaphore_mem>>)
      %dma_wait3A_210 = arith.constant 0 : i32
      %dma_wait3A_211 = tpu.memref_slice %arg8[%dma_wait3A_210] : memref<100000xf32, #tpu.memory_space<hbm>> -> memref<100000xf32, #tpu.memory_space<hbm>>
      tpu.wait_indirect_dma semaphore(%arg39 : memref<!tpu.dma_semaphore, #tpu.memory_space<semaphore_mem>>) src(%dma_wait3A_211 : memref<100000xf32, #tpu.memory_space<hbm>>) dst(%arg30 : memref<1024xf32, #tpu.memory_space<vmem>>)
      "tpu.region"() ({
        %run_scoped3A = tpu.sem_alloc : memref<!tpu.dma_semaphore, #tpu.memory_space<semaphore_mem>>
        %dma_start3A_212 = tpu.memref_slice %arg14[%mul3A_56] : memref<16384xf32, #tpu.memory_space<hbm>> -> memref<1024xf32, #tpu.memory_space<hbm>>
        %dma_start3A_213 = tpu.memref_slice %arg14[%mul3A_56] : memref<16384xf32, #tpu.memory_space<hbm>> -> memref<1024xf32, #tpu.memory_space<hbm>>
        tpu.enqueue_dma source(%arg30 : memref<1024xf32, #tpu.memory_space<vmem>>) target(%dma_start3A_213 : memref<1024xf32, #tpu.memory_space<hbm>>) target_semaphore(%run_scoped3A : memref<!tpu.dma_semaphore, #tpu.memory_space<semaphore_mem>>)
        %dma_wait3A_214 = tpu.memref_slice %arg14[%mul3A_56] : memref<16384xf32, #tpu.memory_space<hbm>> -> memref<1024xf32, #tpu.memory_space<hbm>>
        %dma_wait3A_215 = tpu.memref_slice %arg14[%mul3A_56] : memref<16384xf32, #tpu.memory_space<hbm>> -> memref<1024xf32, #tpu.memory_space<hbm>>
        tpu.wait_dma2 semaphore(%run_scoped3A : memref<!tpu.dma_semaphore, #tpu.memory_space<semaphore_mem>>) src(%arg30 : memref<1024xf32, #tpu.memory_space<vmem>>) dst(%dma_wait3A_215 : memref<1024xf32, #tpu.memory_space<hbm>>)
        tpu.yield
      }) : () -> ()
    } else {
    }
    %eq3A_203 = arith.constant 1 : i32
    %eq3A_204 = arith.cmpi eq, %arg0, %eq3A_203 : i32
    %convert_element_type3A_205 = arith.extui %eq3A_204 : i1 to i32
    %cond3A_206 = arith.constant 0 : i32
    %cond3A_207 = arith.cmpi ne, %convert_element_type3A_205, %cond3A_206 : i32
    scf.if %cond3A_207 {
      "tpu.region"() ({
        %run_scoped3A = tpu.sem_alloc : memref<!tpu.dma_semaphore, #tpu.memory_space<semaphore_mem>>
        %dma_start3A_212 = tpu.memref_slice %arg13[%mul3A_56] : memref<16384xf32, #tpu.memory_space<hbm>> -> memref<1024xf32, #tpu.memory_space<hbm>>
        %dma_start3A_213 = tpu.memref_slice %arg13[%mul3A_56] : memref<16384xf32, #tpu.memory_space<hbm>> -> memref<1024xf32, #tpu.memory_space<hbm>>
        tpu.enqueue_dma source(%arg34 : memref<1024xf32, #tpu.memory_space<vmem>>) target(%dma_start3A_213 : memref<1024xf32, #tpu.memory_space<hbm>>) target_semaphore(%run_scoped3A : memref<!tpu.dma_semaphore, #tpu.memory_space<semaphore_mem>>)
        %dma_wait3A_214 = tpu.memref_slice %arg13[%mul3A_56] : memref<16384xf32, #tpu.memory_space<hbm>> -> memref<1024xf32, #tpu.memory_space<hbm>>
        %dma_wait3A_215 = tpu.memref_slice %arg13[%mul3A_56] : memref<16384xf32, #tpu.memory_space<hbm>> -> memref<1024xf32, #tpu.memory_space<hbm>>
        tpu.wait_dma2 semaphore(%run_scoped3A : memref<!tpu.dma_semaphore, #tpu.memory_space<semaphore_mem>>) src(%arg34 : memref<1024xf32, #tpu.memory_space<vmem>>) dst(%dma_wait3A_215 : memref<1024xf32, #tpu.memory_space<hbm>>)
        tpu.yield
      }) : () -> ()
      "tpu.region"() ({
        %run_scoped3A = tpu.sem_alloc : memref<!tpu.dma_semaphore, #tpu.memory_space<semaphore_mem>>
        %dma_start3A_212 = tpu.memref_slice %arg17[%mul3A_56] : memref<16384xf32, #tpu.memory_space<hbm>> -> memref<1024xf32, #tpu.memory_space<hbm>>
        %dma_start3A_213 = tpu.memref_slice %arg17[%mul3A_56] : memref<16384xf32, #tpu.memory_space<hbm>> -> memref<1024xf32, #tpu.memory_space<hbm>>
        tpu.enqueue_dma source(%arg33 : memref<1024xf32, #tpu.memory_space<vmem>>) target(%dma_start3A_213 : memref<1024xf32, #tpu.memory_space<hbm>>) target_semaphore(%run_scoped3A : memref<!tpu.dma_semaphore, #tpu.memory_space<semaphore_mem>>)
        %dma_wait3A_214 = tpu.memref_slice %arg17[%mul3A_56] : memref<16384xf32, #tpu.memory_space<hbm>> -> memref<1024xf32, #tpu.memory_space<hbm>>
        %dma_wait3A_215 = tpu.memref_slice %arg17[%mul3A_56] : memref<16384xf32, #tpu.memory_space<hbm>> -> memref<1024xf32, #tpu.memory_space<hbm>>
        tpu.wait_dma2 semaphore(%run_scoped3A : memref<!tpu.dma_semaphore, #tpu.memory_space<semaphore_mem>>) src(%arg33 : memref<1024xf32, #tpu.memory_space<vmem>>) dst(%dma_wait3A_215 : memref<1024xf32, #tpu.memory_space<hbm>>)
        tpu.yield
      }) : () -> ()
      %dma_start3A_208 = arith.constant 0 : i32
      %dma_start3A_209 = tpu.memref_slice %arg9[%dma_start3A_208] : memref<100000xf32, #tpu.memory_space<hbm>> -> memref<100000xf32, #tpu.memory_space<hbm>>
      tpu.enqueue_indirect_dma source(%dma_start3A_209 : memref<100000xf32, #tpu.memory_space<hbm>>) target(%arg30 : memref<1024xf32, #tpu.memory_space<vmem>>) offsets(%arg29 : memref<1024xi32, #tpu.memory_space<vmem>>) semaphore(%arg39 : memref<!tpu.dma_semaphore, #tpu.memory_space<semaphore_mem>>)
      %dma_wait3A_210 = arith.constant 0 : i32
      %dma_wait3A_211 = tpu.memref_slice %arg9[%dma_wait3A_210] : memref<100000xf32, #tpu.memory_space<hbm>> -> memref<100000xf32, #tpu.memory_space<hbm>>
      tpu.wait_indirect_dma semaphore(%arg39 : memref<!tpu.dma_semaphore, #tpu.memory_space<semaphore_mem>>) src(%dma_wait3A_211 : memref<100000xf32, #tpu.memory_space<hbm>>) dst(%arg30 : memref<1024xf32, #tpu.memory_space<vmem>>)
      "tpu.region"() ({
        %run_scoped3A = tpu.sem_alloc : memref<!tpu.dma_semaphore, #tpu.memory_space<semaphore_mem>>
        %dma_start3A_212 = tpu.memref_slice %arg15[%mul3A_56] : memref<16384xf32, #tpu.memory_space<hbm>> -> memref<1024xf32, #tpu.memory_space<hbm>>
        %dma_start3A_213 = tpu.memref_slice %arg15[%mul3A_56] : memref<16384xf32, #tpu.memory_space<hbm>> -> memref<1024xf32, #tpu.memory_space<hbm>>
        tpu.enqueue_dma source(%arg30 : memref<1024xf32, #tpu.memory_space<vmem>>) target(%dma_start3A_213 : memref<1024xf32, #tpu.memory_space<hbm>>) target_semaphore(%run_scoped3A : memref<!tpu.dma_semaphore, #tpu.memory_space<semaphore_mem>>)
        %dma_wait3A_214 = tpu.memref_slice %arg15[%mul3A_56] : memref<16384xf32, #tpu.memory_space<hbm>> -> memref<1024xf32, #tpu.memory_space<hbm>>
        %dma_wait3A_215 = tpu.memref_slice %arg15[%mul3A_56] : memref<16384xf32, #tpu.memory_space<hbm>> -> memref<1024xf32, #tpu.memory_space<hbm>>
        tpu.wait_dma2 semaphore(%run_scoped3A : memref<!tpu.dma_semaphore, #tpu.memory_space<semaphore_mem>>) src(%arg30 : memref<1024xf32, #tpu.memory_space<vmem>>) dst(%dma_wait3A_215 : memref<1024xf32, #tpu.memory_space<hbm>>)
        tpu.yield
      }) : () -> ()
    } else {
    }
    return
  }
}

module attributes {stable_mosaic.version = 14 : i64} {
  func.func @body(%arg0: memref<1x1xf32, #tpu.memory_space<smem>>, %arg1: memref<128x128xf32, #tpu.memory_space<vmem>>, %arg2: memref<128x128xf32, #tpu.memory_space<vmem>>, %arg3: memref<128x128xf32, #tpu.memory_space<vmem>>, %arg4: memref<128x128xf32, #tpu.memory_space<vmem>>, %arg5: memref<128x128xf32, #tpu.memory_space<vmem>>, %arg6: memref<128x128xf32, #tpu.memory_space<vmem>>, %arg7: memref<128x128xf32, #tpu.memory_space<vmem>>, %arg8: memref<128x128xf32, #tpu.memory_space<vmem>>) attributes {dimension_semantics = [], scalar_prefetch = 0 : i64, scratch_operands = 0 : i64, tpu.core_type = #tpu.core_type<tc>} {
    %get3A = arith.constant 0 : index
    %get3A_0 = arith.constant 0 : index
    %get3A_1 = vector.load %arg6[%get3A, %get3A_0] : memref<128x128xf32, #tpu.memory_space<vmem>>, vector<128x128xf32>
    %get3A_2 = arith.constant 0 : index
    %get3A_3 = arith.constant 0 : index
    %get3A_4 = vector.load %arg7[%get3A_2, %get3A_3] : memref<128x128xf32, #tpu.memory_space<vmem>>, vector<128x128xf32>
    %add3A = arith.addf %get3A_1, %get3A_4 : vector<128x128xf32>
    %gt3A = arith.constant 0.000000e+00 : f32
    %gt3A_5 = vector.broadcast %gt3A : f32 to vector<128x128xf32>
    %gt3A_6 = arith.cmpf ogt, %add3A, %gt3A_5 : vector<128x128xf32>
    %rsqrt3A = math.rsqrt %add3A : vector<128x128xf32>
    %jit3A = arith.constant 0.000000e+00 : f32
    %broadcast_in_dim3A = vector.broadcast %jit3A : f32 to vector<128x128xf32>
    %select_n3A = arith.select %gt3A_6, %rsqrt3A, %broadcast_in_dim3A : vector<128x128xi1>, vector<128x128xf32>
    %get3A_7 = arith.constant 0 : index
    %get3A_8 = arith.constant 0 : index
    %get3A_9 = vector.load %arg1[%get3A_7, %get3A_8] : memref<128x128xf32, #tpu.memory_space<vmem>>, vector<128x128xf32>
    %get3A_10 = arith.constant 0 : index
    %get3A_11 = arith.constant 0 : index
    %get3A_12 = vector.load %arg2[%get3A_10, %get3A_11] : memref<128x128xf32, #tpu.memory_space<vmem>>, vector<128x128xf32>
    %get3A_13 = arith.constant 0 : index
    %get3A_14 = arith.constant 0 : index
    %get3A_15 = vector.load %arg3[%get3A_13, %get3A_14] : memref<128x128xf32, #tpu.memory_space<vmem>>, vector<128x128xf32>
    %add3A_16 = arith.addf %get3A_12, %get3A_15 : vector<128x128xf32>
    %mul3A = arith.mulf %select_n3A, %add3A_16 : vector<128x128xf32>
    %add3A_17 = arith.addf %get3A_9, %mul3A : vector<128x128xf32>
    %get3A_18 = arith.constant 0 : index
    %get3A_19 = arith.constant 0 : index
    %get3A_20 = vector.load %arg4[%get3A_18, %get3A_19] : memref<128x128xf32, #tpu.memory_space<vmem>>, vector<128x128xf32>
    %add3A_21 = arith.addf %add3A_17, %get3A_20 : vector<128x128xf32>
    %get3A_22 = arith.constant 0 : index
    %get3A_23 = arith.constant 0 : index
    %get3A_24 = vector.load %arg5[%get3A_22, %get3A_23] : memref<128x128xf32, #tpu.memory_space<vmem>>, vector<128x128xf32>
    %add3A_25 = arith.addf %add3A_21, %get3A_24 : vector<128x128xf32>
    %get3A_26 = arith.constant 0 : index
    %get3A_27 = arith.constant 0 : index
    %get3A_28 = memref.load %arg0[%get3A_26, %get3A_27] : memref<1x1xf32, #tpu.memory_space<smem>>
    %add3A_29 = vector.broadcast %get3A_28 : f32 to vector<128x128xf32>
    %add3A_30 = arith.addf %add3A_25, %add3A_29 : vector<128x128xf32>
    %swap3A = arith.constant 0 : index
    %swap3A_31 = arith.constant 0 : index
    %swap3A_32 = vector.load %arg8[%swap3A, %swap3A_31] : memref<128x128xf32, #tpu.memory_space<vmem>>, vector<128x128xf32>
    tpu.vector_store %arg8[%swap3A, %swap3A_31], %add3A_30 {strides = array<i32>} : memref<128x128xf32, #tpu.memory_space<vmem>>, vector<128x128xf32>,
    return
  }
}

</mosaic_0001>

<sc_bundles>
// kernel: kernel.5.cloned.1.call-start
scs
__scs_entry_jumppad:
0x0: {  	(pc) =	sbr.rel $0x88, $3  }
0x1: {  	(tag) =	ssettag $0x0;
	lr =	simm.s32 $0x1  }
0x2: {  	[smem:$0x3F98] =	sst lr;
	_ =	strace $0xD0000000  }
0x3: {  	_ = 	snop  }
0x4: {  	_ = 	snop  }
0x5: {  	_ = 	snop  }
0x6: {  	_ = 	snop  }
0x7: {  	_ = 	snop  }
__scs_overlays_trampoline_lowered:
0x8: {  	[smem:$0x3FA7] =	sst s0  }
0x9: {  	[smem:$0x3FA8] =	sst s1  }
0xa: {  	[smem:$0x3FA9] =	sst s2  }
0xb: {  	[smem:$0x3FAA] =	sst s3  }
0xc: {  	[smem:$0x3FAB] =	sst s4  }
0xd: {  	[smem:$0x3FAC] =	sst s5  }
0xe: {  	[smem:$0x3FAD] =	sst s6  }
0xf: {  	[smem:$0x3FAE] =	sst s7  }
0x10: {  	[smem:$0x3FAF] =	sst s8  }
0x11: {  	[smem:$0x3FB0] =	sst s9;
	s0 =	simm.s32 @!p0 $0x0  }
0x12: {  	s1 =	sld [smem:$0x3F96];
	s0 =	simm.s32 @p0 $0x1  }
0x13: {  	[smem:$0x3FB1] =	sst s0;
	s0 =	simm.s32 @!p1 $0x0  }
0x14: {  	s2 =	sld [smem:$0x3F95];
	s0 =	simm.s32 @p1 $0x1  }
0x15: {  	[smem:$0x3FB2] =	sst s0;
	s0 =	simm.s32 @!p2 $0x0  }
0x16: {  	s3 =	sld [smem:$0x3FDB];
	s0 =	simm.s32 @p2 $0x1  }
0x17: {  	s4 =	simm.s32 $0x1BF5;
	[smem:$0x3FB4] =	sst s0  }
0x18: {  	s0 =	sld [smem:$0x3F97];
	_ =	swait.ge [sflag:s4], $0x0  }
0x19: {  	s7 =	sld [smem:$0x3F98]  }
0x1a: {  	s8 =	sadd.s32 $0xFFFFE003, lr  }
0x1b: {  	s9 =	sadd.s32 $0xFFFFFEF7, lr;
	s5 =	simm.s32 $0xFFFFFFFF;
	p2 =	slt.u32 s8, $0xFFFFF086  }
0x1c: {  	p1 =	slt.u32 s9, $0xF7A;
	s5 =	simm.s32 @!p2 $0x0  }
0x1d: {  	s5 =	simm.s32 @p1 $0x1;
	p0 =	seq.s32 s7, s2  }
0x1e: {  	s7 =	smul.u32 @!p0 $0xF7A, s2;
	p2 =	seq.s32 @!p0 s5, $0x0  }
0x1f: {  	s9 =	smul.u32 $0xF7A, s1;
	s8 =	simm.s32 @!p0 $0x1BF5;
	p2 =	por !p2, p0  }
0x20: {  	[sflag:s8] =	ssyncset.s32 @!p0 $0xFFFFF086;
	s6 =	sadd.s32 @!p0 s3, s7;
	s7 =	simm.s32 @!p0 $0x108  }
0x21: {  	s3 =	sadd.s32 s3, s9;
	s6 =	sadd.s32 @!p0 $0x88, s6;
	s7 =	simm.s32 @p2 $0x1082  }
0x22: {  	[simem:s7], [sflag:s8] =	dma.local @!p0 [hbm:s6], $0xF7A  }
0x23: {  	s9 =	sor.u32 $0xD0000000, s2;
	s6 =	simm.s32 $0x108;
	_ =	swait.ge @!p0 [sflag:s8], $0x0  }
0x24: {  	s3 =	sadd.s32 $0x88, s3;
	s6 =	simm.s32 @!p1 $0x1082;
	[sflag:s4] =	ssyncset.s32 $0xFFFFF086  }
0x25: {  	[simem:s6], [sflag:s4] =	dma.local [hbm:s3], $0xF7A  }
0x26: {  	[smem:$0x3F98] =	sst s1;
	(tag) =	ssettag s2;
	_ =	strace s9  }
0x27: {  	s1 =	sld [smem:$0x3FA8]  }
0x28: {  	s2 =	sld [smem:$0x3FA9]  }
0x29: {  	s4 =	sld [smem:$0x3FAB]  }
0x2a: {  	p0 =	seq.s32 s5, $0x0;
	s5 =	sld [smem:$0x3FAC]  }
0x2b: {  	s6 =	sld [smem:$0x3FAD]  }
0x2c: {  	s7 =	sld [smem:$0x3FAE]  }
0x2d: {  	s3 =	simm.s32 $0x108;
	s8 =	sld [smem:$0x3FAF]  }
0x2e: {  	s3 =	simm.s32 @!p0 $0x1082;
	s9 =	sld [smem:$0x3FB0]  }
0x2f: {  	lr =	sadd.s32 s0, s3;
	s0 =	sld [smem:$0x3FA7]  }
0x30: {  	s3 =	sld [smem:$0x3FAA]  }
0x31: {  	[smem:$0x3FB3] =	sst s10  }
0x32: {  	s10 =	sld [smem:$0x3FB1];
	_ =	sdelay $0x3  }
0x33: {  	p0 =	seq.s32 s10, $0x1;
	s10 =	sld [smem:$0x3FB3];
	_ =	sdelay $0x3  }
0x34: {  	[smem:$0x3FB3] =	sst s10  }
0x35: {  	s10 =	sld [smem:$0x3FB2];
	_ =	sdelay $0x3  }
0x36: {  	p1 =	seq.s32 s10, $0x1;
	s10 =	sld [smem:$0x3FB3];
	_ =	sdelay $0x3  }
0x37: {  	[smem:$0x3FB3] =	sst s10  }
0x38: {  	s10 =	sld [smem:$0x3FB4]  }
0x39: {  	_ = 	snop;
	(pc) =	sbr.ind lr, $3  }
0x3a: {  	_ = 	snop  }
0x3b: {  	_ = 	snop  }
0x3c: {  	p2 =	seq.s32 s10, $0x1;
	s10 =	sld [smem:$0x3FB3]  }
0x3d: {  	_ =	shalt  }
0x3e: {  	_ =	shalt  }
0x3f: {  	_ =	shalt  }
0x40: {  	_ =	shalt  }
0x41: {  	_ =	shalt  }
0x42: {  	_ =	shalt  }
0x43: {  	_ =	shalt  }
0x44: {  	_ =	shalt  }
0x45: {  	_ =	shalt  }
0x46: {  	_ =	shalt  }
0x47: {  	_ =	shalt  }
0x48: {  	_ =	shalt  }
0x49: {  	_ =	shalt  }
0x4a: {  	_ =	shalt  }
0x4b: {  	_ =	shalt  }
0x4c: {  	_ =	shalt  }
0x4d: {  	_ =	shalt  }
0x4e: {  	_ =	shalt  }
0x4f: {  	_ =	shalt  }
0x50: {  	_ =	shalt  }
0x51: {  	_ =	shalt  }
0x52: {  	_ =	shalt  }
0x53: {  	_ =	shalt  }
0x54: {  	_ =	shalt  }
0x55: {  	_ =	shalt  }
0x56: {  	_ =	shalt  }
0x57: {  	_ =	shalt  }
0x58: {  	_ =	shalt  }
0x59: {  	_ =	shalt  }
0x5a: {  	_ =	shalt  }
0x5b: {  	_ =	shalt  }
0x5c: {  	_ =	shalt  }
0x5d: {  	_ =	shalt  }
0x5e: {  	_ =	shalt  }
0x5f: {  	_ =	shalt  }
0x60: {  	_ =	shalt  }
0x61: {  	_ =	shalt  }
0x62: {  	_ =	shalt  }
0x63: {  	_ =	shalt  }
0x64: {  	_ =	shalt  }
0x65: {  	_ =	shalt  }
0x66: {  	_ =	shalt  }
0x67: {  	_ =	shalt  }
0x68: {  	_ =	shalt  }
0x69: {  	_ =	shalt  }
0x6a: {  	_ =	shalt  }
0x6b: {  	_ =	shalt  }
0x6c: {  	_ =	shalt  }
0x6d: {  	_ =	shalt  }
0x6e: {  	_ =	shalt  }
0x6f: {  	_ =	shalt  }
0x70: {  	_ =	shalt  }
0x71: {  	_ =	shalt  }
0x72: {  	_ =	shalt  }
0x73: {  	_ =	shalt  }
0x74: {  	_ =	shalt  }
0x75: {  	_ =	shalt  }
0x76: {  	_ =	shalt  }
0x77: {  	_ =	shalt  }
0x78: {  	_ =	shalt  }
0x79: {  	_ =	shalt  }
0x7a: {  	_ =	shalt  }
0x7b: {  	_ =	shalt  }
0x7c: {  	_ =	shalt  }
0x7d: {  	_ =	shalt  }
0x7e: {  	_ =	shalt  }
0x7f: {  	_ =	shalt  }
0x80: {  	_ =	shalt  }
0x81: {  	_ =	shalt  }
0x82: {  	_ =	shalt  }
0x83: {  	_ =	shalt  }
0x84: {  	_ =	shalt  }
0x85: {  	_ =	shalt  }
0x86: {  	_ =	shalt  }
0x87: {  	_ =	shalt  }
.Lfunc_end0:
.L_simem_size_0:
called_computation_lowered:
.L_overlay_start_0:
0x88: {  	s2 =	sld [smem:$0x3FD9]  }
0x89: {  	s3 =	sld [smem:$0x3FFE];
	_ =	sdelay $0x1  }
0x8a: {  	s1 =	srdreg.scid  }
0x8b: {  	s0 =	sand.u32 $0x1, s1  }
0x8c: {  	s17 =	sshll.u32 s0, $0xA;
	s2 =	sadd.s32 s3, s2  }
0x8d: {  	s2 =	sadd.s32 s2, s17  }
0x8e: {  	[smem:$0x3FBF] =	sst s2  }
0x8f: {  	_ = 	snop  }
0x90: {  	s2 =	sld [smem:$0x3FC9];
	(tm) =	ssettm $0x1  }
0x91: {  	s18 =	sld [smem:$0x3FFB];
	_ =	sdelay $0x3  }
0x92: {  	_ =	strace s18  }
0x93: {  	s3 =	sld [smem:$0x3FFC];
	_ =	sdelay $0x3  }
0x94: {  	_ =	strace s3  }
0x95: {  	s3 =	sld [smem:$0x3FFD];
	_ =	sdelay $0x3  }
0x96: {  	_ =	strace s3  }
0x97: {  	_ =	strace $0x8FFFFFFF  }
0x98: {  	s19 =	sld [smem:$0x3FDB];
	_ =	sdelay $0x1  }
0x99: {  	s4 =	simm.s32 $_scs_section_size  }
0x9a: {  	s5 =	simm.s32 $_size__tile_overlayer_lowered;
	s6 =	simm.s32 $_tile_overlayer_lowered  }
0x9b: {  	s22 =	simm.s32 $0x1BFF;
	s21 =	sshll.u32 s6, $0x1;
	s3 =	sadd.s32 s4, s19  }
0x9c: {  	s7 =	simm.s32 $0x0;
	s20 =	sshll.u32 s5, $0x1;
	s5 =	sadd.s32 s21, s3  }
0x9d: {  	[timem:s7], [sflag:s22] =	dma.local [hbm:s5], s20  }
0x9e: {  	_ =	swait.ge [sflag:s22], s20  }
0x9f: {  	s4 =	ssub.s32 $0x0, s20;
	[sflag:s22] =	ssyncset.done $0x0  }
0xa0: {  	[sflag:s22] =	ssyncadd.s32 s4;
	_ =	sdelay $0x1  }
0xa1: {  	s23 =	simm.s32 $0x1B8B  }
0xa2: {  	_ =	swait.ge [sflag:s23], $0x1  }
0xa3: {  	[sflag:s23] =	ssyncset.done $0x0  }
0xa4: {  	s25 =	simm.s32 $0x1B8E;
	s24 =	sld [smem:$0x3FFE];
	[sflag:s23] =	ssyncadd.s32 $0xFFFFFFFF  }
0xa5: {  	s26 =	simm.s32 $execute0_lowered;
	[smem:$0x3FD2] =	sst s25  }
0xa6: {  	s5 =	sshll.u32 s26, $0x1;
	_ =	strace $0x80000046;
	[dreg:$0x1] =	wrdreg $0xFFFFFFFF  }
0xa7: {  	s28 =	simm.s32 $_size_execute0_lowered;
	s3 =	sadd.s32 s3, s5;
	[dreg:$0x0] =	wrdreg $0x0  }
0xa8: {  	s5 =	sshll.u32 s28, $0x1;
	[dreg:$0x2] =	wrdreg s3  }
0xa9: {  	[dreg:$0x3] =	wrdreg s5  }
0xaa: {  	[dreg:$0x4] =	wrdreg $0xC0  }
0xab: {  	_ =	task [dreg:s7], $0x5FFFF  }
0xac: {  	[dreg:$0x1] =	wrdreg $0xFFFFFFFF  }
0xad: {  	[dreg:$0x0] =	wrdreg $0x60  }
0xae: {  	[dreg:$0x2] =	wrdreg s2  }
0xaf: {  	[dreg:$0x3] =	wrdreg s24  }
0xb0: {  	[dreg:$0x4] =	wrdreg $0x18400  }
0xb1: {  	[dreg:$0x5] =	wrdreg $0x9  }
0xb2: {  	_ =	task.clear_ibuf [dreg:s7], $0x6FFFF;
	_ =	strace $0x90000046  }
0xb3: {  	s29 =	simm.s32 $0x9;
	_ =	strace $0x80000048  }
0xb4: {  	_ =	swait.ge [sflag:s29], $0x1  }
0xb5: {  	[sflag:s29] =	ssyncadd.s32 $0xFFFFFFFF  }
0xb6: {  	_ =	strace $0x90000048  }
0xb7: {  	_ =	sfence  }
0xb8: {  	s30 =	sld [smem:$0x0];
	_ =	sdelay $0x2  }
0xb9: {  	s31 =	sshll.u32 s1, $0xD;
	s1 =	sshrl.u32 s1, $0x2  }
0xba: {  	s3 =	sand.u32 $0x4000, s31;
	s1 =	sadd.s32 s1, s30  }
0xbb: {  	s0 =	sor.u32 s3, s0;
	s1 =	sshll.u32 s1, $0x11  }
0xbc: {  	s0 =	sor.u32 s1, s0  }
0xbd: {  	s0 =	sadd.s32 $0x8F2B, s0  }
0xbe: {  	[sflag:s0] =	ssyncadd.remote.s32 $0x1  }
0xbf: {  	_ =	sfence.sel $0xFFFF  }
0xc0: {  	[dreg:$0x0] =	wrdreg $0xFFFFFFFF;
	(pc) =	sbr.abs _section_cstart, $3  }
0xc1: {  	[dreg:$0x1] =	wrdreg $0xFFFFFFFF  }
0xc2: {  	_ =	task.clear_ibuf [dreg:s7], $0x2FFFF;
	_ =	strace $0x9FFFFFFF  }
0xc3: {  	(tm) =	ssettm $0x7FFFFFFF  }
tec
execute0_lowered:
.L_overlay_start_1:
0x0: {  	(tag) =	ssettag $0x1  }
0x1: {  	s6 =	rddreg [dreg:$0x0]  }
0x2: {  	s4 =	rddreg [dreg:$0x1]  }
0x3: {  	s0 =	srdreg.scid;
	s2 =	rddreg [dreg:$0x2]  }
0x4: {  	s1 =	rddreg [dreg:$0x3];
	s7 =	sand.u32 $0x1, s0  }
0x5: {  	s3 =	simm.s32 $0x0;
	s0 =	stileid.u32;
	s11 =	smul.u32 $0xC400, s7  }
0x6: {  	[smem:$0x7FF] =	sst s3;
	s5 =	smul.u32 $0xC40, s0  }
0x7: {  	s9 =	ssub.s32 $0x2, s7;
	_ =	strace $0x80000047;
	s10 =	sshll.u32 s0, $0x7  }
0x8: {  	s7 =	sshll.u32 s7, $0x3;
	s14 =	sshll.u32 s0, $0x6;
	s31 =	sshrl.u32 s9, $0x1  }
0x9: {  	s6 =	sadd.s32 s6, s10;
	s12 =	sor.u32 $0x186A0, s7;
	s10 =	simm.s32 $0xC40  }
0xa: {  	s14 =	sor.u32 $0x1C01, s14;
	s5 =	sadd.s32 s5, s11;
	s9 =	ssub.s32 s9, s31  }
0xb: {  	s13 =	sadd.s32 $0xC400, s11;
	v1 =	vmov s11;
	s11 =	simm.s32 $0x400;
	s8 =	sshrl.u32 s5, $0x3  }
0xc: {  	v0 =	vmov s12;
	s12 =	simm.s32 $0x1040;
	v2 =	vmov s13;
	s13 =	simm.s32 $0x1440;
	s8 =	sadd.s32 s8, s4  }
0xd: {  	s4 =	sadd.s32 s5, s2;
	s5 =	sshll.u32 s0, $0xA;
	s7 =	sadd.s32 $0x3800, s8  }
0xe: {  	v3 =	vimm.s32 $0xFFFFFFFF;
	v4 =	vlaneseq.u32;
	s8 =	smax.u32 s9, $0x1;
	s9 =	simm.s32 $0x1;
	s15 =	sshrl.u32 s4, $0x3  }
.LBB2_1:
0xf: {  	s16 =	simm.s32 $0x40;
	s17 =	simm.s32 $0x0  }
.LBB2_2:
0x10: {  	p0 =	sne.s32 s16, $0x30C0;
	[tilespmem:s17+$0x0] =	vst v3;
	s17 =	smov.u32 s16;
	s16 =	sadd.s32 $0x40, s16  }
.Ltmp0:
0x11: {  	(pc) =	sbr.rel @p0 .LBB2_2-.Ltmp0, $2  }
0x12: {  	_ =	sdelay $0x2  }
0x13: {  	s17 =	sshra.s32 s17, $0x2  }
0x14: {  	[tilespmem:s17+$0x0] =	vst v3;
	s16 =	simm.s32 $0x0  }
0x15: {  	[spmem:s4] =	stream.linear.scatter [tilespmem:s16], [sflag:$0x1], $0xC40, $0x38;
	[tilespmem:$0x30C0] =	vst v63  }
0x16: {  	_ =	swait.ge [sflag:s9], $0xC40  }
0x17: {  	[sflag:s9] =	ssyncset.done $0x0  }
0x18: {  	[sflag:s9] =	ssyncadd.s32 $0xFFFFF3C0  }
0x19: {  	[bflag:$0x0] =	sbarrier.arrive $0xFFFF  }
0x1a: {  	[tilespmem:s10], [sflag:$0x1] =	stream.linear.gather [hbm4b:s6+s16], $0x400, $0x38;
	[tilespmem:$0x30C0] =	vst v63  }
0x1b: {  	_ =	swait.ge [sflag:s9], $0x400  }
0x1c: {  	[sflag:s9] =	ssyncset.done $0x0  }
0x1d: {  	s16 =	simm.s32 $0x0;
	[sflag:s9] =	ssyncadd.s32 $0xFFFFFC00  }
0x1e: {  	v5 =	vld [tilespmem:s16+$0xC40];
	_ =	sdelay $0x2  }
0x1f: {  	v6 =	vor.u32 s5, v4  }
0x20: {  	s17 =	simm.s32 $0x40;
	s18 =	sadd.s32 $0x10, s5;
	[tilespmem:s16+$0x1440] =	vst v6  }
.LBB2_4:
0x21: {  	s19 =	sshra.s32 s17, $0x2;
	v6 =	vor.u32 s18, v4;
	p0 =	sne.s32 s17, $0xFC0;
	s17 =	sadd.s32 $0x40, s17;
	vm0 =	vge.s32 v5, v1;
	vm1 =	vlt.s32 v5, v2;
	v7 =	vmovc v5  }
.Ltmp1:
0x22: {  	v5 =	vld [tilespmem:s19+$0xC40];
	[tilespmem:s19+$0x1440] =	vst v6;
	vm0 =	vmand vm0, vm1;
	(pc) =	sbr.rel @p0 .LBB2_4-.Ltmp1, $3  }
0x23: {  	v6 =	vsel vm0, v7, v0  }
0x24: {  	[tilespmem:s16+$0x1040] =	vst v6;
	s16 =	smov.u32 s19;
	_ =	sdelay $0x1  }
0x25: {  	s18 =	sadd.s32 $0x10, s18  }
0x26: {  	vm0 =	vge.s32 v5, v1;
	vm1 =	vlt.s32 v5, v2  }
0x27: {  	vm0 =	vmand vm0, vm1  }
0x28: {  	v5 =	vsel vm0, v5, v0  }
0x29: {  	[tilespmem:s16+$0x1040] =	vst v5  }
0x2a: {  	[spmem:s2] =	stream.indirect.scatter [tilespmem:s13], [sflag:$0x1], $0x1, s12, s11, $0xb8;
	[tilespmem:$0x30C0] =	vst v63  }
0x2b: {  	_ =	swait.ge [sflag:s9], $0x400  }
0x2c: {  	s3 =	sadd.s32 $0x1, s3;
	[sflag:s9] =	ssyncset.done $0x0  }
0x2d: {  	p0 =	sne.s32 s3, s8;
	[sflag:s9] =	ssyncadd.s32 $0xFFFFFC00  }
.Ltmp2:
0x2e: {  	[bflag:$0x0] =	sbarrier.arrive $0xFFFF;
	(pc) =	sbr.rel @p0 .LBB2_1-.Ltmp2, $4  }
0x2f: {  	[hbm:s7], [sflag:s14] =	dma.local [spmem:s15], $0x188  }
0x30: {  	_ =	swait.ge [sflag:s9], $0x188  }
0x31: {  	[sflag:s9] =	ssyncset.done $0x0  }
0x32: {  	[sflag:s9] =	ssyncadd.s32 $0xFFFFFE78  }
0x33: {  	_ =	sfence.sel $0x180000  }
0x34: {  	[bflag:$0x0] =	sbarrier.arrive $0xFFFF  }
0x35: {  	p0 =	sne.s32 s0, $0x0;
	_ =	strace $0x90000047  }
0x36: {  	s0 =	sadd.s32 @!p0 $0x100000, s1;
	[bflag:$0x2] =	sbarrier.arrive $0xFFFF  }
0x37: {  	[sflag:s0] =	ssyncadd.tile.s32 @!p0 $0x1;
	_ =	shalt  }
.Lfunc_end2:
_tile_overlayer_lowered:
.L_overlay_start_2:
0x38: {  	(tag) =	ssettag $0x2  }
0x39: {  	s0 =	rddreg [dreg:$0x0];
	s2 =	stileid.u32  }
0x3a: {  	s1 =	rddreg [dreg:$0x1];
	p0 =	sne.s32 s2, $0x0  }
0x3b: {  	s3 =	rddreg [dreg:$0x2];
	[bflag:$0x3] =	sbarrier.arrive $0xFFFF;
	s2 =	simm.s32 @!p0 $0x1C01  }
0x3c: {  	[timem:s3], [sflag:s2] =	dma.local @!p0 [hbm:s0], s1  }
0x3d: {  	s0 =	simm.s32 @!p0 $0x1  }
0x3e: {  	_ =	swait.ge @!p0 [sflag:s0], s1  }
0x3f: {  	s1 =	ssub.s32 @!p0 $0x0, s1;
	[sflag:s0] =	ssyncset.done @!p0 $0x0  }
0x40: {  	[sflag:s0] =	ssyncadd.s32 @!p0 s1  }
0x41: {  	[bflag:$0x3] =	sbarrier.arrive $0xFFFF  }
0x42: {  	_ =	shalt  }

// kernel: kernel.8.cloned.1.call-start
scs
__scs_entry_jumppad:
0x0: {  	(pc) =	sbr.rel $0x88, $3  }
0x1: {  	(tag) =	ssettag $0x0;
	lr =	simm.s32 $0x1  }
0x2: {  	[smem:$0x3F98] =	sst lr;
	_ =	strace $0xD0000000  }
0x3: {  	_ = 	snop  }
0x4: {  	_ = 	snop  }
0x5: {  	_ = 	snop  }
0x6: {  	_ = 	snop  }
0x7: {  	_ = 	snop  }
__scs_overlays_trampoline_lowered:
0x8: {  	[smem:$0x3FA7] =	sst s0  }
0x9: {  	[smem:$0x3FA8] =	sst s1  }
0xa: {  	[smem:$0x3FA9] =	sst s2  }
0xb: {  	[smem:$0x3FAA] =	sst s3  }
0xc: {  	[smem:$0x3FAB] =	sst s4  }
0xd: {  	[smem:$0x3FAC] =	sst s5  }
0xe: {  	[smem:$0x3FAD] =	sst s6  }
0xf: {  	[smem:$0x3FAE] =	sst s7  }
0x10: {  	[smem:$0x3FAF] =	sst s8  }
0x11: {  	[smem:$0x3FB0] =	sst s9;
	s0 =	simm.s32 @!p0 $0x0  }
0x12: {  	s1 =	sld [smem:$0x3F96];
	s0 =	simm.s32 @p0 $0x1  }
0x13: {  	[smem:$0x3FB1] =	sst s0;
	s0 =	simm.s32 @!p1 $0x0  }
0x14: {  	s2 =	sld [smem:$0x3F95];
	s0 =	simm.s32 @p1 $0x1  }
0x15: {  	[smem:$0x3FB2] =	sst s0;
	s0 =	simm.s32 @!p2 $0x0  }
0x16: {  	s3 =	sld [smem:$0x3FDB];
	s0 =	simm.s32 @p2 $0x1  }
0x17: {  	s4 =	simm.s32 $0x1BF5;
	[smem:$0x3FB4] =	sst s0  }
0x18: {  	s0 =	sld [smem:$0x3F97];
	_ =	swait.ge [sflag:s4], $0x0  }
0x19: {  	s7 =	sld [smem:$0x3F98]  }
0x1a: {  	s8 =	sadd.s32 $0xFFFFE003, lr  }
0x1b: {  	s9 =	sadd.s32 $0xFFFFFEF7, lr;
	s5 =	simm.s32 $0xFFFFFFFF;
	p2 =	slt.u32 s8, $0xFFFFF086  }
0x1c: {  	p1 =	slt.u32 s9, $0xF7A;
	s5 =	simm.s32 @!p2 $0x0  }
0x1d: {  	s5 =	simm.s32 @p1 $0x1;
	p0 =	seq.s32 s7, s2  }
0x1e: {  	s7 =	smul.u32 @!p0 $0xF7A, s2;
	p2 =	seq.s32 @!p0 s5, $0x0  }
0x1f: {  	s9 =	smul.u32 $0xF7A, s1;
	s8 =	simm.s32 @!p0 $0x1BF5;
	p2 =	por !p2, p0  }
0x20: {  	[sflag:s8] =	ssyncset.s32 @!p0 $0xFFFFF086;
	s6 =	sadd.s32 @!p0 s3, s7;
	s7 =	simm.s32 @!p0 $0x108  }
0x21: {  	s3 =	sadd.s32 s3, s9;
	s6 =	sadd.s32 @!p0 $0x88, s6;
	s7 =	simm.s32 @p2 $0x1082  }
0x22: {  	[simem:s7], [sflag:s8] =	dma.local @!p0 [hbm:s6], $0xF7A  }
0x23: {  	s9 =	sor.u32 $0xD0000000, s2;
	s6 =	simm.s32 $0x108;
	_ =	swait.ge @!p0 [sflag:s8], $0x0  }
0x24: {  	s3 =	sadd.s32 $0x88, s3;
	s6 =	simm.s32 @!p1 $0x1082;
	[sflag:s4] =	ssyncset.s32 $0xFFFFF086  }
0x25: {  	[simem:s6], [sflag:s4] =	dma.local [hbm:s3], $0xF7A  }
0x26: {  	[smem:$0x3F98] =	sst s1;
	(tag) =	ssettag s2;
	_ =	strace s9  }
0x27: {  	s1 =	sld [smem:$0x3FA8]  }
0x28: {  	s2 =	sld [smem:$0x3FA9]  }
0x29: {  	s4 =	sld [smem:$0x3FAB]  }
0x2a: {  	p0 =	seq.s32 s5, $0x0;
	s5 =	sld [smem:$0x3FAC]  }
0x2b: {  	s6 =	sld [smem:$0x3FAD]  }
0x2c: {  	s7 =	sld [smem:$0x3FAE]  }
0x2d: {  	s3 =	simm.s32 $0x108;
	s8 =	sld [smem:$0x3FAF]  }
0x2e: {  	s3 =	simm.s32 @!p0 $0x1082;
	s9 =	sld [smem:$0x3FB0]  }
0x2f: {  	lr =	sadd.s32 s0, s3;
	s0 =	sld [smem:$0x3FA7]  }
0x30: {  	s3 =	sld [smem:$0x3FAA]  }
0x31: {  	[smem:$0x3FB3] =	sst s10  }
0x32: {  	s10 =	sld [smem:$0x3FB1];
	_ =	sdelay $0x3  }
0x33: {  	p0 =	seq.s32 s10, $0x1;
	s10 =	sld [smem:$0x3FB3];
	_ =	sdelay $0x3  }
0x34: {  	[smem:$0x3FB3] =	sst s10  }
0x35: {  	s10 =	sld [smem:$0x3FB2];
	_ =	sdelay $0x3  }
0x36: {  	p1 =	seq.s32 s10, $0x1;
	s10 =	sld [smem:$0x3FB3];
	_ =	sdelay $0x3  }
0x37: {  	[smem:$0x3FB3] =	sst s10  }
0x38: {  	s10 =	sld [smem:$0x3FB4]  }
0x39: {  	_ = 	snop;
	(pc) =	sbr.ind lr, $3  }
0x3a: {  	_ = 	snop  }
0x3b: {  	_ = 	snop  }
0x3c: {  	p2 =	seq.s32 s10, $0x1;
	s10 =	sld [smem:$0x3FB3]  }
0x3d: {  	_ =	shalt  }
0x3e: {  	_ =	shalt  }
0x3f: {  	_ =	shalt  }
0x40: {  	_ =	shalt  }
0x41: {  	_ =	shalt  }
0x42: {  	_ =	shalt  }
0x43: {  	_ =	shalt  }
0x44: {  	_ =	shalt  }
0x45: {  	_ =	shalt  }
0x46: {  	_ =	shalt  }
0x47: {  	_ =	shalt  }
0x48: {  	_ =	shalt  }
0x49: {  	_ =	shalt  }
0x4a: {  	_ =	shalt  }
0x4b: {  	_ =	shalt  }
0x4c: {  	_ =	shalt  }
0x4d: {  	_ =	shalt  }
0x4e: {  	_ =	shalt  }
0x4f: {  	_ =	shalt  }
0x50: {  	_ =	shalt  }
0x51: {  	_ =	shalt  }
0x52: {  	_ =	shalt  }
0x53: {  	_ =	shalt  }
0x54: {  	_ =	shalt  }
0x55: {  	_ =	shalt  }
0x56: {  	_ =	shalt  }
0x57: {  	_ =	shalt  }
0x58: {  	_ =	shalt  }
0x59: {  	_ =	shalt  }
0x5a: {  	_ =	shalt  }
0x5b: {  	_ =	shalt  }
0x5c: {  	_ =	shalt  }
0x5d: {  	_ =	shalt  }
0x5e: {  	_ =	shalt  }
0x5f: {  	_ =	shalt  }
0x60: {  	_ =	shalt  }
0x61: {  	_ =	shalt  }
0x62: {  	_ =	shalt  }
0x63: {  	_ =	shalt  }
0x64: {  	_ =	shalt  }
0x65: {  	_ =	shalt  }
0x66: {  	_ =	shalt  }
0x67: {  	_ =	shalt  }
0x68: {  	_ =	shalt  }
0x69: {  	_ =	shalt  }
0x6a: {  	_ =	shalt  }
0x6b: {  	_ =	shalt  }
0x6c: {  	_ =	shalt  }
0x6d: {  	_ =	shalt  }
0x6e: {  	_ =	shalt  }
0x6f: {  	_ =	shalt  }
0x70: {  	_ =	shalt  }
0x71: {  	_ =	shalt  }
0x72: {  	_ =	shalt  }
0x73: {  	_ =	shalt  }
0x74: {  	_ =	shalt  }
0x75: {  	_ =	shalt  }
0x76: {  	_ =	shalt  }
0x77: {  	_ =	shalt  }
0x78: {  	_ =	shalt  }
0x79: {  	_ =	shalt  }
0x7a: {  	_ =	shalt  }
0x7b: {  	_ =	shalt  }
0x7c: {  	_ =	shalt  }
0x7d: {  	_ =	shalt  }
0x7e: {  	_ =	shalt  }
0x7f: {  	_ =	shalt  }
0x80: {  	_ =	shalt  }
0x81: {  	_ =	shalt  }
0x82: {  	_ =	shalt  }
0x83: {  	_ =	shalt  }
0x84: {  	_ =	shalt  }
0x85: {  	_ =	shalt  }
0x86: {  	_ =	shalt  }
0x87: {  	_ =	shalt  }
.Lfunc_end0:
.L_simem_size_0:
called_computation.1_lowered:
.L_overlay_start_0:
0x88: {  	s2 =	sld [smem:$0x3FD9]  }
0x89: {  	s3 =	sld [smem:$0x3FFE];
	_ =	sdelay $0x1  }
0x8a: {  	s1 =	srdreg.scid  }
0x8b: {  	s0 =	sand.u32 $0x1, s1  }
0x8c: {  	s17 =	sshll.u32 s0, $0xA;
	s2 =	sadd.s32 s3, s2  }
0x8d: {  	s2 =	sadd.s32 s2, s17  }
0x8e: {  	[smem:$0x3FBF] =	sst s2  }
0x8f: {  	_ = 	snop  }
0x90: {  	s2 =	sld [smem:$0x3FC9]  }
0x91: {  	s18 =	sld [smem:$0x3FC8]  }
0x92: {  	s4 =	sld [smem:$0x3FD0];
	(tm) =	ssettm $0x1  }
0x93: {  	s5 =	sld [smem:$0x3FFB];
	_ =	sdelay $0x3  }
0x94: {  	_ =	strace s5  }
0x95: {  	s5 =	sld [smem:$0x3FFC];
	_ =	sdelay $0x3  }
0x96: {  	_ =	strace s5  }
0x97: {  	s5 =	sld [smem:$0x3FFD];
	_ =	sdelay $0x3  }
0x98: {  	_ =	strace s5  }
0x99: {  	_ =	strace $0x8FFFFFFF  }
0x9a: {  	s19 =	sld [smem:$0x3FDB];
	_ =	sdelay $0x1  }
0x9b: {  	s6 =	simm.s32 $_scs_section_size  }
0x9c: {  	s7 =	simm.s32 $_size__tile_overlayer_lowered;
	s8 =	simm.s32 $_tile_overlayer_lowered  }
0x9d: {  	s22 =	simm.s32 $0x1BFF;
	s21 =	sshll.u32 s8, $0x1;
	s5 =	sadd.s32 s6, s19  }
0x9e: {  	s9 =	simm.s32 $0x0;
	s20 =	sshll.u32 s7, $0x1;
	s7 =	sadd.s32 s21, s5  }
0x9f: {  	[timem:s9], [sflag:s22] =	dma.local [hbm:s7], s20  }
0xa0: {  	_ =	swait.ge [sflag:s22], s20  }
0xa1: {  	s6 =	ssub.s32 $0x0, s20;
	[sflag:s22] =	ssyncset.done $0x0  }
0xa2: {  	[sflag:s22] =	ssyncadd.s32 s6;
	_ =	sdelay $0x1  }
0xa3: {  	s23 =	simm.s32 $0x1B8B  }
0xa4: {  	_ =	swait.ge [sflag:s23], $0x1  }
0xa5: {  	[sflag:s23] =	ssyncset.done $0x0  }
0xa6: {  	s25 =	simm.s32 $0x1B8E;
	s24 =	sld [smem:$0x3FFE];
	[sflag:s23] =	ssyncadd.s32 $0xFFFFFFFF  }
0xa7: {  	s26 =	simm.s32 $execute0_lowered;
	[smem:$0x3FD2] =	sst s25  }
0xa8: {  	s7 =	sshll.u32 s26, $0x1;
	_ =	strace $0x80000049;
	[dreg:$0x1] =	wrdreg $0xFFFFFFFF  }
0xa9: {  	s28 =	simm.s32 $_size_execute0_lowered;
	s5 =	sadd.s32 s5, s7;
	[dreg:$0x0] =	wrdreg $0x0  }
0xaa: {  	s7 =	sshll.u32 s28, $0x1;
	[dreg:$0x2] =	wrdreg s5  }
0xab: {  	[dreg:$0x3] =	wrdreg s7  }
0xac: {  	[dreg:$0x4] =	wrdreg $0xC0  }
0xad: {  	_ =	task [dreg:s9], $0x5FFFF  }
0xae: {  	[dreg:$0x1] =	wrdreg $0xFFFFFFFF  }
0xaf: {  	[dreg:$0x0] =	wrdreg $0x60  }
0xb0: {  	[dreg:$0x2] =	wrdreg s24  }
0xb1: {  	[dreg:$0x3] =	wrdreg s2  }
0xb2: {  	[dreg:$0x4] =	wrdreg s18  }
0xb3: {  	[dreg:$0x5] =	wrdreg s4  }
0xb4: {  	[dreg:$0x6] =	wrdreg $0x13B100  }
0xb5: {  	[dreg:$0x7] =	wrdreg $0x1BD100  }
0xb6: {  	[dreg:$0x8] =	wrdreg $0x1BF180  }
0xb7: {  	[dreg:$0x9] =	wrdreg $0x9  }
0xb8: {  	_ =	task.clear_ibuf [dreg:s9], $0xAFFFF;
	_ =	strace $0x90000049  }
0xb9: {  	s29 =	simm.s32 $0x9;
	_ =	strace $0x8000004B  }
0xba: {  	_ =	swait.ge [sflag:s29], $0x1  }
0xbb: {  	[sflag:s29] =	ssyncadd.s32 $0xFFFFFFFF  }
0xbc: {  	_ =	strace $0x9000004B  }
0xbd: {  	_ =	sfence  }
0xbe: {  	s30 =	sld [smem:$0x0];
	_ =	sdelay $0x2  }
0xbf: {  	s31 =	sshll.u32 s1, $0xD;
	s1 =	sshrl.u32 s1, $0x2  }
0xc0: {  	s3 =	sand.u32 $0x4000, s31;
	s1 =	sadd.s32 s1, s30  }
0xc1: {  	s0 =	sor.u32 s3, s0;
	s1 =	sshll.u32 s1, $0x11  }
0xc2: {  	s0 =	sor.u32 s1, s0  }
0xc3: {  	s0 =	sadd.s32 $0x8F2B, s0  }
0xc4: {  	[sflag:s0] =	ssyncadd.remote.s32 $0x1  }
0xc5: {  	_ =	sfence.sel $0xFFFF  }
0xc6: {  	[dreg:$0x0] =	wrdreg $0xFFFFFFFF;
	(pc) =	sbr.abs _section_cstart, $3  }
0xc7: {  	[dreg:$0x1] =	wrdreg $0xFFFFFFFF  }
0xc8: {  	_ =	task.clear_ibuf [dreg:s9], $0x2FFFF;
	_ =	strace $0x9FFFFFFF  }
0xc9: {  	(tm) =	ssettm $0x7FFFFFFF  }
tec
execute0_lowered:
.L_overlay_start_1:
0x0: {  	(tag) =	ssettag $0x1  }
0x1: {  	s0 =	rddreg [dreg:$0x0]  }
0x2: {  	s9 =	rddreg [dreg:$0x1]  }
0x3: {  	s10 =	rddreg [dreg:$0x2]  }
0x4: {  	s12 =	rddreg [dreg:$0x3]  }
0x5: {  	s2 =	rddreg [dreg:$0x4]  }
0x6: {  	s3 =	rddreg [dreg:$0x5]  }
0x7: {  	s4 =	rddreg [dreg:$0x6];
	s1 =	stileid.u32  }
0x8: {  	s5 =	simm.s32 $0x0;
	s15 =	srdreg.scid;
	s28 =	simm.s32 $0x11800  }
0x9: {  	s29 =	simm.s32 $0x13310;
	s31 =	simm.s32 $0x13710;
	s30 =	simm.s32 $0x240  }
0xa: {  	s13 =	smul.u32 $0x1880, s1;
	[smem:$0x7FF] =	sst s5;
	s22 =	sadd.s32 $0x250A00, s0  }
0xb: {  	s6 =	sadd.s32 $0x6A00, s0;
	s8 =	sadd.s32 $0x18D400, s0;
	s11 =	sadd.s32 $0x46E00, s0  }
0xc: {  	s23 =	sadd.s32 $0x43C00, s0;
	_ =	strace $0x8000004A;
	[dreg:$0x1b] =	wrdreg s22  }
0xd: {  	s15 =	sand.u32 $0x1, s15;
	s16 =	sadd.s32 $0x4B000, s0;
	[dreg:$0x8] =	wrdreg s11  }
0xe: {  	s17 =	smul.u32 $0x20800, s1;
	s18 =	sadd.s32 $0x4B800, s0;
	[dreg:$0x9] =	wrdreg s23  }
0xf: {  	s19 =	smul.u32 $0x820, s1;
	s20 =	sadd.s32 $0x25248, s0;
	[dreg:$0xa] =	wrdreg s16  }
0x10: {  	s11 =	sadd.s32 $0x314000, s0;
	s24 =	ssub.s32 $0x2, s15;
	[dreg:$0xb] =	wrdreg s18  }
0x11: {  	s22 =	sshll.u32 s1, $0x7;
	p0 =	sne.s32 s15, $0x0;
	s18 =	sadd.s32 $0x25200, s0  }
0x12: {  	s7 =	sshrl.u32 s13, $0x3;
	s25 =	sshrl.u32 s24, $0x1;
	s17 =	sshrl.u32 s17, $0x2  }
0x13: {  	s21 =	sadd.s32 s22, s0;
	s26 =	sshrl.u32 s19, $0x2;
	s13 =	sadd.s32 s13, s4  }
0x14: {  	[dreg:$0xc] =	wrdreg s22;
	s23 =	sadd.s32 s17, s2;
	s17 =	sadd.s32 s26, s3  }
0x15: {  	s14 =	sadd.s32 s7, s0;
	s7 =	sadd.s32 s9, s22;
	[dreg:$0xe] =	wrdreg s17  }
0x16: {  	s19 =	sadd.s32 $0x43A48, s0;
	s9 =	sadd.s32 s10, s22;
	[dreg:$0x10] =	wrdreg s7  }
0x17: {  	s16 =	ssub.s32 s24, s25;
	s10 =	sadd.s32 s12, s22;
	[dreg:$0x11] =	wrdreg s9  }
0x18: {  	s12 =	sadd.s32 $0x4A800, s21;
	s24 =	sshrl.u32 s13, $0x3;
	[dreg:$0x12] =	wrdreg s10  }
0x19: {  	s13 =	simm.s32 $0x1000;
	s0 =	simm.s32 $0x0;
	[dreg:$0x13] =	wrdreg s12  }
0x1a: {  	s14 =	sadd.s32 $0x3800, s14;
	s17 =	sadd.s32 $0x4A000, s21;
	[dreg:$0x18] =	wrdreg s24  }
0x1b: {  	s22 =	smax.u32 s16, $0x1;
	s25 =	sadd.s32 $0x4000, s23;
	[dreg:$0xd] =	wrdreg s23  }
0x1c: {  	s26 =	sadd.s32 $0x8000, s23;
	s9 =	simm.s32 $0x5800;
	[dreg:$0xf] =	wrdreg s14  }
0x1d: {  	s10 =	simm.s32 $0x2;
	s12 =	simm.s32 $0x800;
	[dreg:$0x15] =	wrdreg s17  }
.Ltmp0:
0x1e: {  	s23 =	simm.s32 $0x1;
	[dreg:$0x17] =	wrdreg s22;
	(pc) =	sbr.rel .LBB2_1-.Ltmp0, $4  }
0x1f: {  	s24 =	simm.s32 $0x3800;
	s7 =	simm.s32 $0x400;
	[dreg:$0x19] =	wrdreg s25  }
0x20: {  	v1 =	vimm.f32 $0.0e+00;
	s14 =	sshll.u32 s15, $0xD;
	s15 =	sadd.s32 $0x4C800, s21;
	[dreg:$0x1a] =	wrdreg s26  }
0x21: {  	v2 =	vimm.f32 $1.000000000e+00;
	v3 =	vimm.s32 $0x0;
	v4 =	vlaneseq.u32;
	s21 =	sadd.s32 $0x4C000, s21;
	s25 =	simm.s32 $0x1800;
	[dreg:$0x14] =	wrdreg s15  }
0x22: {  	v5 =	vimm.s32 $0x2000;
	vm0 =	vcmask $0x3F3C;
	s26 =	simm.s32 $0x100;
	s22 =	simm.s32 $0x9800;
	[dreg:$0x16] =	wrdreg s21;
	v0 =	vmov s14  }
.LBB2_48:
0x23: {  	s16 =	simm.s32 $0x400;
	s7 =	simm.s32 $0x12B10;
	s15 =	simm.s32 $0x12F10  }
0x24: {  	[tilespmem:s15], [sflag:$0x1] =	stream.indirect.gather [spmem:s3], $0x1, s7, s16, $0xb8;
	[tilespmem:$0x1D798] =	vst v63  }
0x25: {  	_ =	swait.ge [sflag:s23], $0x400  }
0x26: {  	[sflag:s23] =	ssyncset.done $0x0  }
0x27: {  	s14 =	rddreg [dreg:$0x13];
	[sflag:s23] =	ssyncadd.s32 $0xFFFFFC00  }
0x28: {  	[hbm4b:s14+s5] =	stream.linear.scatter [tilespmem:s29], [sflag:$0x2], $0x400, $0x38;
	[tilespmem:$0x1D798] =	vst v63  }
0x29: {  	_ =	swait.ge [sflag:s10], $0x400  }
0x2a: {  	[sflag:s10] =	ssyncset.done $0x0  }
0x2b: {  	s7 =	rddreg [dreg:$0x14];
	[sflag:s10] =	ssyncadd.s32 $0xFFFFFC00  }
0x2c: {  	[hbm4b:s7+s5] =	stream.linear.scatter [tilespmem:s15], [sflag:$0x2], $0x400, $0x38;
	[tilespmem:$0x1D798] =	vst v63  }
0x2d: {  	_ =	swait.ge [sflag:s10], $0x400  }
0x2e: {  	s21 =	simm.s32 $0x11F10;
	[sflag:s10] =	ssyncset.done $0x0  }
0x2f: {  	s17 =	simm.s32 $0x12310;
	s15 =	rddreg [dreg:$0x9];
	[sflag:s10] =	ssyncadd.s32 $0xFFFFFC00  }
0x30: {  	[tilespmem:s17], [sflag:$0x1] =	stream.indirect.gather [hbm4b:s15+s16], $0x1, s21, s16, $0xb8;
	[tilespmem:$0x1D798] =	vst v63  }
0x31: {  	s7 =	simm.s32 $0x400;
	s14 =	rddreg [dreg:$0xb];
	s16 =	simm.s32 $0x12310  }
.LBB2_46:
0x32: {  	_ =	swait.ge [sflag:s23], $0x400  }
0x33: {  	[sflag:s23] =	ssyncset.done $0x0;
	s15 =	rddreg [dreg:$0xc]  }
0x34: {  	s14 =	sadd.s32 s14, s15;
	[sflag:s23] =	ssyncadd.s32 $0xFFFFFC00  }
0x35: {  	[hbm4b:s14+s5] =	stream.linear.scatter [tilespmem:s16], [sflag:$0x2], $0x400, $0x38;
	[tilespmem:$0x1D798] =	vst v63  }
0x36: {  	_ =	swait.ge [sflag:s10], $0x400  }
0x37: {  	s0 =	sadd.s32 $0x1, s0;
	s21 =	rddreg [dreg:$0x17]  }
0x38: {  	p1 =	sne.s32 s0, s21  }
.Ltmp1:
0x39: {  	_ = 	snop;
	(pc) =	sbr.rel @!p1 .LBB2_47-.Ltmp1, $3  }
0x3a: {  	_ =	sdelay $0x1  }
0x3b: {  	[sflag:s10] =	ssyncset.done $0x0  }
0x3c: {  	[sflag:s10] =	ssyncadd.s32 $0xFFFFFC00  }
.LBB2_1:
0x3d: {  	[tilespmem:$0x11900] =	vst v1  }
0x3e: {  	[tilespmem:$0x11910] =	vst v1  }
0x3f: {  	[tilespmem:$0x11920] =	vst v1  }
0x40: {  	[tilespmem:$0x11930] =	vst v1  }
0x41: {  	[tilespmem:$0x11940] =	vst v1  }
0x42: {  	[tilespmem:$0x11950] =	vst v1  }
0x43: {  	[tilespmem:$0x11960] =	vst v1  }
0x44: {  	[tilespmem:$0x11970] =	vst v1  }
0x45: {  	[tilespmem:$0x11980] =	vst v1  }
0x46: {  	[tilespmem:$0x11990] =	vst v1  }
0x47: {  	[tilespmem:$0x119A0] =	vst v1  }
0x48: {  	[tilespmem:$0x119B0] =	vst v1  }
0x49: {  	[tilespmem:$0x119C0] =	vst v1  }
0x4a: {  	[tilespmem:$0x119D0] =	vst v1  }
0x4b: {  	[tilespmem:$0x119E0] =	vst v1  }
0x4c: {  	[tilespmem:$0x119F0] =	vst v1  }
0x4d: {  	[tilespmem:$0x11A00] =	vst v1  }
0x4e: {  	[tilespmem:$0x11A10] =	vst v1  }
0x4f: {  	[tilespmem:$0x11A20] =	vst v1  }
0x50: {  	[tilespmem:$0x11A30] =	vst v1  }
0x51: {  	[tilespmem:$0x11A40] =	vst v1  }
0x52: {  	[tilespmem:$0x11A50] =	vst v1  }
0x53: {  	[tilespmem:$0x11A60] =	vst v1  }
0x54: {  	[tilespmem:$0x11A70] =	vst v1  }
0x55: {  	[tilespmem:$0x11A80] =	vst v1  }
0x56: {  	[tilespmem:$0x11A90] =	vst v1  }
0x57: {  	[tilespmem:$0x11AA0] =	vst v1  }
0x58: {  	[tilespmem:$0x11AB0] =	vst v1  }
0x59: {  	[tilespmem:$0x11AC0] =	vst v1  }
0x5a: {  	[tilespmem:$0x11AD0] =	vst v1  }
0x5b: {  	[tilespmem:$0x11AE0] =	vst v1  }
0x5c: {  	[tilespmem:$0x11AF0] =	vst v1  }
0x5d: {  	[tilespmem:$0x11B00] =	vst v1  }
0x5e: {  	[tilespmem:$0x11800] =	vst v2  }
0x5f: {  	[tilespmem:$0x11810] =	vst v2  }
0x60: {  	[tilespmem:$0x11820] =	vst v2  }
0x61: {  	[tilespmem:$0x11830] =	vst v2  }
0x62: {  	[tilespmem:$0x11840] =	vst v2  }
0x63: {  	[tilespmem:$0x11850] =	vst v2  }
0x64: {  	[tilespmem:$0x11860] =	vst v2  }
0x65: {  	[tilespmem:$0x11870] =	vst v2  }
0x66: {  	[tilespmem:$0x11880] =	vst v2  }
0x67: {  	[tilespmem:$0x11890] =	vst v2  }
0x68: {  	[tilespmem:$0x118A0] =	vst v2  }
0x69: {  	[tilespmem:$0x118B0] =	vst v2  }
0x6a: {  	[tilespmem:$0x118C0] =	vst v2  }
0x6b: {  	[tilespmem:$0x118D0] =	vst v2;
	s14 =	sand.u32 $0xFF00, s5  }
0x6c: {  	[tilespmem:$0x118E0] =	vst v2;
	s15 =	sand.u32 $0x30, s5;
	s16 =	sshrl.u32 s14, $0x2  }
0x6d: {  	[tilespmem:$0x118F0] =	vst v2;
	s14 =	simm.s32 $0x40;
	s16 =	sor.u32 s15, s16;
	s15 =	simm.s32 $0x0  }
.LBB2_2:
0x6e: {  	p1 =	sne.s32 s14, $0xFFC0  }
0x6f: {  	[tilespmem:s16+$0x5800] =	vst v1;
	s15 =	sadd.s32 $0x10, s15;
	s16 =	smov.u32 s14;
	s14 =	sadd.s32 $0x40, s14  }
.Ltmp2:
0x70: {  	(pc) =	sbr.rel @p1 .LBB2_2-.Ltmp2, $4  }
0x71: {  	_ = 	snop  }
0x72: {  	s16 =	sand.u32 $0xFF00, s16  }
0x73: {  	s17 =	sand.u32 $0x30, s15;
	s16 =	sshrl.u32 s16, $0x2  }
0x74: {  	s16 =	sor.u32 s17, s16  }
0x75: {  	[tilespmem:s16+$0x5800] =	vst v1;
	s14 =	rddreg [dreg:$0xd]  }
0x76: {  	[spmem:s14] =	stream.linear.scatter [tilespmem:s9], [sflag:$0x2], $0x4000, $0x38;
	[tilespmem:$0x1D798] =	vst v63  }
0x77: {  	_ =	swait.ge [sflag:s10], $0x4000  }
0x78: {  	[sflag:s10] =	ssyncset.done $0x0  }
0x79: {  	s16 =	rddreg [dreg:$0x19];
	[sflag:s10] =	ssyncadd.s32 $0xFFFFC000  }
0x7a: {  	[spmem:s16] =	stream.linear.scatter [tilespmem:s9], [sflag:$0x2], $0x4000, $0x38;
	[tilespmem:$0x1D798] =	vst v63  }
0x7b: {  	_ =	swait.ge [sflag:s10], $0x4000  }
0x7c: {  	[sflag:s10] =	ssyncset.done $0x0  }
0x7d: {  	s17 =	rddreg [dreg:$0x1a];
	[sflag:s10] =	ssyncadd.s32 $0xFFFFC000  }
0x7e: {  	[spmem:s17] =	stream.linear.scatter [tilespmem:s9], [sflag:$0x2], $0x200, $0x38;
	[tilespmem:$0x1D798] =	vst v63  }
0x7f: {  	_ =	swait.ge [sflag:s10], $0x200  }
0x80: {  	[sflag:s10] =	ssyncset.done $0x0  }
0x81: {  	s15 =	simm.s32 $0x11900;
	s21 =	rddreg [dreg:$0xe];
	[sflag:s10] =	ssyncadd.s32 $0xFFFFFE00  }
0x82: {  	[spmem:s21] =	stream.linear.scatter [tilespmem:s15], [sflag:$0x2], $0x208, $0x38;
	[tilespmem:$0x1D798] =	vst v63  }
0x83: {  	_ =	swait.ge [sflag:s10], $0x208  }
0x84: {  	s16 =	sshll.u32 s1, $0x6;
	[sflag:s10] =	ssyncset.done $0x0;
	s17 =	rddreg [dreg:$0xf]  }
0x85: {  	s14 =	sor.u32 $0x1C02, s16;
	s21 =	rddreg [dreg:$0x18];
	[sflag:s10] =	ssyncadd.s32 $0xFFFFFDF8  }
0x86: {  	[spmem:s21], [sflag:s14] =	dma.local [hbm:s17], $0x310  }
.Ltmp3:
0x87: {  	_ =	swait.ge [sflag:s10], $0x310;
	(pc) =	sbr.rel .LBB2_4-.Ltmp3, $4  }
0x88: {  	[sflag:s10] =	ssyncset.done $0x0  }
0x89: {  	[sflag:s10] =	ssyncadd.s32 $0xFFFFFCF0  }
0x8a: {  	[bflag:$0x0] =	sbarrier.arrive $0xFFFF  }
0x8b: {  	v6 =	vimm.s32 $0x0;
	s15 =	simm.s32 $0x0;
	s14 =	simm.s32 $0x0  }
.LBB2_13:
0x8c: {  	_ =	sdelay $0x4  }
0x8d: {  	s16 =	sshra.s32 s16, $0x2;
	[tilespmem:v8+s25+$0x0] =	vst.idx.msk vm1, v9  }
0x8e: {  	v8 =	vld [tilespmem:s16+$0x1000];
	_ =	sdelay $0x4  }
0x8f: {  	v8 =	vsub.s32 v8, v0  }
0x90: {  	vm1 =	vlt.u32 v8, $0x2000  }
0x91: {  	v62 =	vsel vm1, $0x1, v3  }
0x92: {  	(xrf0) =	vadd.scan.msk.s32 $0xffff, v62;
	_ =	sdelay $0x5  }
0x93: {  	v7 =	vadd.s32 $0xFFFFFFFF, v7;
	v9, _, _ =	vpop (xrf0)  }
0x94: {  	v7 =	vadd.s32 v9, v7  }
0x95: {  	v7 =	vand.u32 $0x1FFF, v7  }
0x96: {  	v63 =	vld [tilespmem:s16+$0x800];
	_ =	sdelay $0x2  }
0x97: {  	v10 =	vmpcnt.ones.xlane vm1  }
0x98: {  	[tilespmem:v7+s24+$0x0] =	vst.idx.msk vm1, v8  }
0x99: {  	v6 =	vadd.s32 v6, v10;
	[tilespmem:v7+s25+$0x0] =	vst.idx.msk vm1, v63  }
.LBB2_14:
0x9a: {  	s14 =	sadd.s32 $0x1, s14  }
0x9b: {  	p1 =	seq.s32 s14, $0x1F  }
.Ltmp4:
0x9c: {  	_ = 	snop;
	(pc) =	sbr.rel @p1 .LBB2_15-.Ltmp4, $1  }
0x9d: {  	_ =	sdelay $0x3  }
.LBB2_4:
0x9e: {  	s16 =	sshll.u32 s14, $0x4  }
0x9f: {  	s16 =	sor.u32 s1, s16  }
0xa0: {  	p1 =	sgt.u32 s16, $0x1E7  }
.Ltmp5:
0xa1: {  	_ = 	snop;
	(pc) =	sbr.rel @p1 .LBB2_10-.Ltmp5, $1  }
0xa2: {  	_ =	sdelay $0x3  }
0xa3: {  	s16 =	sshll.u32 s16, $0x8  }
0xa4: {  	s21 =	simm.s32 $0x0;
	s17 =	sadd.s32 s6, s16  }
0xa5: {  	[tilespmem:s21], [sflag:$0x2] =	stream.linear.gather [hbm4b:s17+s21], $0x800, $0x38;
	[tilespmem:$0x1D798] =	vst v63  }
0xa6: {  	_ =	swait.ge [sflag:s10], $0x800  }
0xa7: {  	[sflag:s10] =	ssyncset.done $0x0  }
0xa8: {  	s16 =	sadd.s32 s16, s20;
	[sflag:s10] =	ssyncadd.s32 $0xFFFFF800  }
0xa9: {  	[tilespmem:s12], [sflag:$0x2] =	stream.linear.gather [hbm4b:s16+s21], $0x800, $0x38;
	[tilespmem:$0x1D798] =	vst v63  }
0xaa: {  	_ =	swait.ge [sflag:s10], $0x800  }
0xab: {  	[sflag:s10] =	ssyncset.done $0x0  }
0xac: {  	[sflag:s10] =	ssyncadd.s32 $0xFFFFF800  }
0xad: {  	[tilespmem:s13], [sflag:$0x1] =	stream.indirect.gather [spmem:s4], $0x1, s21, s12, $0xb8;
	[tilespmem:$0x1D798] =	vst v63  }
0xae: {  	_ =	swait.ge [sflag:s23], $0x800  }
0xaf: {  	[sflag:s23] =	ssyncset.done $0x0  }
0xb0: {  	s21 =	simm.s32 $0x0;
	[sflag:s23] =	ssyncadd.s32 $0xFFFFF800  }
0xb1: {  	v7 =	vld [tilespmem:s21+$0x1000];
	_ =	sdelay $0x4  }
0xb2: {  	v7 =	vsub.s32 v7, v0  }
0xb3: {  	vm1 =	vlt.u32 v7, $0x2000  }
0xb4: {  	v8 =	vsel vm1, $0x1, v3  }
0xb5: {  	(xrf0) =	vadd.scan.msk.s32 $0xffff, v8;
	_ =	sdelay $0x5  }
0xb6: {  	v8 =	vadd.s32 $0xFFFFFFFF, v6;
	v9, _, _ =	vpop (xrf0)  }
0xb7: {  	v8 =	vadd.s32 v9, v8  }
0xb8: {  	v9 =	vmpcnt.ones.xlane vm1;
	v8 =	vand.u32 $0x1FFF, v8;
	_ =	sdelay $0x1  }
0xb9: {  	v6 =	vadd.s32 v6, v9;
	v9 =	vld [tilespmem:s21+$0x800];
	_ =	sdelay $0x2  }
0xba: {  	s17 =	simm.s32 $0x80;
	s16 =	simm.s32 $0x40;
	[tilespmem:v8+s24+$0x0] =	vst.idx.msk vm1, v7;
	v7 =	vmov v6  }
.LBB2_6:
0xbb: {  	p1 =	sne.s32 s17, $0x1FC0  }
0xbc: {  	s21 =	sshra.s32 s16, $0x2;
	[tilespmem:v8+s25+$0x0] =	vst.idx.msk vm1, v9;
	s16 =	smov.u32 s17;
	s17 =	sadd.s32 $0x40, s17  }
0xbd: {  	v8 =	vld [tilespmem:s21+$0x1000];
	_ =	sdelay $0x4  }
0xbe: {  	v10 =	vsub.s32 v8, v0  }
0xbf: {  	vm1 =	vlt.u32 v10, $0x2000  }
0xc0: {  	v8 =	vsel vm1, $0x1, v3;
	v9 =	vmpcnt.ones.xlane vm1  }
0xc1: {  	(xrf0) =	vadd.scan.msk.s32 $0xffff, v8  }
0xc2: {  	v6 =	vadd.s32 v6, v9;
	_ =	sdelay $0x4  }
0xc3: {  	v8 =	vadd.s32 $0xFFFFFFFF, v7;
	v7 =	vmov v6;
	v9, _, _ =	vpop (xrf0)  }
0xc4: {  	v8 =	vadd.s32 v9, v8  }
0xc5: {  	v8 =	vand.u32 $0x1FFF, v8  }
.Ltmp6:
0xc6: {  	v9 =	vld [tilespmem:s21+$0x800];
	(pc) =	sbr.rel @p1 .LBB2_6-.Ltmp6, $2  }
0xc7: {  	_ =	sdelay $0x2  }
0xc8: {  	[tilespmem:v8+s24+$0x0] =	vst.idx.msk vm1, v10  }
0xc9: {  	_ =	sdelay $0x4  }
0xca: {  	s16 =	sshra.s32 s16, $0x2;
	[tilespmem:v8+s25+$0x0] =	vst.idx.msk vm1, v9  }
0xcb: {  	v8 =	vld [tilespmem:s16+$0x1000];
	_ =	sdelay $0x4  }
0xcc: {  	v8 =	vsub.s32 v8, v0  }
0xcd: {  	vm1 =	vlt.u32 v8, $0x2000  }
0xce: {  	v62 =	vsel vm1, $0x1, v3  }
0xcf: {  	(xrf0) =	vadd.scan.msk.s32 $0xffff, v62;
	_ =	sdelay $0x5  }
0xd0: {  	v7 =	vadd.s32 $0xFFFFFFFF, v7;
	v9, _, _ =	vpop (xrf0)  }
0xd1: {  	v7 =	vadd.s32 v9, v7  }
0xd2: {  	v7 =	vand.u32 $0x1FFF, v7  }
0xd3: {  	v63 =	vld [tilespmem:s16+$0x800];
	_ =	sdelay $0x2  }
0xd4: {  	v10 =	vmpcnt.ones.xlane vm1  }
0xd5: {  	[tilespmem:v7+s24+$0x0] =	vst.idx.msk vm1, v8  }
0xd6: {  	s16 =	sshll.u32 s15, $0x8;
	v6 =	vadd.s32 v6, v10;
	[tilespmem:v7+s25+$0x0] =	vst.idx.msk vm1, v63  }
.LBB2_8:
0xd7: {  	v7 =	vmov s16  }
0xd8: {  	v7 =	vsub.s32 v6, v7  }
0xd9: {  	vm1 =	vgt.s32 v7, $0xFF  }
0xda: {  	v7 =	vsel vm1, $0x3F800000, v1  }
0xdb: {  	(xrf0) =	vmax.scan.msk.f32 $0xffff, v7;
	_ =	sdelay $0x5  }
0xdc: {  	v7, _, _ =	vpop (xrf0)  }
0xdd: {  	(v2sf) =	vpush v7, $0xF;
	_ =	sdelay $0xe  }
0xde: {  	s17 =	spop (v2sf)  }
0xdf: {  	p1 =	sgt.f32 s17, $0.0e+00  }
.Ltmp7:
0xe0: {  	_ = 	snop;
	(pc) =	sbr.rel @!p1 .LBB2_14-.Ltmp7, $1  }
0xe1: {  	_ =	sdelay $0x3  }
0xe2: {  	s17 =	sand.u32 $0x1F00, s16  }
0xe3: {  	s21 =	sadd.s32 $0x1800, s17  }
0xe4: {  	[tilespmem:s9], [sflag:$0x1] =	stream.indirect.gather [hbm4b:s11+s26], $0x40, s21, s26, $0xb8;
	[tilespmem:$0x1D798] =	vst v63  }
0xe5: {  	_ =	swait.ge [sflag:s23], $0x4000  }
0xe6: {  	[sflag:s23] =	ssyncset.done $0x0  }
0xe7: {  	s17 =	sadd.s32 $0x3800, s17;
	[sflag:s23] =	ssyncadd.s32 $0xFFFFC000  }
0xe8: {  	[spmem:s2] =	stream.indirect.scatter.add.f32 [tilespmem:s9], [sflag:$0x2], $0x40, s17, s26, $0xb8;
	[tilespmem:$0x1D798] =	vst v63  }
0xe9: {  	_ =	swait.ge [sflag:s10], $0x4000  }
0xea: {  	[sflag:s10] =	ssyncset.done $0x0  }
.Ltmp8:
0xeb: {  	[sflag:s10] =	ssyncadd.s32 $0xFFFFC000;
	(pc) =	sbr.rel .LBB2_8-.Ltmp8, $4  }
0xec: {  	[spmem:s3] =	stream.indirect.scatter.add.f32 [tilespmem:s28], [sflag:$0x2], $0x1, s17, s26, $0xb8;
	[tilespmem:$0x1D798] =	vst v63  }
0xed: {  	_ =	swait.ge [sflag:s10], $0x100  }
0xee: {  	[sflag:s10] =	ssyncset.done $0x0  }
0xef: {  	s15 =	sadd.s32 $0x1, s15;
	s16 =	sadd.s32 $0x100, s16;
	[sflag:s10] =	ssyncadd.s32 $0xFFFFFF00  }
.LBB2_10:
0xf0: {  	p1 =	sne.s32 s16, $0x1E8  }
.Ltmp9:
0xf1: {  	_ = 	snop;
	(pc) =	sbr.rel @p1 .LBB2_14-.Ltmp9, $1  }
0xf2: {  	_ =	sdelay $0x3  }
0xf3: {  	s16 =	simm.s32 $0x0  }
0xf4: {  	[tilespmem:s16], [sflag:$0x2] =	stream.linear.gather [hbm4b:s18+s16], $0x240, $0x38;
	[tilespmem:$0x1D798] =	vst v63  }
0xf5: {  	_ =	swait.ge [sflag:s10], $0x240  }
0xf6: {  	[sflag:s10] =	ssyncset.done $0x0  }
0xf7: {  	[sflag:s10] =	ssyncadd.s32 $0xFFFFFDC0  }
0xf8: {  	[tilespmem:s12], [sflag:$0x2] =	stream.linear.gather [hbm4b:s19+s16], $0x240, $0x38;
	[tilespmem:$0x1D798] =	vst v63  }
0xf9: {  	_ =	swait.ge [sflag:s10], $0x240  }
0xfa: {  	[sflag:s10] =	ssyncset.done $0x0  }
0xfb: {  	[sflag:s10] =	ssyncadd.s32 $0xFFFFFDC0  }
0xfc: {  	[tilespmem:s13], [sflag:$0x1] =	stream.indirect.gather [spmem:s4], $0x1, s16, s30, $0xb8;
	[tilespmem:$0x1D798] =	vst v63  }
0xfd: {  	_ =	swait.ge [sflag:s23], $0x240  }
0xfe: {  	[sflag:s23] =	ssyncset.done $0x0  }
0xff: {  	s21 =	simm.s32 $0x0;
	[sflag:s23] =	ssyncadd.s32 $0xFFFFFDC0  }
0x100: {  	v7 =	vld [tilespmem:s21+$0x1000];
	_ =	sdelay $0x4  }
0x101: {  	v7 =	vsub.s32 v7, v0  }
0x102: {  	vm1 =	vlt.u32 v7, $0x2000  }
0x103: {  	v8 =	vsel vm1, $0x1, v3  }
0x104: {  	(xrf0) =	vadd.scan.msk.s32 $0xffff, v8;
	_ =	sdelay $0x5  }
0x105: {  	v8 =	vadd.s32 $0xFFFFFFFF, v6;
	v9, _, _ =	vpop (xrf0)  }
0x106: {  	v8 =	vadd.s32 v9, v8  }
0x107: {  	v9 =	vmpcnt.ones.xlane vm1;
	v8 =	vand.u32 $0x1FFF, v8;
	_ =	sdelay $0x1  }
0x108: {  	v6 =	vadd.s32 v6, v9;
	v9 =	vld [tilespmem:s21+$0x800];
	_ =	sdelay $0x2  }
0x109: {  	s17 =	simm.s32 $0x80;
	s16 =	simm.s32 $0x40;
	[tilespmem:v8+s24+$0x0] =	vst.idx.msk vm1, v7;
	v7 =	vmov v6  }
.LBB2_12:
0x10a: {  	p1 =	sne.s32 s17, $0x8C0  }
0x10b: {  	s21 =	sshra.s32 s16, $0x2;
	[tilespmem:v8+s25+$0x0] =	vst.idx.msk vm1, v9;
	s16 =	smov.u32 s17;
	s17 =	sadd.s32 $0x40, s17  }
0x10c: {  	v8 =	vld [tilespmem:s21+$0x1000];
	_ =	sdelay $0x4  }
0x10d: {  	v10 =	vsub.s32 v8, v0  }
0x10e: {  	vm1 =	vlt.u32 v10, $0x2000  }
0x10f: {  	v8 =	vsel vm1, $0x1, v3;
	v9 =	vmpcnt.ones.xlane vm1  }
0x110: {  	(xrf0) =	vadd.scan.msk.s32 $0xffff, v8  }
0x111: {  	v6 =	vadd.s32 v6, v9;
	_ =	sdelay $0x4  }
0x112: {  	v8 =	vadd.s32 $0xFFFFFFFF, v7;
	v7 =	vmov v6;
	v9, _, _ =	vpop (xrf0)  }
0x113: {  	v8 =	vadd.s32 v9, v8  }
0x114: {  	v8 =	vand.u32 $0x1FFF, v8  }
.Ltmp10:
0x115: {  	v9 =	vld [tilespmem:s21+$0x800];
	(pc) =	sbr.rel @p1 .LBB2_12-.Ltmp10, $2  }
0x116: {  	_ =	sdelay $0x2  }
0x117: {  	[tilespmem:v8+s24+$0x0] =	vst.idx.msk vm1, v10  }
.Ltmp11:
0x118: {  	_ = 	snop;
	(pc) =	sbr.rel .LBB2_13-.Ltmp11, $1  }
0x119: {  	_ =	sdelay $0x3  }
.LBB2_15:
0x11a: {  	v7 =	vadd.s32 v4, v6;
	s14 =	simm.s32 $0x0  }
0x11b: {  	v9 =	vadd.s32 s14, v7  }
0x11c: {  	v8 =	vand.u32 $0x7, v7;
	v9 =	vand.u32 $0x1FF8, v9  }
0x11d: {  	s14 =	simm.s32 $0x10;
	v9 =	vor.u32 v8, v9  }
.LBB2_16:
0x11e: {  	p1 =	sne.s32 s14, $0xF0  }
.Ltmp12:
0x11f: {  	_ = 	snop;
	(pc) =	sbr.rel @p1 .LBB2_16-.Ltmp12, $4  }
0x120: {  	_ = 	snop  }
0x121: {  	v10 =	vadd.s32 s14, v7  }
0x122: {  	s14 =	sadd.s32 $0x10, s14;
	v10 =	vand.u32 $0x1FF8, v10;
	[tilespmem:v9+s24+$0x0] =	vst.idx.msk $0xffff, v5  }
0x123: {  	[tilespmem:v9+s25+$0x0] =	vst.idx.msk $0xffff, v3;
	v9 =	vor.u32 v8, v10  }
0x124: {  	_ =	sdelay $0x3  }
0x125: {  	[tilespmem:v9+s24+$0x0] =	vst.idx.msk $0xffff, v5  }
0x126: {  	s14 =	sshll.u32 s15, $0x8;
	[tilespmem:v9+s25+$0x0] =	vst.idx.msk $0xffff, v3  }
.LBB2_18:
0x127: {  	vm1 =	vgt.s32 v6, s14  }
0x128: {  	v7 =	vsel vm1, $0x3F800000, v1  }
0x129: {  	(xrf0) =	vmax.scan.msk.f32 $0xffff, v7;
	_ =	sdelay $0x5  }
0x12a: {  	v7, _, _ =	vpop (xrf0)  }
0x12b: {  	(v2sf) =	vpush v7, $0xF;
	_ =	sdelay $0xe  }
0x12c: {  	s15 =	spop (v2sf)  }
0x12d: {  	p1 =	sgt.f32 s15, $0.0e+00  }
.Ltmp13:
0x12e: {  	_ = 	snop;
	(pc) =	sbr.rel @!p1 .LBB2_20-.Ltmp13, $1  }
0x12f: {  	_ =	sdelay $0x3  }
0x130: {  	s15 =	sand.u32 $0x1F00, s14  }
0x131: {  	s16 =	sadd.s32 $0x1800, s15  }
0x132: {  	[tilespmem:s9], [sflag:$0x1] =	stream.indirect.gather [hbm4b:s11+s26], $0x40, s16, s26, $0xb8;
	[tilespmem:$0x1D798] =	vst v63  }
0x133: {  	_ =	swait.ge [sflag:s23], $0x4000  }
0x134: {  	[sflag:s23] =	ssyncset.done $0x0  }
0x135: {  	s15 =	sadd.s32 $0x3800, s15;
	[sflag:s23] =	ssyncadd.s32 $0xFFFFC000  }
0x136: {  	[spmem:s2] =	stream.indirect.scatter.add.f32 [tilespmem:s9], [sflag:$0x2], $0x40, s15, s26, $0xb8;
	[tilespmem:$0x1D798] =	vst v63  }
0x137: {  	_ =	swait.ge [sflag:s10], $0x4000  }
0x138: {  	[sflag:s10] =	ssyncset.done $0x0  }
.Ltmp14:
0x139: {  	[sflag:s10] =	ssyncadd.s32 $0xFFFFC000;
	(pc) =	sbr.rel .LBB2_18-.Ltmp14, $4  }
0x13a: {  	[spmem:s3] =	stream.indirect.scatter.add.f32 [tilespmem:s28], [sflag:$0x2], $0x1, s15, s26, $0xb8;
	[tilespmem:$0x1D798] =	vst v63  }
0x13b: {  	_ =	swait.ge [sflag:s10], $0x100  }
0x13c: {  	[sflag:s10] =	ssyncset.done $0x0  }
0x13d: {  	s14 =	sadd.s32 $0x100, s14;
	[sflag:s10] =	ssyncadd.s32 $0xFFFFFF00  }
.LBB2_20:
0x13e: {  	[bflag:$0x0] =	sbarrier.arrive $0xFFFF  }
0x13f: {  	s14 =	simm.s32 $0x0;
	s16 =	simm.s32 $0x11B10;
	s15 =	rddreg [dreg:$0x10]  }
0x140: {  	[tilespmem:s16], [sflag:$0x2] =	stream.linear.gather [hbm4b:s15+s14], $0x400, $0x38;
	[tilespmem:$0x1D798] =	vst v63  }
0x141: {  	_ =	swait.ge [sflag:s10], $0x400  }
0x142: {  	[sflag:s10] =	ssyncset.done $0x0  }
0x143: {  	s17 =	simm.s32 $0x11F10;
	s21 =	rddreg [dreg:$0x11];
	[sflag:s10] =	ssyncadd.s32 $0xFFFFFC00  }
0x144: {  	[tilespmem:s17], [sflag:$0x2] =	stream.linear.gather [hbm4b:s21+s14], $0x400, $0x38;
	[tilespmem:$0x1D798] =	vst v63  }
0x145: {  	_ =	swait.ge [sflag:s10], $0x400  }
0x146: {  	[sflag:s10] =	ssyncset.done $0x0  }
0x147: {  	s17 =	simm.s32 $0x12710;
	[sflag:s10] =	ssyncadd.s32 $0xFFFFFC00  }
0x148: {  	[tilespmem:s17], [sflag:$0x1] =	stream.indirect.gather [spmem:s4], $0x1, s16, s7, $0xb8;
	[tilespmem:$0x1D798] =	vst v63  }
0x149: {  	_ =	swait.ge [sflag:s23], $0x400  }
0x14a: {  	[sflag:s23] =	ssyncset.done $0x0  }
0x14b: {  	s14 =	simm.s32 $0x0;
	[sflag:s23] =	ssyncadd.s32 $0xFFFFFC00  }
0x14c: {  	s15 =	simm.s32 $0x40;
	s21 =	simm.s32 $0x11B10;
	v6 =	vld [tilespmem:s14+$0x12710]  }
.LBB2_21:
0x14d: {  	_ =	sdelay $0x1  }
0x14e: {  	p1 =	sne.s32 s15, $0xFC0  }
.Ltmp15:
0x14f: {  	_ = 	snop;
	(pc) =	sbr.rel @p1 .LBB2_21-.Ltmp15, $4  }
0x150: {  	v7 =	vsub.s32 v6, v0  }
0x151: {  	vm1 =	vlt.u32 v7, $0x2000  }
0x152: {  	s16 =	sshra.s32 s15, $0x2;
	v7 =	vnsel vm1, $0x2008, v7  }
0x153: {  	s15 =	sadd.s32 $0x40, s15;
	v6 =	vld [tilespmem:s16+$0x12710];
	[tilespmem:s14+$0x12B10] =	vst v7;
	s14 =	smov.u32 s16  }
0x154: {  	_ =	sdelay $0x3  }
0x155: {  	v6 =	vsub.s32 v6, v0  }
0x156: {  	vm1 =	vlt.u32 v6, $0x2000  }
0x157: {  	v6 =	vnsel vm1, $0x2008, v6  }
0x158: {  	s17 =	simm.s32 $0x11F10;
	[tilespmem:s14+$0x12B10] =	vst v6  }
0x159: {  	[tilespmem:s22], [sflag:$0x1] =	stream.indirect.gather [hbm4b:s8+s26], $0x40, s17, s26, $0xb8;
	[tilespmem:$0x1D798] =	vst v63  }
0x15a: {  	_ =	swait.ge [sflag:s23], $0x4000  }
0x15b: {  	[sflag:s23] =	ssyncset.done $0x0  }
0x15c: {  	s7 =	simm.s32 $0x12B10;
	[sflag:s23] =	ssyncadd.s32 $0xFFFFC000  }
0x15d: {  	[tilespmem:s9], [sflag:$0x1] =	stream.indirect.gather [spmem:s2], $0x40, s7, s26, $0xb8;
	[tilespmem:$0x1D798] =	vst v63  }
0x15e: {  	_ =	swait.ge [sflag:s23], $0x4000  }
0x15f: {  	[sflag:s23] =	ssyncset.done $0x0  }
0x160: {  	s15 =	simm.s32 $0x5820;
	[sflag:s23] =	ssyncadd.s32 $0xFFFFC000  }
0x161: {  	s17 =	simm.s32 $0x9820;
	v6 =	vld [tilespmem:s15+$0xFFFFFFE0]  }
0x162: {  	v7 =	vld [tilespmem:s17+$0xFFFFFFE0]  }
0x163: {  	v8 =	vld [tilespmem:s17+$0xFFFFFFF0]  }
0x164: {  	s16 =	simm.s32 $0x1;
	s14 =	simm.s32 $0x0;
	v9 =	vld [tilespmem:s15+$0xFFFFFFF0]  }
.LBB2_23:
0x165: {  	p1 =	sne.s32 s16, $0xFF;
	v10 =	vld [tilespmem:s17+$0x0]  }
0x166: {  	v11 =	vld [tilespmem:s15+$0x0]  }
0x167: {  	v12 =	vld [tilespmem:s17+$0x10]  }
0x168: {  	v13 =	vld [tilespmem:s15+$0x10]  }
0x169: {  	v6 =	vmul.f32 v6, v7;
	v7 =	vmul.f32 v9, v8;
	_ =	sdelay $0x1  }
0x16a: {  	v6 =	vadd.f32 v7, v6;
	v7 =	vmul.f32 v11, v10;
	_ =	sdelay $0x1  }
0x16b: {  	v6 =	vadd.f32 v7, v6;
	v7 =	vmul.f32 v13, v12;
	_ =	sdelay $0x1  }
0x16c: {  	v6 =	vadd.f32 v7, v6;
	_ =	sdelay $0x1  }
0x16d: {  	(xrf2) =	vadd.scan.msk.f32 $0xffff, v6;
	_ =	sdelay $0x5  }
0x16e: {  	v6 =	vmov s14;
	s14 =	smov.u32 s16;
	_ =	sdelay $0x3  }
0x16f: {  	v7, _, _ =	vpop (xrf2)  }
.Ltmp16:
0x170: {  	s15 =	sadd.s32 $0x40, s15;
	[tilespmem:v6+s29+$0x0] =	vst.idx.msk vm0, v7;
	(pc) =	sbr.rel @p1 .LBB2_23-.Ltmp16, $4  }
0x171: {  	s17 =	sadd.s32 $0x40, s17;
	v6 =	vld [tilespmem:s15+$0xFFFFFFE0]  }
0x172: {  	v7 =	vld [tilespmem:s17+$0xFFFFFFE0]  }
0x173: {  	v8 =	vld [tilespmem:s17+$0xFFFFFFF0]  }
0x174: {  	s16 =	sadd.s32 $0x1, s16;
	v9 =	vld [tilespmem:s15+$0xFFFFFFF0]  }
0x175: {  	v10 =	vld [tilespmem:s17+$0x0]  }
0x176: {  	v11 =	vld [tilespmem:s15+$0x0]  }
0x177: {  	v12 =	vld [tilespmem:s17+$0x10]  }
0x178: {  	v13 =	vld [tilespmem:s15+$0x10]  }
0x179: {  	v6 =	vmul.f32 v6, v7;
	v7 =	vmul.f32 v9, v8;
	_ =	sdelay $0x1  }
0x17a: {  	v6 =	vadd.f32 v7, v6;
	v7 =	vmul.f32 v11, v10;
	_ =	sdelay $0x1  }
0x17b: {  	v6 =	vadd.f32 v7, v6;
	v7 =	vmul.f32 v13, v12;
	_ =	sdelay $0x1  }
0x17c: {  	v6 =	vadd.f32 v7, v6;
	_ =	sdelay $0x1  }
0x17d: {  	(xrf2) =	vadd.scan.msk.f32 $0xffff, v6;
	_ =	sdelay $0x5  }
0x17e: {  	v6 =	vmov s14  }
.Ltmp17:
0x17f: {  	_ = 	snop;
	(pc) =	sbr.rel @p0 .LBB2_28-.Ltmp17, $3  }
0x180: {  	_ =	sdelay $0x1  }
0x181: {  	v7, _, _ =	vpop (xrf2)  }
0x182: {  	[tilespmem:v6+s29+$0x0] =	vst.idx.msk vm0, v7  }
0x183: {  	s7 =	rddreg [dreg:$0x1b];
	s14 =	simm.s32 $0xD800  }
0x184: {  	[tilespmem:s14], [sflag:$0x1] =	stream.indirect.gather [hbm4b:s7+s26], $0x40, s21, s26, $0xb8;
	[tilespmem:$0x1D798] =	vst v63  }
0x185: {  	_ =	swait.ge [sflag:s23], $0x4000  }
0x186: {  	[sflag:s23] =	ssyncset.done $0x0  }
0x187: {  	s15 =	simm.s32 $0xD820;
	[sflag:s23] =	ssyncadd.s32 $0xFFFFC000  }
0x188: {  	s17 =	simm.s32 $0x9820;
	v6 =	vld [tilespmem:s15+$0xFFFFFFE0]  }
0x189: {  	v7 =	vld [tilespmem:s17+$0xFFFFFFE0]  }
0x18a: {  	v8 =	vld [tilespmem:s17+$0xFFFFFFF0]  }
0x18b: {  	s16 =	simm.s32 $0x1;
	s14 =	simm.s32 $0x0;
	v9 =	vld [tilespmem:s15+$0xFFFFFFF0]  }
.LBB2_26:
0x18c: {  	p1 =	sne.s32 s16, $0xFF;
	v10 =	vld [tilespmem:s17+$0x0]  }
0x18d: {  	v11 =	vld [tilespmem:s15+$0x0]  }
0x18e: {  	v12 =	vld [tilespmem:s17+$0x10]  }
0x18f: {  	v13 =	vld [tilespmem:s15+$0x10]  }
0x190: {  	v6 =	vmul.f32 v6, v7;
	v7 =	vmul.f32 v9, v8;
	_ =	sdelay $0x1  }
0x191: {  	v6 =	vadd.f32 v7, v6;
	v7 =	vmul.f32 v11, v10;
	_ =	sdelay $0x1  }
0x192: {  	v6 =	vadd.f32 v7, v6;
	v7 =	vmul.f32 v13, v12;
	_ =	sdelay $0x1  }
0x193: {  	v6 =	vadd.f32 v7, v6;
	_ =	sdelay $0x1  }
0x194: {  	(xrf2) =	vadd.scan.msk.f32 $0xffff, v6;
	_ =	sdelay $0x5  }
0x195: {  	v6 =	vmov s14;
	s14 =	smov.u32 s16;
	_ =	sdelay $0x3  }
0x196: {  	v7, _, _ =	vpop (xrf2)  }
.Ltmp18:
0x197: {  	s15 =	sadd.s32 $0x40, s15;
	[tilespmem:v6+s31+$0x0] =	vst.idx.msk vm0, v7;
	(pc) =	sbr.rel @p1 .LBB2_26-.Ltmp18, $4  }
0x198: {  	s17 =	sadd.s32 $0x40, s17;
	v6 =	vld [tilespmem:s15+$0xFFFFFFE0]  }
0x199: {  	v7 =	vld [tilespmem:s17+$0xFFFFFFE0]  }
0x19a: {  	v8 =	vld [tilespmem:s17+$0xFFFFFFF0]  }
0x19b: {  	s16 =	sadd.s32 $0x1, s16;
	v9 =	vld [tilespmem:s15+$0xFFFFFFF0]  }
0x19c: {  	v10 =	vld [tilespmem:s17+$0x0]  }
0x19d: {  	v11 =	vld [tilespmem:s15+$0x0]  }
0x19e: {  	v12 =	vld [tilespmem:s17+$0x10]  }
0x19f: {  	v13 =	vld [tilespmem:s15+$0x10]  }
0x1a0: {  	v6 =	vmul.f32 v6, v7;
	v7 =	vmul.f32 v9, v8;
	_ =	sdelay $0x1  }
0x1a1: {  	v6 =	vadd.f32 v7, v6;
	v7 =	vmul.f32 v11, v10;
	_ =	sdelay $0x1  }
0x1a2: {  	v6 =	vadd.f32 v7, v6;
	v7 =	vmul.f32 v13, v12;
	_ =	sdelay $0x1  }
0x1a3: {  	v6 =	vadd.f32 v7, v6;
	_ =	sdelay $0x1  }
0x1a4: {  	(xrf2) =	vadd.scan.msk.f32 $0xffff, v6;
	_ =	sdelay $0x5  }
0x1a5: {  	v6 =	vmov s14;
	_ =	sdelay $0x3  }
0x1a6: {  	v7, _, _ =	vpop (xrf2)  }
0x1a7: {  	[tilespmem:v6+s31+$0x0] =	vst.idx.msk vm0, v7  }
.LBB2_28:
0x1a8: {  	s14 =	simm.s32 $0x100;
	s7 =	simm.s32 $0x12010  }
0x1a9: {  	[tilespmem:s22], [sflag:$0x1] =	stream.indirect.gather [hbm4b:s8+s14], $0x40, s7, s14, $0xb8;
	[tilespmem:$0x1D798] =	vst v63  }
0x1aa: {  	_ =	swait.ge [sflag:s23], $0x4000  }
0x1ab: {  	[sflag:s23] =	ssyncset.done $0x0  }
0x1ac: {  	s17 =	simm.s32 $0x12C10;
	[sflag:s23] =	ssyncadd.s32 $0xFFFFC000  }
0x1ad: {  	[tilespmem:s9], [sflag:$0x1] =	stream.indirect.gather [spmem:s2], $0x40, s17, s14, $0xb8;
	[tilespmem:$0x1D798] =	vst v63  }
0x1ae: {  	_ =	swait.ge [sflag:s23], $0x4000  }
0x1af: {  	[sflag:s23] =	ssyncset.done $0x0  }
0x1b0: {  	s15 =	simm.s32 $0x5820;
	[sflag:s23] =	ssyncadd.s32 $0xFFFFC000  }
0x1b1: {  	s17 =	simm.s32 $0x9820;
	v6 =	vld [tilespmem:s15+$0xFFFFFFE0]  }
0x1b2: {  	v7 =	vld [tilespmem:s17+$0xFFFFFFE0]  }
0x1b3: {  	v8 =	vld [tilespmem:s17+$0xFFFFFFF0]  }
0x1b4: {  	s16 =	simm.s32 $0x101;
	v9 =	vld [tilespmem:s15+$0xFFFFFFF0]  }
.LBB2_29:
0x1b5: {  	p1 =	sne.s32 s16, $0x1FF;
	v10 =	vld [tilespmem:s17+$0x0]  }
0x1b6: {  	v11 =	vld [tilespmem:s15+$0x0]  }
0x1b7: {  	v12 =	vld [tilespmem:s17+$0x10]  }
0x1b8: {  	v13 =	vld [tilespmem:s15+$0x10]  }
0x1b9: {  	v6 =	vmul.f32 v6, v7;
	v7 =	vmul.f32 v9, v8;
	_ =	sdelay $0x1  }
0x1ba: {  	v6 =	vadd.f32 v7, v6;
	v7 =	vmul.f32 v11, v10;
	_ =	sdelay $0x1  }
0x1bb: {  	v6 =	vadd.f32 v7, v6;
	v7 =	vmul.f32 v13, v12;
	_ =	sdelay $0x1  }
0x1bc: {  	v6 =	vadd.f32 v7, v6;
	_ =	sdelay $0x1  }
0x1bd: {  	(xrf2) =	vadd.scan.msk.f32 $0xffff, v6;
	_ =	sdelay $0x5  }
0x1be: {  	v6 =	vmov s14;
	s14 =	smov.u32 s16;
	_ =	sdelay $0x3  }
0x1bf: {  	v7, _, _ =	vpop (xrf2)  }
.Ltmp19:
0x1c0: {  	s15 =	sadd.s32 $0x40, s15;
	[tilespmem:v6+s29+$0x0] =	vst.idx.msk vm0, v7;
	(pc) =	sbr.rel @p1 .LBB2_29-.Ltmp19, $4  }
0x1c1: {  	s17 =	sadd.s32 $0x40, s17;
	v6 =	vld [tilespmem:s15+$0xFFFFFFE0]  }
0x1c2: {  	v7 =	vld [tilespmem:s17+$0xFFFFFFE0]  }
0x1c3: {  	v8 =	vld [tilespmem:s17+$0xFFFFFFF0]  }
0x1c4: {  	s16 =	sadd.s32 $0x1, s16;
	v9 =	vld [tilespmem:s15+$0xFFFFFFF0]  }
0x1c5: {  	v10 =	vld [tilespmem:s17+$0x0]  }
0x1c6: {  	v11 =	vld [tilespmem:s15+$0x0]  }
0x1c7: {  	v12 =	vld [tilespmem:s17+$0x10]  }
0x1c8: {  	v13 =	vld [tilespmem:s15+$0x10]  }
0x1c9: {  	v6 =	vmul.f32 v6, v7;
	v7 =	vmul.f32 v9, v8;
	_ =	sdelay $0x1  }
0x1ca: {  	v6 =	vadd.f32 v7, v6;
	v7 =	vmul.f32 v11, v10;
	_ =	sdelay $0x1  }
0x1cb: {  	v6 =	vadd.f32 v7, v6;
	v7 =	vmul.f32 v13, v12;
	_ =	sdelay $0x1  }
0x1cc: {  	v6 =	vadd.f32 v7, v6;
	_ =	sdelay $0x1  }
0x1cd: {  	(xrf2) =	vadd.scan.msk.f32 $0xffff, v6;
	_ =	sdelay $0x5  }
0x1ce: {  	v6 =	vmov s14  }
.Ltmp20:
0x1cf: {  	_ = 	snop;
	(pc) =	sbr.rel @p0 .LBB2_34-.Ltmp20, $3  }
0x1d0: {  	_ =	sdelay $0x1  }
0x1d1: {  	v7, _, _ =	vpop (xrf2)  }
0x1d2: {  	[tilespmem:v6+s29+$0x0] =	vst.idx.msk vm0, v7  }
0x1d3: {  	s14 =	simm.s32 $0x100  }
0x1d4: {  	s7 =	rddreg [dreg:$0x1b];
	s15 =	simm.s32 $0xD800;
	s16 =	simm.s32 $0x11C10  }
0x1d5: {  	[tilespmem:s15], [sflag:$0x1] =	stream.indirect.gather [hbm4b:s7+s14], $0x40, s16, s14, $0xb8;
	[tilespmem:$0x1D798] =	vst v63  }
0x1d6: {  	_ =	swait.ge [sflag:s23], $0x4000  }
0x1d7: {  	[sflag:s23] =	ssyncset.done $0x0  }
0x1d8: {  	s15 =	simm.s32 $0xD820;
	[sflag:s23] =	ssyncadd.s32 $0xFFFFC000  }
0x1d9: {  	s17 =	simm.s32 $0x9820;
	v6 =	vld [tilespmem:s15+$0xFFFFFFE0]  }
0x1da: {  	v7 =	vld [tilespmem:s17+$0xFFFFFFE0]  }
0x1db: {  	v8 =	vld [tilespmem:s17+$0xFFFFFFF0]  }
0x1dc: {  	s16 =	simm.s32 $0x101;
	v9 =	vld [tilespmem:s15+$0xFFFFFFF0]  }
.LBB2_32:
0x1dd: {  	p1 =	sne.s32 s16, $0x1FF;
	v10 =	vld [tilespmem:s17+$0x0]  }
0x1de: {  	v11 =	vld [tilespmem:s15+$0x0]  }
0x1df: {  	v12 =	vld [tilespmem:s17+$0x10]  }
0x1e0: {  	v13 =	vld [tilespmem:s15+$0x10]  }
0x1e1: {  	v6 =	vmul.f32 v6, v7;
	v7 =	vmul.f32 v9, v8;
	_ =	sdelay $0x1  }
0x1e2: {  	v6 =	vadd.f32 v7, v6;
	v7 =	vmul.f32 v11, v10;
	_ =	sdelay $0x1  }
0x1e3: {  	v6 =	vadd.f32 v7, v6;
	v7 =	vmul.f32 v13, v12;
	_ =	sdelay $0x1  }
0x1e4: {  	v6 =	vadd.f32 v7, v6;
	_ =	sdelay $0x1  }
0x1e5: {  	(xrf2) =	vadd.scan.msk.f32 $0xffff, v6;
	_ =	sdelay $0x5  }
0x1e6: {  	v6 =	vmov s14;
	s14 =	smov.u32 s16;
	_ =	sdelay $0x3  }
0x1e7: {  	v7, _, _ =	vpop (xrf2)  }
.Ltmp21:
0x1e8: {  	s15 =	sadd.s32 $0x40, s15;
	[tilespmem:v6+s31+$0x0] =	vst.idx.msk vm0, v7;
	(pc) =	sbr.rel @p1 .LBB2_32-.Ltmp21, $4  }
0x1e9: {  	s17 =	sadd.s32 $0x40, s17;
	v6 =	vld [tilespmem:s15+$0xFFFFFFE0]  }
0x1ea: {  	v7 =	vld [tilespmem:s17+$0xFFFFFFE0]  }
0x1eb: {  	v8 =	vld [tilespmem:s17+$0xFFFFFFF0]  }
0x1ec: {  	s16 =	sadd.s32 $0x1, s16;
	v9 =	vld [tilespmem:s15+$0xFFFFFFF0]  }
0x1ed: {  	v10 =	vld [tilespmem:s17+$0x0]  }
0x1ee: {  	v11 =	vld [tilespmem:s15+$0x0]  }
0x1ef: {  	v12 =	vld [tilespmem:s17+$0x10]  }
0x1f0: {  	v13 =	vld [tilespmem:s15+$0x10]  }
0x1f1: {  	v6 =	vmul.f32 v6, v7;
	v7 =	vmul.f32 v9, v8;
	_ =	sdelay $0x1  }
0x1f2: {  	v6 =	vadd.f32 v7, v6;
	v7 =	vmul.f32 v11, v10;
	_ =	sdelay $0x1  }
0x1f3: {  	v6 =	vadd.f32 v7, v6;
	v7 =	vmul.f32 v13, v12;
	_ =	sdelay $0x1  }
0x1f4: {  	v6 =	vadd.f32 v7, v6;
	_ =	sdelay $0x1  }
0x1f5: {  	(xrf2) =	vadd.scan.msk.f32 $0xffff, v6;
	_ =	sdelay $0x5  }
0x1f6: {  	v6 =	vmov s14;
	_ =	sdelay $0x3  }
0x1f7: {  	v7, _, _ =	vpop (xrf2)  }
0x1f8: {  	[tilespmem:v6+s31+$0x0] =	vst.idx.msk vm0, v7  }
.LBB2_34:
0x1f9: {  	s7 =	simm.s32 $0x12110  }
0x1fa: {  	[tilespmem:s22], [sflag:$0x1] =	stream.indirect.gather [hbm4b:s8+s26], $0x40, s7, s26, $0xb8;
	[tilespmem:$0x1D798] =	vst v63  }
0x1fb: {  	_ =	swait.ge [sflag:s23], $0x4000  }
0x1fc: {  	[sflag:s23] =	ssyncset.done $0x0  }
0x1fd: {  	s17 =	simm.s32 $0x12D10;
	[sflag:s23] =	ssyncadd.s32 $0xFFFFC000  }
0x1fe: {  	[tilespmem:s9], [sflag:$0x1] =	stream.indirect.gather [spmem:s2], $0x40, s17, s26, $0xb8;
	[tilespmem:$0x1D798] =	vst v63  }
0x1ff: {  	_ =	swait.ge [sflag:s23], $0x4000  }
0x200: {  	[sflag:s23] =	ssyncset.done $0x0  }
0x201: {  	s15 =	simm.s32 $0x5820;
	[sflag:s23] =	ssyncadd.s32 $0xFFFFC000  }
0x202: {  	s17 =	simm.s32 $0x9820;
	v6 =	vld [tilespmem:s15+$0xFFFFFFE0]  }
0x203: {  	v7 =	vld [tilespmem:s17+$0xFFFFFFE0]  }
0x204: {  	v8 =	vld [tilespmem:s17+$0xFFFFFFF0]  }
0x205: {  	s14 =	simm.s32 $0x200;
	s16 =	simm.s32 $0x201;
	v9 =	vld [tilespmem:s15+$0xFFFFFFF0]  }
.LBB2_35:
0x206: {  	p1 =	sne.s32 s16, $0x2FF;
	v10 =	vld [tilespmem:s17+$0x0]  }
0x207: {  	v11 =	vld [tilespmem:s15+$0x0]  }
0x208: {  	v12 =	vld [tilespmem:s17+$0x10]  }
0x209: {  	v13 =	vld [tilespmem:s15+$0x10]  }
0x20a: {  	v6 =	vmul.f32 v6, v7;
	v7 =	vmul.f32 v9, v8;
	_ =	sdelay $0x1  }
0x20b: {  	v6 =	vadd.f32 v7, v6;
	v7 =	vmul.f32 v11, v10;
	_ =	sdelay $0x1  }
0x20c: {  	v6 =	vadd.f32 v7, v6;
	v7 =	vmul.f32 v13, v12;
	_ =	sdelay $0x1  }
0x20d: {  	v6 =	vadd.f32 v7, v6;
	_ =	sdelay $0x1  }
0x20e: {  	(xrf2) =	vadd.scan.msk.f32 $0xffff, v6;
	_ =	sdelay $0x5  }
0x20f: {  	v6 =	vmov s14;
	s14 =	smov.u32 s16;
	_ =	sdelay $0x3  }
0x210: {  	v7, _, _ =	vpop (xrf2)  }
.Ltmp22:
0x211: {  	s15 =	sadd.s32 $0x40, s15;
	[tilespmem:v6+s29+$0x0] =	vst.idx.msk vm0, v7;
	(pc) =	sbr.rel @p1 .LBB2_35-.Ltmp22, $4  }
0x212: {  	s17 =	sadd.s32 $0x40, s17;
	v6 =	vld [tilespmem:s15+$0xFFFFFFE0]  }
0x213: {  	v7 =	vld [tilespmem:s17+$0xFFFFFFE0]  }
0x214: {  	v8 =	vld [tilespmem:s17+$0xFFFFFFF0]  }
0x215: {  	s16 =	sadd.s32 $0x1, s16;
	v9 =	vld [tilespmem:s15+$0xFFFFFFF0]  }
0x216: {  	v10 =	vld [tilespmem:s17+$0x0]  }
0x217: {  	v11 =	vld [tilespmem:s15+$0x0]  }
0x218: {  	v12 =	vld [tilespmem:s17+$0x10]  }
0x219: {  	v13 =	vld [tilespmem:s15+$0x10]  }
0x21a: {  	v6 =	vmul.f32 v6, v7;
	v7 =	vmul.f32 v9, v8;
	_ =	sdelay $0x1  }
0x21b: {  	v6 =	vadd.f32 v7, v6;
	v7 =	vmul.f32 v11, v10;
	_ =	sdelay $0x1  }
0x21c: {  	v6 =	vadd.f32 v7, v6;
	v7 =	vmul.f32 v13, v12;
	_ =	sdelay $0x1  }
0x21d: {  	v6 =	vadd.f32 v7, v6;
	_ =	sdelay $0x1  }
0x21e: {  	(xrf2) =	vadd.scan.msk.f32 $0xffff, v6;
	_ =	sdelay $0x5  }
0x21f: {  	v6 =	vmov s14  }
.Ltmp23:
0x220: {  	_ = 	snop;
	(pc) =	sbr.rel @p0 .LBB2_40-.Ltmp23, $3  }
0x221: {  	_ =	sdelay $0x1  }
0x222: {  	v7, _, _ =	vpop (xrf2)  }
0x223: {  	[tilespmem:v6+s29+$0x0] =	vst.idx.msk vm0, v7  }
0x224: {  	s7 =	rddreg [dreg:$0x1b];
	s14 =	simm.s32 $0xD800;
	s15 =	simm.s32 $0x11D10  }
0x225: {  	[tilespmem:s14], [sflag:$0x1] =	stream.indirect.gather [hbm4b:s7+s26], $0x40, s15, s26, $0xb8;
	[tilespmem:$0x1D798] =	vst v63  }
0x226: {  	_ =	swait.ge [sflag:s23], $0x4000  }
0x227: {  	[sflag:s23] =	ssyncset.done $0x0  }
0x228: {  	s15 =	simm.s32 $0xD820;
	[sflag:s23] =	ssyncadd.s32 $0xFFFFC000  }
0x229: {  	s17 =	simm.s32 $0x9820;
	v6 =	vld [tilespmem:s15+$0xFFFFFFE0]  }
0x22a: {  	v7 =	vld [tilespmem:s17+$0xFFFFFFE0]  }
0x22b: {  	v8 =	vld [tilespmem:s17+$0xFFFFFFF0]  }
0x22c: {  	s16 =	simm.s32 $0x201;
	s14 =	simm.s32 $0x200;
	v9 =	vld [tilespmem:s15+$0xFFFFFFF0]  }
.LBB2_38:
0x22d: {  	p1 =	sne.s32 s16, $0x2FF;
	v10 =	vld [tilespmem:s17+$0x0]  }
0x22e: {  	v11 =	vld [tilespmem:s15+$0x0]  }
0x22f: {  	v12 =	vld [tilespmem:s17+$0x10]  }
0x230: {  	v13 =	vld [tilespmem:s15+$0x10]  }
0x231: {  	v6 =	vmul.f32 v6, v7;
	v7 =	vmul.f32 v9, v8;
	_ =	sdelay $0x1  }
0x232: {  	v6 =	vadd.f32 v7, v6;
	v7 =	vmul.f32 v11, v10;
	_ =	sdelay $0x1  }
0x233: {  	v6 =	vadd.f32 v7, v6;
	v7 =	vmul.f32 v13, v12;
	_ =	sdelay $0x1  }
0x234: {  	v6 =	vadd.f32 v7, v6;
	_ =	sdelay $0x1  }
0x235: {  	(xrf2) =	vadd.scan.msk.f32 $0xffff, v6;
	_ =	sdelay $0x5  }
0x236: {  	v6 =	vmov s14;
	s14 =	smov.u32 s16;
	_ =	sdelay $0x3  }
0x237: {  	v7, _, _ =	vpop (xrf2)  }
.Ltmp24:
0x238: {  	s15 =	sadd.s32 $0x40, s15;
	[tilespmem:v6+s31+$0x0] =	vst.idx.msk vm0, v7;
	(pc) =	sbr.rel @p1 .LBB2_38-.Ltmp24, $4  }
0x239: {  	s17 =	sadd.s32 $0x40, s17;
	v6 =	vld [tilespmem:s15+$0xFFFFFFE0]  }
0x23a: {  	v7 =	vld [tilespmem:s17+$0xFFFFFFE0]  }
0x23b: {  	v8 =	vld [tilespmem:s17+$0xFFFFFFF0]  }
0x23c: {  	s16 =	sadd.s32 $0x1, s16;
	v9 =	vld [tilespmem:s15+$0xFFFFFFF0]  }
0x23d: {  	v10 =	vld [tilespmem:s17+$0x0]  }
0x23e: {  	v11 =	vld [tilespmem:s15+$0x0]  }
0x23f: {  	v12 =	vld [tilespmem:s17+$0x10]  }
0x240: {  	v13 =	vld [tilespmem:s15+$0x10]  }
0x241: {  	v6 =	vmul.f32 v6, v7;
	v7 =	vmul.f32 v9, v8;
	_ =	sdelay $0x1  }
0x242: {  	v6 =	vadd.f32 v7, v6;
	v7 =	vmul.f32 v11, v10;
	_ =	sdelay $0x1  }
0x243: {  	v6 =	vadd.f32 v7, v6;
	v7 =	vmul.f32 v13, v12;
	_ =	sdelay $0x1  }
0x244: {  	v6 =	vadd.f32 v7, v6;
	_ =	sdelay $0x1  }
0x245: {  	(xrf2) =	vadd.scan.msk.f32 $0xffff, v6;
	_ =	sdelay $0x5  }
0x246: {  	v6 =	vmov s14;
	_ =	sdelay $0x3  }
0x247: {  	v7, _, _ =	vpop (xrf2)  }
0x248: {  	[tilespmem:v6+s31+$0x0] =	vst.idx.msk vm0, v7  }
.LBB2_40:
0x249: {  	s7 =	simm.s32 $0x12210  }
0x24a: {  	[tilespmem:s22], [sflag:$0x1] =	stream.indirect.gather [hbm4b:s8+s26], $0x40, s7, s26, $0xb8;
	[tilespmem:$0x1D798] =	vst v63  }
0x24b: {  	_ =	swait.ge [sflag:s23], $0x4000  }
0x24c: {  	[sflag:s23] =	ssyncset.done $0x0  }
0x24d: {  	s17 =	simm.s32 $0x12E10;
	[sflag:s23] =	ssyncadd.s32 $0xFFFFC000  }
0x24e: {  	[tilespmem:s9], [sflag:$0x1] =	stream.indirect.gather [spmem:s2], $0x40, s17, s26, $0xb8;
	[tilespmem:$0x1D798] =	vst v63  }
0x24f: {  	_ =	swait.ge [sflag:s23], $0x4000  }
0x250: {  	[sflag:s23] =	ssyncset.done $0x0  }
0x251: {  	s15 =	simm.s32 $0x5820;
	[sflag:s23] =	ssyncadd.s32 $0xFFFFC000  }
0x252: {  	s17 =	simm.s32 $0x9820;
	v6 =	vld [tilespmem:s15+$0xFFFFFFE0]  }
0x253: {  	v7 =	vld [tilespmem:s17+$0xFFFFFFE0]  }
0x254: {  	v8 =	vld [tilespmem:s17+$0xFFFFFFF0]  }
0x255: {  	s14 =	simm.s32 $0x300;
	s16 =	simm.s32 $0x301;
	v9 =	vld [tilespmem:s15+$0xFFFFFFF0]  }
.LBB2_41:
0x256: {  	p1 =	sne.s32 s16, $0x3FF;
	v10 =	vld [tilespmem:s17+$0x0]  }
0x257: {  	v11 =	vld [tilespmem:s15+$0x0]  }
0x258: {  	v12 =	vld [tilespmem:s17+$0x10]  }
0x259: {  	v13 =	vld [tilespmem:s15+$0x10]  }
0x25a: {  	v6 =	vmul.f32 v6, v7;
	v7 =	vmul.f32 v9, v8;
	_ =	sdelay $0x1  }
0x25b: {  	v6 =	vadd.f32 v7, v6;
	v7 =	vmul.f32 v11, v10;
	_ =	sdelay $0x1  }
0x25c: {  	v6 =	vadd.f32 v7, v6;
	v7 =	vmul.f32 v13, v12;
	_ =	sdelay $0x1  }
0x25d: {  	v6 =	vadd.f32 v7, v6;
	_ =	sdelay $0x1  }
0x25e: {  	(xrf2) =	vadd.scan.msk.f32 $0xffff, v6;
	_ =	sdelay $0x5  }
0x25f: {  	v6 =	vmov s14;
	s14 =	smov.u32 s16;
	_ =	sdelay $0x3  }
0x260: {  	v7, _, _ =	vpop (xrf2)  }
.Ltmp25:
0x261: {  	s15 =	sadd.s32 $0x40, s15;
	[tilespmem:v6+s29+$0x0] =	vst.idx.msk vm0, v7;
	(pc) =	sbr.rel @p1 .LBB2_41-.Ltmp25, $4  }
0x262: {  	s17 =	sadd.s32 $0x40, s17;
	v6 =	vld [tilespmem:s15+$0xFFFFFFE0]  }
0x263: {  	v7 =	vld [tilespmem:s17+$0xFFFFFFE0]  }
0x264: {  	v8 =	vld [tilespmem:s17+$0xFFFFFFF0]  }
0x265: {  	s16 =	sadd.s32 $0x1, s16;
	v9 =	vld [tilespmem:s15+$0xFFFFFFF0]  }
0x266: {  	v10 =	vld [tilespmem:s17+$0x0]  }
0x267: {  	v11 =	vld [tilespmem:s15+$0x0]  }
0x268: {  	v12 =	vld [tilespmem:s17+$0x10]  }
0x269: {  	v13 =	vld [tilespmem:s15+$0x10]  }
0x26a: {  	v6 =	vmul.f32 v6, v7;
	v7 =	vmul.f32 v9, v8;
	_ =	sdelay $0x1  }
0x26b: {  	v6 =	vadd.f32 v7, v6;
	v7 =	vmul.f32 v11, v10;
	_ =	sdelay $0x1  }
0x26c: {  	v6 =	vadd.f32 v7, v6;
	v7 =	vmul.f32 v13, v12;
	_ =	sdelay $0x1  }
0x26d: {  	v6 =	vadd.f32 v7, v6;
	_ =	sdelay $0x1  }
0x26e: {  	(xrf2) =	vadd.scan.msk.f32 $0xffff, v6;
	_ =	sdelay $0x5  }
0x26f: {  	v6 =	vmov s14  }
.Ltmp26:
0x270: {  	_ = 	snop;
	(pc) =	sbr.rel @p0 .LBB2_48-.Ltmp26, $3  }
0x271: {  	_ =	sdelay $0x1  }
0x272: {  	v7, _, _ =	vpop (xrf2)  }
0x273: {  	[tilespmem:v6+s29+$0x0] =	vst.idx.msk vm0, v7  }
0x274: {  	s7 =	rddreg [dreg:$0x1b];
	s14 =	simm.s32 $0xD800;
	s15 =	simm.s32 $0x11E10  }
0x275: {  	[tilespmem:s14], [sflag:$0x1] =	stream.indirect.gather [hbm4b:s7+s26], $0x40, s15, s26, $0xb8;
	[tilespmem:$0x1D798] =	vst v63  }
0x276: {  	_ =	swait.ge [sflag:s23], $0x4000  }
0x277: {  	[sflag:s23] =	ssyncset.done $0x0  }
0x278: {  	s15 =	simm.s32 $0xD820;
	[sflag:s23] =	ssyncadd.s32 $0xFFFFC000  }
0x279: {  	s17 =	simm.s32 $0x9820;
	v6 =	vld [tilespmem:s15+$0xFFFFFFE0]  }
0x27a: {  	v7 =	vld [tilespmem:s17+$0xFFFFFFE0]  }
0x27b: {  	v8 =	vld [tilespmem:s17+$0xFFFFFFF0]  }
0x27c: {  	s16 =	simm.s32 $0x301;
	s14 =	simm.s32 $0x300;
	v9 =	vld [tilespmem:s15+$0xFFFFFFF0]  }
.LBB2_44:
0x27d: {  	p1 =	seq.s32 s16, $0x3FF;
	v10 =	vld [tilespmem:s17+$0x0]  }
0x27e: {  	v11 =	vld [tilespmem:s15+$0x0]  }
0x27f: {  	v12 =	vld [tilespmem:s17+$0x10]  }
0x280: {  	v13 =	vld [tilespmem:s15+$0x10]  }
0x281: {  	v6 =	vmul.f32 v6, v7;
	v7 =	vmul.f32 v9, v8;
	_ =	sdelay $0x1  }
0x282: {  	v6 =	vadd.f32 v7, v6;
	v7 =	vmul.f32 v11, v10;
	_ =	sdelay $0x1  }
0x283: {  	v6 =	vadd.f32 v7, v6;
	v7 =	vmul.f32 v13, v12;
	_ =	sdelay $0x1  }
0x284: {  	v6 =	vadd.f32 v7, v6;
	_ =	sdelay $0x1  }
0x285: {  	(xrf2) =	vadd.scan.msk.f32 $0xffff, v6;
	_ =	sdelay $0x5  }
0x286: {  	v6 =	vmov s14;
	s14 =	smov.u32 s16;
	_ =	sdelay $0x3  }
0x287: {  	v7, _, _ =	vpop (xrf2)  }
.Ltmp27:
0x288: {  	s15 =	sadd.s32 $0x40, s15;
	[tilespmem:v6+s31+$0x0] =	vst.idx.msk vm0, v7;
	(pc) =	sbr.rel @!p1 .LBB2_44-.Ltmp27, $4  }
0x289: {  	s17 =	sadd.s32 $0x40, s17;
	v6 =	vld [tilespmem:s15+$0xFFFFFFE0]  }
0x28a: {  	v7 =	vld [tilespmem:s17+$0xFFFFFFE0]  }
0x28b: {  	v8 =	vld [tilespmem:s17+$0xFFFFFFF0]  }
0x28c: {  	s16 =	sadd.s32 $0x1, s16;
	v9 =	vld [tilespmem:s15+$0xFFFFFFF0]  }
0x28d: {  	v10 =	vld [tilespmem:s17+$0x0]  }
0x28e: {  	v11 =	vld [tilespmem:s15+$0x0]  }
0x28f: {  	v12 =	vld [tilespmem:s17+$0x10]  }
0x290: {  	v13 =	vld [tilespmem:s15+$0x10]  }
0x291: {  	v6 =	vmul.f32 v6, v7;
	v7 =	vmul.f32 v9, v8;
	_ =	sdelay $0x1  }
0x292: {  	v6 =	vadd.f32 v7, v6;
	v7 =	vmul.f32 v11, v10;
	_ =	sdelay $0x1  }
0x293: {  	v6 =	vadd.f32 v7, v6;
	v7 =	vmul.f32 v13, v12;
	_ =	sdelay $0x1  }
0x294: {  	v6 =	vadd.f32 v7, v6;
	_ =	sdelay $0x1  }
0x295: {  	(xrf2) =	vadd.scan.msk.f32 $0xffff, v6;
	_ =	sdelay $0x5  }
0x296: {  	v6 =	vmov s14;
	_ =	sdelay $0x3  }
0x297: {  	v7, _, _ =	vpop (xrf2)  }
0x298: {  	s15 =	simm.s32 $0x400;
	s7 =	simm.s32 $0x12B10;
	s16 =	simm.s32 $0x12F10;
	[tilespmem:v6+s31+$0x0] =	vst.idx.msk vm0, v7  }
0x299: {  	[tilespmem:s16], [sflag:$0x1] =	stream.indirect.gather [spmem:s3], $0x1, s7, s15, $0xb8;
	[tilespmem:$0x1D798] =	vst v63  }
0x29a: {  	_ =	swait.ge [sflag:s23], $0x400  }
0x29b: {  	[sflag:s23] =	ssyncset.done $0x0  }
0x29c: {  	s7 =	rddreg [dreg:$0x15];
	[sflag:s23] =	ssyncadd.s32 $0xFFFFFC00  }
0x29d: {  	[hbm4b:s7+s5] =	stream.linear.scatter [tilespmem:s29], [sflag:$0x2], $0x400, $0x38;
	[tilespmem:$0x1D798] =	vst v63  }
0x29e: {  	_ =	swait.ge [sflag:s10], $0x400  }
0x29f: {  	[sflag:s10] =	ssyncset.done $0x0  }
0x2a0: {  	s17 =	rddreg [dreg:$0x12];
	[sflag:s10] =	ssyncadd.s32 $0xFFFFFC00  }
0x2a1: {  	[hbm4b:s17+s5] =	stream.linear.scatter [tilespmem:s31], [sflag:$0x2], $0x400, $0x38;
	[tilespmem:$0x1D798] =	vst v63  }
0x2a2: {  	_ =	swait.ge [sflag:s10], $0x400  }
0x2a3: {  	[sflag:s10] =	ssyncset.done $0x0  }
0x2a4: {  	s7 =	rddreg [dreg:$0x16];
	[sflag:s10] =	ssyncadd.s32 $0xFFFFFC00  }
0x2a5: {  	[hbm4b:s7+s5] =	stream.linear.scatter [tilespmem:s16], [sflag:$0x2], $0x400, $0x38;
	[tilespmem:$0x1D798] =	vst v63  }
.Ltmp28:
0x2a6: {  	_ = 	snop;
	(pc) =	sbr.rel .LBB2_46-.Ltmp28, $4  }
0x2a7: {  	_ =	swait.ge [sflag:s10], $0x400  }
0x2a8: {  	s7 =	simm.s32 $0x400;
	[sflag:s10] =	ssyncset.done $0x0;
	s17 =	rddreg [dreg:$0x8]  }
0x2a9: {  	s16 =	simm.s32 $0x12310;
	s14 =	rddreg [dreg:$0xa];
	[sflag:s10] =	ssyncadd.s32 $0xFFFFFC00  }
0x2aa: {  	[tilespmem:s16], [sflag:$0x1] =	stream.indirect.gather [hbm4b:s17+s15], $0x1, s21, s15, $0xb8;
	[tilespmem:$0x1D798] =	vst v63  }
.LBB2_47:
0x2ab: {  	_ =	sfence.sel $0x180000  }
0x2ac: {  	[bflag:$0x0] =	sbarrier.arrive $0xFFFF  }
0x2ad: {  	_ =	strace $0x9000004A  }
0x2ae: {  	[bflag:$0x2] =	sbarrier.arrive $0xFFFF  }
0x2af: {  	p0 =	sne.s32 s1, $0x0;
	s0 =	rddreg [dreg:$0x7]  }
0x2b0: {  	s0 =	sadd.s32 @!p0 $0x100000, s0  }
0x2b1: {  	[sflag:s0] =	ssyncadd.tile.s32 @!p0 $0x1;
	_ =	shalt  }
.Lfunc_end2:
_tile_overlayer_lowered:
.L_overlay_start_2:
0x2b2: {  	(tag) =	ssettag $0x2  }
0x2b3: {  	s0 =	rddreg [dreg:$0x0];
	s2 =	stileid.u32  }
0x2b4: {  	s1 =	rddreg [dreg:$0x1];
	p0 =	sne.s32 s2, $0x0  }
0x2b5: {  	s3 =	rddreg [dreg:$0x2];
	[bflag:$0x3] =	sbarrier.arrive $0xFFFF;
	s2 =	simm.s32 @!p0 $0x1C02  }
0x2b6: {  	[timem:s3], [sflag:s2] =	dma.local @!p0 [hbm:s0], s1  }
0x2b7: {  	s0 =	simm.s32 @!p0 $0x2  }
0x2b8: {  	_ =	swait.ge @!p0 [sflag:s0], s1  }
0x2b9: {  	s1 =	ssub.s32 @!p0 $0x0, s1;
	[sflag:s0] =	ssyncset.done @!p0 $0x0  }
0x2ba: {  	[sflag:s0] =	ssyncadd.s32 @!p0 s1  }
0x2bb: {  	[bflag:$0x3] =	sbarrier.arrive $0xFFFF  }
0x2bc: {  	_ =	shalt  }

</sc_bundles>
